<compile_context>
chip_gen: v7x
topology: tpu7x:2x2x1
jax: 0.10.2.dev20260603
libtpu: 0.0.44.dev20260713+nightly
codegen_flags: <defaults>
</compile_context>

<pallas_src>
import jax
import jax.numpy as jnp
from jax import lax
from jax.experimental import pallas as pl
from jax.experimental.pallas import tpu as pltpu
from jax.experimental.pallas import tpu_sc as plsc

B = 16384
N = 256
L = 16
NV = N // L
NC = 2
NS = 16
NW = NC * NS
ROWS_PER_W = B // NW
CHUNK = 16
NCHUNK = ROWS_PER_W // CHUNK


def _sort_row_regs(keys, payloads):
    kk = list(keys)
    vv = list(payloads)
    for j in range(NV):
        desc = (j % 2 == 0) if NV > 1 else True
        kk[j], vv[j] = plsc.sort_key_val(kk[j], vv[j], descending=desc)
    s = 1
    while s < NV:
        for t in range(NV // (2 * s)):
            a = t * 2 * s
            desc = (t % 2 == 0) or (2 * s == NV)
            mk = kk[a:a + 2 * s]
            mv = vv[a:a + 2 * s]
            d = s
            while d >= 1:
                for i in range(2 * s):
                    if i % (2 * d) < d:
                        if desc:
                            swap = mk[i] < mk[i + d]
                            first_k = jnp.maximum(mk[i], mk[i + d])
                            second_k = jnp.minimum(mk[i], mk[i + d])
                        else:
                            swap = mk[i] > mk[i + d]
                            first_k = jnp.minimum(mk[i], mk[i + d])
                            second_k = jnp.maximum(mk[i], mk[i + d])
                        first_v = jnp.where(swap, mv[i + d], mv[i])
                        second_v = jnp.where(swap, mv[i], mv[i + d])
                        mk[i], mk[i + d] = first_k, second_k
                        mv[i], mv[i + d] = first_v, second_v
                d //= 2
            for i in range(2 * s):
                mk[i], mv[i] = plsc.sort_key_val(mk[i], mv[i], descending=desc)
            kk[a:a + 2 * s] = mk
            vv[a:a + 2 * s] = mv
        s *= 2
    return kk, vv


def _sc_body(in_hbm, map_hbm, idx_out_hbm, val_out_hbm,
             map_v, in_v, ido_v, vao_v, sin, sout):
    wid = lax.axis_index("s") * NC + lax.axis_index("c")
    base_row = wid * ROWS_PER_W
    pltpu.sync_copy(map_hbm, map_v)
    mp = [map_v[pl.ds(j * L, L)] for j in range(NV)]

    def start_in(c, pb):
        pltpu.async_copy(
            in_hbm.at[pl.ds(base_row + c * CHUNK, CHUNK)],
            in_v.at[pl.ds(pb * CHUNK, CHUNK)], sin)

    def start_out(c, pb):
        pltpu.async_copy(
            ido_v.at[pl.ds(pb * CHUNK, CHUNK)],
            idx_out_hbm.at[pl.ds(base_row + c * CHUNK, CHUNK)], sout)
        pltpu.async_copy(
            vao_v.at[pl.ds(pb * CHUNK, CHUNK)],
            val_out_hbm.at[pl.ds(base_row + c * CHUNK, CHUNK)], sout)

    def drain_in():
        pltpu.make_async_copy(
            in_hbm.at[pl.ds(0, CHUNK)], in_v.at[pl.ds(0, CHUNK)], sin).wait()

    def drain_out():
        pltpu.make_async_copy(
            ido_v.at[pl.ds(0, CHUNK)], idx_out_hbm.at[pl.ds(0, CHUNK)],
            sout).wait()
        pltpu.make_async_copy(
            vao_v.at[pl.ds(0, CHUNK)], val_out_hbm.at[pl.ds(0, CHUNK)],
            sout).wait()

    start_in(0, 0)

    def chunk_body(c, carry):
        pb = lax.rem(c, 2)
        drain_in()

        @pl.when(c + 1 < NCHUNK)
        def _():
            start_in(c + 1, 1 - pb)

        @pl.when(c >= 2)
        def _():
            drain_out()

        row0 = pb * CHUNK

        @plsc.parallel_loop(0, CHUNK, step=1, unroll=4)
        def _(r):
            rr = row0 + r
            keys = [in_v[rr, pl.ds(j * L, L)] for j in range(NV)]
            kk, vv = _sort_row_regs(keys, mp)
            for j in range(NV):
                vao_v[rr, pl.ds(j * L, L)] = kk[j]
                ido_v[rr, pl.ds(j * L, L)] = vv[j]
        start_out(c, pb)
        return carry

    lax.fori_loop(0, NCHUNK, chunk_body, 0)
    drain_out()
    drain_out()


@jax.jit
def _mapper(inp, map_arr):
    mesh = plsc.VectorSubcoreMesh(
        core_axis_name="c", subcore_axis_name="s",
        num_cores=NC, num_subcores=NS)
    fn = pl.kernel(
        _sc_body,
        out_type=(
            jax.ShapeDtypeStruct((B, N), jnp.int32),
            jax.ShapeDtypeStruct((B, N), jnp.float32),
        ),
        mesh=mesh,
        scratch_types=(
            pltpu.VMEM((N,), jnp.int32),
            pltpu.VMEM((2 * CHUNK, N), jnp.float32),
            pltpu.VMEM((2 * CHUNK, N), jnp.int32),
            pltpu.VMEM((2 * CHUNK, N), jnp.float32),
            pltpu.SemaphoreType.DMA,
            pltpu.SemaphoreType.DMA,
        ),
        compiler_params=pltpu.CompilerParams(needs_layout_passes=False),
    )
    return fn(inp, map_arr)


def kernel(input, map_arr):
    return _mapper(input, map_arr)

# --- scband reference (transcript-rebuilt; emitter-appended) ---
"""Pipeline reference for scband-mapper-81235011436806 (READ-ONLY COPY).

The authoritative reference and input builder live on the scoring server;
editing this copy changes nothing except your own understanding.
"""

import jax, jax.numpy as jnp
import numpy as np

B = 16384
N = 256

def setup_inputs(seed: int = 0) -> dict:
    key = jax.random.key(seed)
    inp = jax.random.normal(key, (B, N), dtype=jnp.float32)
    map_arr = jnp.arange(N, dtype=jnp.int32)
    return {"input": inp, "map_arr": map_arr}

def reference(input, map_arr):
    # tf.argsort(input, direction='DESCENDING') over last axis
    sorted_i = jnp.flip(jnp.argsort(input, axis=-1), axis=-1)
    # tf.gather(input, sorted_i, batch_dims=1)
    values = jnp.take_along_axis(input, sorted_i, axis=-1)
    # tf.gather(map, sorted_i) -> gather 1-D map with [B, N] indices -> [B, N]
    indexes = jnp.take(map_arr, sorted_i, axis=0)
    return (indexes, values)

if __name__ == "__main__":
    import jax
    _d = setup_inputs()
    print(jax.jit(kernel)(*tuple(_d.values())))

</pallas_src>

<mosaic_0001>
#map = affine_map<(d0, d1) -> (0, 0)>
#map1 = affine_map<(d0, d1) -> (0)>
module attributes {stable_mosaic.version = 14 : i64} {
  func.func @_sc_body(%arg0: i32, %arg1: i32, %arg2: memref<16384x256xf32, #tpu.memory_space<hbm>>, %arg3: memref<256xi32, #tpu.memory_space<hbm>>, %arg4: memref<16384x256xi32, #tpu.memory_space<hbm>>, %arg5: memref<16384x256xf32, #tpu.memory_space<hbm>>, %arg6: memref<256xi32, #tpu.memory_space<vmem>>, %arg7: memref<32x256xf32, #tpu.memory_space<vmem>>, %arg8: memref<32x256xi32, #tpu.memory_space<vmem>>, %arg9: memref<32x256xf32, #tpu.memory_space<vmem>>, %arg10: memref<!tpu.dma_semaphore, #tpu.memory_space<semaphore_mem>>, %arg11: memref<!tpu.dma_semaphore, #tpu.memory_space<semaphore_mem>>) attributes {dimension_semantics = [#tpu.dimension_semantics<core_parallel>, #tpu.dimension_semantics<subcore_parallel>], iteration_bounds = array<i64: 2, 16>, scalar_prefetch = 0 : i64, scratch_operands = 6 : i64, tpu.core_type = #tpu.core_type<sc_vector_subcore>, window_params = [{transform_indices = #map}, {transform_indices = #map1}, {transform_indices = #map}, {transform_indices = #map}]} {
    %mul3A = arith.constant 2 : i32
    %mul3A_0 = arith.muli %arg1, %mul3A : i32
    %add3A = arith.addi %mul3A_0, %arg0 : i32
    %mul3A_1 = arith.constant 512 : i32
    %mul3A_2 = arith.muli %add3A, %mul3A_1 : i32
    "tpu.region"() ({
      %run_scoped3A = tpu.sem_alloc : memref<!tpu.dma_semaphore, #tpu.memory_space<semaphore_mem>>
      tpu.enqueue_dma source(%arg3 : memref<256xi32, #tpu.memory_space<hbm>>) target(%arg6 : memref<256xi32, #tpu.memory_space<vmem>>) target_semaphore(%run_scoped3A : memref<!tpu.dma_semaphore, #tpu.memory_space<semaphore_mem>>)
      tpu.wait_dma2 semaphore(%run_scoped3A : memref<!tpu.dma_semaphore, #tpu.memory_space<semaphore_mem>>) src(%arg3 : memref<256xi32, #tpu.memory_space<hbm>>) dst(%arg6 : memref<256xi32, #tpu.memory_space<vmem>>)
      tpu.yield
    }) : () -> ()
    %get3A = arith.constant 0 : index
    %get3A_3 = tpu.vector_load %arg6[%get3A] {strides = array<i32>} : memref<256xi32, #tpu.memory_space<vmem>>, vector<16xi32>,
    %get3A_4 = arith.constant 16 : index
    %get3A_5 = tpu.vector_load %arg6[%get3A_4] {strides = array<i32>} : memref<256xi32, #tpu.memory_space<vmem>>, vector<16xi32>,
    %get3A_6 = arith.constant 32 : index
    %get3A_7 = tpu.vector_load %arg6[%get3A_6] {strides = array<i32>} : memref<256xi32, #tpu.memory_space<vmem>>, vector<16xi32>,
    %get3A_8 = arith.constant 48 : index
    %get3A_9 = tpu.vector_load %arg6[%get3A_8] {strides = array<i32>} : memref<256xi32, #tpu.memory_space<vmem>>, vector<16xi32>,
    %get3A_10 = arith.constant 64 : index
    %get3A_11 = tpu.vector_load %arg6[%get3A_10] {strides = array<i32>} : memref<256xi32, #tpu.memory_space<vmem>>, vector<16xi32>,
    %get3A_12 = arith.constant 80 : index
    %get3A_13 = tpu.vector_load %arg6[%get3A_12] {strides = array<i32>} : memref<256xi32, #tpu.memory_space<vmem>>, vector<16xi32>,
    %get3A_14 = arith.constant 96 : index
    %get3A_15 = tpu.vector_load %arg6[%get3A_14] {strides = array<i32>} : memref<256xi32, #tpu.memory_space<vmem>>, vector<16xi32>,
    %get3A_16 = arith.constant 112 : index
    %get3A_17 = tpu.vector_load %arg6[%get3A_16] {strides = array<i32>} : memref<256xi32, #tpu.memory_space<vmem>>, vector<16xi32>,
    %get3A_18 = arith.constant 128 : index
    %get3A_19 = tpu.vector_load %arg6[%get3A_18] {strides = array<i32>} : memref<256xi32, #tpu.memory_space<vmem>>, vector<16xi32>,
    %get3A_20 = arith.constant 144 : index
    %get3A_21 = tpu.vector_load %arg6[%get3A_20] {strides = array<i32>} : memref<256xi32, #tpu.memory_space<vmem>>, vector<16xi32>,
    %get3A_22 = arith.constant 160 : index
    %get3A_23 = tpu.vector_load %arg6[%get3A_22] {strides = array<i32>} : memref<256xi32, #tpu.memory_space<vmem>>, vector<16xi32>,
    %get3A_24 = arith.constant 176 : index
    %get3A_25 = tpu.vector_load %arg6[%get3A_24] {strides = array<i32>} : memref<256xi32, #tpu.memory_space<vmem>>, vector<16xi32>,
    %get3A_26 = arith.constant 192 : index
    %get3A_27 = tpu.vector_load %arg6[%get3A_26] {strides = array<i32>} : memref<256xi32, #tpu.memory_space<vmem>>, vector<16xi32>,
    %get3A_28 = arith.constant 208 : index
    %get3A_29 = tpu.vector_load %arg6[%get3A_28] {strides = array<i32>} : memref<256xi32, #tpu.memory_space<vmem>>, vector<16xi32>,
    %get3A_30 = arith.constant 224 : index
    %get3A_31 = tpu.vector_load %arg6[%get3A_30] {strides = array<i32>} : memref<256xi32, #tpu.memory_space<vmem>>, vector<16xi32>,
    %get3A_32 = arith.constant 240 : index
    %get3A_33 = tpu.vector_load %arg6[%get3A_32] {strides = array<i32>} : memref<256xi32, #tpu.memory_space<vmem>>, vector<16xi32>,
    %add3A_34 = arith.constant 0 : i32
    %add3A_35 = arith.addi %mul3A_2, %add3A_34 : i32
    %dma_start3A = arith.constant 0 : i32
    %dma_start3A_36 = arith.constant 0 : i32
    %dma_start3A_37 = tpu.memref_slice %arg7[%dma_start3A, %dma_start3A_36] : memref<32x256xf32, #tpu.memory_space<vmem>> -> memref<16x256xf32, #tpu.memory_space<vmem>>
    %dma_start3A_38 = arith.constant 0 : i32
    %dma_start3A_39 = tpu.memref_slice %arg2[%add3A_35, %dma_start3A_38] : memref<16384x256xf32, #tpu.memory_space<hbm>> -> memref<16x256xf32, #tpu.memory_space<hbm>>
    %dma_start3A_40 = arith.constant 0 : i32
    %dma_start3A_41 = arith.constant 0 : i32
    %dma_start3A_42 = tpu.memref_slice %arg7[%dma_start3A_40, %dma_start3A_41] : memref<32x256xf32, #tpu.memory_space<vmem>> -> memref<16x256xf32, #tpu.memory_space<vmem>>
    %dma_start3A_43 = arith.constant 0 : i32
    %dma_start3A_44 = tpu.memref_slice %arg2[%add3A_35, %dma_start3A_43] : memref<16384x256xf32, #tpu.memory_space<hbm>> -> memref<16x256xf32, #tpu.memory_space<hbm>>
    tpu.enqueue_dma source(%dma_start3A_44 : memref<16x256xf32, #tpu.memory_space<hbm>>) target(%dma_start3A_42 : memref<16x256xf32, #tpu.memory_space<vmem>>) target_semaphore(%arg10 : memref<!tpu.dma_semaphore, #tpu.memory_space<semaphore_mem>>)
    %scan3A = arith.constant 0 : i32
    %scan3A_45 = arith.constant 0 : i32
    %scan3A_46 = arith.constant 32 : i32
    %scan3A_47 = arith.addi %scan3A_45, %scan3A_46 : i32
    %scan3A_48 = arith.constant 1 : i32
    scf.for %scan3A_97 = %scan3A_45 to %scan3A_47 step %scan3A_48  : i32 {
      %rem3A = arith.constant 2 : i32
      %rem3A_98 = arith.remsi %scan3A_97, %rem3A : i32
      %dma_wait3A_99 = arith.constant 0 : i32
      %dma_wait3A_100 = arith.constant 0 : i32
      %dma_wait3A_101 = tpu.memref_slice %arg7[%dma_wait3A_99, %dma_wait3A_100] : memref<32x256xf32, #tpu.memory_space<vmem>> -> memref<16x256xf32, #tpu.memory_space<vmem>>
      %dma_wait3A_102 = arith.constant 0 : i32
      %dma_wait3A_103 = arith.constant 0 : i32
      %dma_wait3A_104 = tpu.memref_slice %arg2[%dma_wait3A_102, %dma_wait3A_103] : memref<16384x256xf32, #tpu.memory_space<hbm>> -> memref<16x256xf32, #tpu.memory_space<hbm>>
      %dma_wait3A_105 = arith.constant 0 : i32
      %dma_wait3A_106 = arith.constant 0 : i32
      %dma_wait3A_107 = tpu.memref_slice %arg7[%dma_wait3A_105, %dma_wait3A_106] : memref<32x256xf32, #tpu.memory_space<vmem>> -> memref<16x256xf32, #tpu.memory_space<vmem>>
      %dma_wait3A_108 = arith.constant 0 : i32
      %dma_wait3A_109 = arith.constant 0 : i32
      %dma_wait3A_110 = tpu.memref_slice %arg2[%dma_wait3A_108, %dma_wait3A_109] : memref<16384x256xf32, #tpu.memory_space<hbm>> -> memref<16x256xf32, #tpu.memory_space<hbm>>
      tpu.wait_dma2 semaphore(%arg10 : memref<!tpu.dma_semaphore, #tpu.memory_space<semaphore_mem>>) src(%dma_wait3A_110 : memref<16x256xf32, #tpu.memory_space<hbm>>) dst(%dma_wait3A_107 : memref<16x256xf32, #tpu.memory_space<vmem>>)
      %add3A_111 = arith.constant 1 : i32
      %add3A_112 = arith.addi %scan3A_97, %add3A_111 : i32
      %lt3A = arith.constant 32 : i32
      %lt3A_113 = arith.cmpi slt, %add3A_112, %lt3A : i32
      %convert_element_type3A = arith.extui %lt3A_113 : i1 to i32
      %cond3A = arith.constant 0 : i32
      %cond3A_114 = arith.cmpi ne, %convert_element_type3A, %cond3A : i32
      scf.if %cond3A_114 {
        %add3A_149 = arith.constant 1 : i32
        %add3A_150 = arith.addi %scan3A_97, %add3A_149 : i32
        %sub3A = arith.constant 1 : i32
        %sub3A_151 = arith.subi %sub3A, %rem3A_98 : i32
        %mul3A_152 = arith.constant 16 : i32
        %mul3A_153 = arith.muli %add3A_150, %mul3A_152 : i32
        %add3A_154 = arith.addi %mul3A_2, %mul3A_153 : i32
        %mul3A_155 = arith.constant 16 : i32
        %mul3A_156 = arith.muli %sub3A_151, %mul3A_155 : i32
        %dma_start3A_157 = arith.constant 0 : i32
        %dma_start3A_158 = tpu.memref_slice %arg7[%mul3A_156, %dma_start3A_157] : memref<32x256xf32, #tpu.memory_space<vmem>> -> memref<16x256xf32, #tpu.memory_space<vmem>>
        %dma_start3A_159 = arith.constant 0 : i32
        %dma_start3A_160 = tpu.memref_slice %arg2[%add3A_154, %dma_start3A_159] : memref<16384x256xf32, #tpu.memory_space<hbm>> -> memref<16x256xf32, #tpu.memory_space<hbm>>
        %dma_start3A_161 = arith.constant 0 : i32
        %dma_start3A_162 = tpu.memref_slice %arg7[%mul3A_156, %dma_start3A_161] : memref<32x256xf32, #tpu.memory_space<vmem>> -> memref<16x256xf32, #tpu.memory_space<vmem>>
        %dma_start3A_163 = arith.constant 0 : i32
        %dma_start3A_164 = tpu.memref_slice %arg2[%add3A_154, %dma_start3A_163] : memref<16384x256xf32, #tpu.memory_space<hbm>> -> memref<16x256xf32, #tpu.memory_space<hbm>>
        tpu.enqueue_dma source(%dma_start3A_164 : memref<16x256xf32, #tpu.memory_space<hbm>>) target(%dma_start3A_162 : memref<16x256xf32, #tpu.memory_space<vmem>>) target_semaphore(%arg10 : memref<!tpu.dma_semaphore, #tpu.memory_space<semaphore_mem>>)
      } else {
      }
      %ge3A = arith.constant 2 : i32
      %ge3A_115 = arith.cmpi sge, %scan3A_97, %ge3A : i32
      %convert_element_type3A_116 = arith.extui %ge3A_115 : i1 to i32
      %cond3A_117 = arith.constant 0 : i32
      %cond3A_118 = arith.cmpi ne, %convert_element_type3A_116, %cond3A_117 : i32
      scf.if %cond3A_118 {
        %dma_wait3A_149 = arith.constant 0 : i32
        %dma_wait3A_150 = arith.constant 0 : i32
        %dma_wait3A_151 = tpu.memref_slice %arg8[%dma_wait3A_149, %dma_wait3A_150] : memref<32x256xi32, #tpu.memory_space<vmem>> -> memref<16x256xi32, #tpu.memory_space<vmem>>
        %dma_wait3A_152 = arith.constant 0 : i32
        %dma_wait3A_153 = arith.constant 0 : i32
        %dma_wait3A_154 = tpu.memref_slice %arg4[%dma_wait3A_152, %dma_wait3A_153] : memref<16384x256xi32, #tpu.memory_space<hbm>> -> memref<16x256xi32, #tpu.memory_space<hbm>>
        %dma_wait3A_155 = arith.constant 0 : i32
        %dma_wait3A_156 = arith.constant 0 : i32
        %dma_wait3A_157 = tpu.memref_slice %arg4[%dma_wait3A_155, %dma_wait3A_156] : memref<16384x256xi32, #tpu.memory_space<hbm>> -> memref<16x256xi32, #tpu.memory_space<hbm>>
        %dma_wait3A_158 = arith.constant 0 : i32
        %dma_wait3A_159 = arith.constant 0 : i32
        %dma_wait3A_160 = tpu.memref_slice %arg8[%dma_wait3A_158, %dma_wait3A_159] : memref<32x256xi32, #tpu.memory_space<vmem>> -> memref<16x256xi32, #tpu.memory_space<vmem>>
        tpu.wait_dma2 semaphore(%arg11 : memref<!tpu.dma_semaphore, #tpu.memory_space<semaphore_mem>>) src(%dma_wait3A_160 : memref<16x256xi32, #tpu.memory_space<vmem>>) dst(%dma_wait3A_157 : memref<16x256xi32, #tpu.memory_space<hbm>>)
        %dma_wait3A_161 = arith.constant 0 : i32
        %dma_wait3A_162 = arith.constant 0 : i32
        %dma_wait3A_163 = tpu.memref_slice %arg9[%dma_wait3A_161, %dma_wait3A_162] : memref<32x256xf32, #tpu.memory_space<vmem>> -> memref<16x256xf32, #tpu.memory_space<vmem>>
        %dma_wait3A_164 = arith.constant 0 : i32
        %dma_wait3A_165 = arith.constant 0 : i32
        %dma_wait3A_166 = tpu.memref_slice %arg5[%dma_wait3A_164, %dma_wait3A_165] : memref<16384x256xf32, #tpu.memory_space<hbm>> -> memref<16x256xf32, #tpu.memory_space<hbm>>
        %dma_wait3A_167 = arith.constant 0 : i32
        %dma_wait3A_168 = arith.constant 0 : i32
        %dma_wait3A_169 = tpu.memref_slice %arg5[%dma_wait3A_167, %dma_wait3A_168] : memref<16384x256xf32, #tpu.memory_space<hbm>> -> memref<16x256xf32, #tpu.memory_space<hbm>>
        %dma_wait3A_170 = arith.constant 0 : i32
        %dma_wait3A_171 = arith.constant 0 : i32
        %dma_wait3A_172 = tpu.memref_slice %arg9[%dma_wait3A_170, %dma_wait3A_171] : memref<32x256xf32, #tpu.memory_space<vmem>> -> memref<16x256xf32, #tpu.memory_space<vmem>>
        tpu.wait_dma2 semaphore(%arg11 : memref<!tpu.dma_semaphore, #tpu.memory_space<semaphore_mem>>) src(%dma_wait3A_172 : memref<16x256xf32, #tpu.memory_space<vmem>>) dst(%dma_wait3A_169 : memref<16x256xf32, #tpu.memory_space<hbm>>)
      } else {
      }
      %mul3A_119 = arith.constant 16 : i32
      %mul3A_120 = arith.muli %rem3A_98, %mul3A_119 : i32
      %parallel_loop3A = arith.constant 0 : i32
      %parallel_loop3A_121 = arith.constant 16 : i32
      %parallel_loop3A_122 = arith.constant 1 : i32
      scf.for %parallel_loop3A_149 = %parallel_loop3A to %parallel_loop3A_121 step %parallel_loop3A_122  : i32 {
        %parallel_loop3A_150 = arith.addi %mul3A_120, %parallel_loop3A_149 : i32
        %parallel_loop3A_151 = arith.index_cast %parallel_loop3A_150 : i32 to index
        %parallel_loop3A_152 = arith.constant 0 : index
        %parallel_loop3A_153 = tpu.vector_load %arg7[%parallel_loop3A_151, %parallel_loop3A_152] {strides = array<i32>} : memref<32x256xf32, #tpu.memory_space<vmem>>, vector<16xf32>,
        %parallel_loop3A_154 = arith.index_cast %parallel_loop3A_150 : i32 to index
        %parallel_loop3A_155 = arith.constant 16 : index
        %parallel_loop3A_156 = tpu.vector_load %arg7[%parallel_loop3A_154, %parallel_loop3A_155] {strides = array<i32>} : memref<32x256xf32, #tpu.memory_space<vmem>>, vector<16xf32>,
        %parallel_loop3A_157 = arith.index_cast %parallel_loop3A_150 : i32 to index
        %parallel_loop3A_158 = arith.constant 32 : index
        %parallel_loop3A_159 = tpu.vector_load %arg7[%parallel_loop3A_157, %parallel_loop3A_158] {strides = array<i32>} : memref<32x256xf32, #tpu.memory_space<vmem>>, vector<16xf32>,
        %parallel_loop3A_160 = arith.index_cast %parallel_loop3A_150 : i32 to index
        %parallel_loop3A_161 = arith.constant 48 : index
        %parallel_loop3A_162 = tpu.vector_load %arg7[%parallel_loop3A_160, %parallel_loop3A_161] {strides = array<i32>} : memref<32x256xf32, #tpu.memory_space<vmem>>, vector<16xf32>,
        %parallel_loop3A_163 = arith.index_cast %parallel_loop3A_150 : i32 to index
        %parallel_loop3A_164 = arith.constant 64 : index
        %parallel_loop3A_165 = tpu.vector_load %arg7[%parallel_loop3A_163, %parallel_loop3A_164] {strides = array<i32>} : memref<32x256xf32, #tpu.memory_space<vmem>>, vector<16xf32>,
        %parallel_loop3A_166 = arith.index_cast %parallel_loop3A_150 : i32 to index
        %parallel_loop3A_167 = arith.constant 80 : index
        %parallel_loop3A_168 = tpu.vector_load %arg7[%parallel_loop3A_166, %parallel_loop3A_167] {strides = array<i32>} : memref<32x256xf32, #tpu.memory_space<vmem>>, vector<16xf32>,
        %parallel_loop3A_169 = arith.index_cast %parallel_loop3A_150 : i32 to index
        %parallel_loop3A_170 = arith.constant 96 : index
        %parallel_loop3A_171 = tpu.vector_load %arg7[%parallel_loop3A_169, %parallel_loop3A_170] {strides = array<i32>} : memref<32x256xf32, #tpu.memory_space<vmem>>, vector<16xf32>,
        %parallel_loop3A_172 = arith.index_cast %parallel_loop3A_150 : i32 to index
        %parallel_loop3A_173 = arith.constant 112 : index
        %parallel_loop3A_174 = tpu.vector_load %arg7[%parallel_loop3A_172, %parallel_loop3A_173] {strides = array<i32>} : memref<32x256xf32, #tpu.memory_space<vmem>>, vector<16xf32>,
        %parallel_loop3A_175 = arith.index_cast %parallel_loop3A_150 : i32 to index
        %parallel_loop3A_176 = arith.constant 128 : index
        %parallel_loop3A_177 = tpu.vector_load %arg7[%parallel_loop3A_175, %parallel_loop3A_176] {strides = array<i32>} : memref<32x256xf32, #tpu.memory_space<vmem>>, vector<16xf32>,
        %parallel_loop3A_178 = arith.index_cast %parallel_loop3A_150 : i32 to index
        %parallel_loop3A_179 = arith.constant 144 : index
        %parallel_loop3A_180 = tpu.vector_load %arg7[%parallel_loop3A_178, %parallel_loop3A_179] {strides = array<i32>} : memref<32x256xf32, #tpu.memory_space<vmem>>, vector<16xf32>,
        %parallel_loop3A_181 = arith.index_cast %parallel_loop3A_150 : i32 to index
        %parallel_loop3A_182 = arith.constant 160 : index
        %parallel_loop3A_183 = tpu.vector_load %arg7[%parallel_loop3A_181, %parallel_loop3A_182] {strides = array<i32>} : memref<32x256xf32, #tpu.memory_space<vmem>>, vector<16xf32>,
        %parallel_loop3A_184 = arith.index_cast %parallel_loop3A_150 : i32 to index
        %parallel_loop3A_185 = arith.constant 176 : index
        %parallel_loop3A_186 = tpu.vector_load %arg7[%parallel_loop3A_184, %parallel_loop3A_185] {strides = array<i32>} : memref<32x256xf32, #tpu.memory_space<vmem>>, vector<16xf32>,
        %parallel_loop3A_187 = arith.index_cast %parallel_loop3A_150 : i32 to index
        %parallel_loop3A_188 = arith.constant 192 : index
        %parallel_loop3A_189 = tpu.vector_load %arg7[%parallel_loop3A_187, %parallel_loop3A_188] {strides = array<i32>} : memref<32x256xf32, #tpu.memory_space<vmem>>, vector<16xf32>,
        %parallel_loop3A_190 = arith.index_cast %parallel_loop3A_150 : i32 to index
        %parallel_loop3A_191 = arith.constant 208 : index
        %parallel_loop3A_192 = tpu.vector_load %arg7[%parallel_loop3A_190, %parallel_loop3A_191] {strides = array<i32>} : memref<32x256xf32, #tpu.memory_space<vmem>>, vector<16xf32>,
        %parallel_loop3A_193 = arith.index_cast %parallel_loop3A_150 : i32 to index
        %parallel_loop3A_194 = arith.constant 224 : index
        %parallel_loop3A_195 = tpu.vector_load %arg7[%parallel_loop3A_193, %parallel_loop3A_194] {strides = array<i32>} : memref<32x256xf32, #tpu.memory_space<vmem>>, vector<16xf32>,
        %parallel_loop3A_196 = arith.index_cast %parallel_loop3A_150 : i32 to index
        %parallel_loop3A_197 = arith.constant 240 : index
        %parallel_loop3A_198 = tpu.vector_load %arg7[%parallel_loop3A_196, %parallel_loop3A_197] {strides = array<i32>} : memref<32x256xf32, #tpu.memory_space<vmem>>, vector<16xf32>,
        %parallel_loop3A_199 = arith.constant dense<true> : vector<16xi1>
        %parallel_loop3A_200, %parallel_loop3A_201, %parallel_loop3A_202 = tpu.sort %parallel_loop3A_153, %get3A_3 masked %parallel_loop3A_199 {descending = true} : (vector<16xf32>, vector<16xi32>, vector<16xi1>) -> (vector<16xi1>, vector<16xf32>, vector<16xi32>)
        %parallel_loop3A_203 = arith.constant dense<true> : vector<16xi1>
        %parallel_loop3A_204, %parallel_loop3A_205, %parallel_loop3A_206 = tpu.sort %parallel_loop3A_156, %get3A_5 masked %parallel_loop3A_203 : (vector<16xf32>, vector<16xi32>, vector<16xi1>) -> (vector<16xi1>, vector<16xf32>, vector<16xi32>)
        %parallel_loop3A_207 = arith.constant dense<true> : vector<16xi1>
        %parallel_loop3A_208, %parallel_loop3A_209, %parallel_loop3A_210 = tpu.sort %parallel_loop3A_159, %get3A_7 masked %parallel_loop3A_207 {descending = true} : (vector<16xf32>, vector<16xi32>, vector<16xi1>) -> (vector<16xi1>, vector<16xf32>, vector<16xi32>)
        %parallel_loop3A_211 = arith.constant dense<true> : vector<16xi1>
        %parallel_loop3A_212, %parallel_loop3A_213, %parallel_loop3A_214 = tpu.sort %parallel_loop3A_162, %get3A_9 masked %parallel_loop3A_211 : (vector<16xf32>, vector<16xi32>, vector<16xi1>) -> (vector<16xi1>, vector<16xf32>, vector<16xi32>)
        %parallel_loop3A_215 = arith.constant dense<true> : vector<16xi1>
        %parallel_loop3A_216, %parallel_loop3A_217, %parallel_loop3A_218 = tpu.sort %parallel_loop3A_165, %get3A_11 masked %parallel_loop3A_215 {descending = true} : (vector<16xf32>, vector<16xi32>, vector<16xi1>) -> (vector<16xi1>, vector<16xf32>, vector<16xi32>)
        %parallel_loop3A_219 = arith.constant dense<true> : vector<16xi1>
        %parallel_loop3A_220, %parallel_loop3A_221, %parallel_loop3A_222 = tpu.sort %parallel_loop3A_168, %get3A_13 masked %parallel_loop3A_219 : (vector<16xf32>, vector<16xi32>, vector<16xi1>) -> (vector<16xi1>, vector<16xf32>, vector<16xi32>)
        %parallel_loop3A_223 = arith.constant dense<true> : vector<16xi1>
        %parallel_loop3A_224, %parallel_loop3A_225, %parallel_loop3A_226 = tpu.sort %parallel_loop3A_171, %get3A_15 masked %parallel_loop3A_223 {descending = true} : (vector<16xf32>, vector<16xi32>, vector<16xi1>) -> (vector<16xi1>, vector<16xf32>, vector<16xi32>)
        %parallel_loop3A_227 = arith.constant dense<true> : vector<16xi1>
        %parallel_loop3A_228, %parallel_loop3A_229, %parallel_loop3A_230 = tpu.sort %parallel_loop3A_174, %get3A_17 masked %parallel_loop3A_227 : (vector<16xf32>, vector<16xi32>, vector<16xi1>) -> (vector<16xi1>, vector<16xf32>, vector<16xi32>)
        %parallel_loop3A_231 = arith.constant dense<true> : vector<16xi1>
        %parallel_loop3A_232, %parallel_loop3A_233, %parallel_loop3A_234 = tpu.sort %parallel_loop3A_177, %get3A_19 masked %parallel_loop3A_231 {descending = true} : (vector<16xf32>, vector<16xi32>, vector<16xi1>) -> (vector<16xi1>, vector<16xf32>, vector<16xi32>)
        %parallel_loop3A_235 = arith.constant dense<true> : vector<16xi1>
        %parallel_loop3A_236, %parallel_loop3A_237, %parallel_loop3A_238 = tpu.sort %parallel_loop3A_180, %get3A_21 masked %parallel_loop3A_235 : (vector<16xf32>, vector<16xi32>, vector<16xi1>) -> (vector<16xi1>, vector<16xf32>, vector<16xi32>)
        %parallel_loop3A_239 = arith.constant dense<true> : vector<16xi1>
        %parallel_loop3A_240, %parallel_loop3A_241, %parallel_loop3A_242 = tpu.sort %parallel_loop3A_183, %get3A_23 masked %parallel_loop3A_239 {descending = true} : (vector<16xf32>, vector<16xi32>, vector<16xi1>) -> (vector<16xi1>, vector<16xf32>, vector<16xi32>)
        %parallel_loop3A_243 = arith.constant dense<true> : vector<16xi1>
        %parallel_loop3A_244, %parallel_loop3A_245, %parallel_loop3A_246 = tpu.sort %parallel_loop3A_186, %get3A_25 masked %parallel_loop3A_243 : (vector<16xf32>, vector<16xi32>, vector<16xi1>) -> (vector<16xi1>, vector<16xf32>, vector<16xi32>)
        %parallel_loop3A_247 = arith.constant dense<true> : vector<16xi1>
        %parallel_loop3A_248, %parallel_loop3A_249, %parallel_loop3A_250 = tpu.sort %parallel_loop3A_189, %get3A_27 masked %parallel_loop3A_247 {descending = true} : (vector<16xf32>, vector<16xi32>, vector<16xi1>) -> (vector<16xi1>, vector<16xf32>, vector<16xi32>)
        %parallel_loop3A_251 = arith.constant dense<true> : vector<16xi1>
        %parallel_loop3A_252, %parallel_loop3A_253, %parallel_loop3A_254 = tpu.sort %parallel_loop3A_192, %get3A_29 masked %parallel_loop3A_251 : (vector<16xf32>, vector<16xi32>, vector<16xi1>) -> (vector<16xi1>, vector<16xf32>, vector<16xi32>)
        %parallel_loop3A_255 = arith.constant dense<true> : vector<16xi1>
        %parallel_loop3A_256, %parallel_loop3A_257, %parallel_loop3A_258 = tpu.sort %parallel_loop3A_195, %get3A_31 masked %parallel_loop3A_255 {descending = true} : (vector<16xf32>, vector<16xi32>, vector<16xi1>) -> (vector<16xi1>, vector<16xf32>, vector<16xi32>)
        %parallel_loop3A_259 = arith.constant dense<true> : vector<16xi1>
        %parallel_loop3A_260, %parallel_loop3A_261, %parallel_loop3A_262 = tpu.sort %parallel_loop3A_198, %get3A_33 masked %parallel_loop3A_259 : (vector<16xf32>, vector<16xi32>, vector<16xi1>) -> (vector<16xi1>, vector<16xf32>, vector<16xi32>)
        %parallel_loop3A_263 = arith.cmpf olt, %parallel_loop3A_201, %parallel_loop3A_205 : vector<16xf32>
        %parallel_loop3A_264 = arith.maximumf %parallel_loop3A_201, %parallel_loop3A_205 : vector<16xf32>
        %parallel_loop3A_265 = arith.minimumf %parallel_loop3A_201, %parallel_loop3A_205 : vector<16xf32>
        %parallel_loop3A_266 = arith.select %parallel_loop3A_263, %parallel_loop3A_206, %parallel_loop3A_202 : vector<16xi1>, vector<16xi32>
        %parallel_loop3A_267 = arith.select %parallel_loop3A_263, %parallel_loop3A_202, %parallel_loop3A_206 : vector<16xi1>, vector<16xi32>
        %parallel_loop3A_268 = arith.constant dense<true> : vector<16xi1>
        %parallel_loop3A_269, %parallel_loop3A_270, %parallel_loop3A_271 = tpu.sort %parallel_loop3A_264, %parallel_loop3A_266 masked %parallel_loop3A_268 {descending = true} : (vector<16xf32>, vector<16xi32>, vector<16xi1>) -> (vector<16xi1>, vector<16xf32>, vector<16xi32>)
        %parallel_loop3A_272 = arith.constant dense<true> : vector<16xi1>
        %parallel_loop3A_273, %parallel_loop3A_274, %parallel_loop3A_275 = tpu.sort %parallel_loop3A_265, %parallel_loop3A_267 masked %parallel_loop3A_272 {descending = true} : (vector<16xf32>, vector<16xi32>, vector<16xi1>) -> (vector<16xi1>, vector<16xf32>, vector<16xi32>)
        %parallel_loop3A_276 = arith.cmpf ogt, %parallel_loop3A_209, %parallel_loop3A_213 : vector<16xf32>
        %parallel_loop3A_277 = arith.minimumf %parallel_loop3A_209, %parallel_loop3A_213 : vector<16xf32>
        %parallel_loop3A_278 = arith.maximumf %parallel_loop3A_209, %parallel_loop3A_213 : vector<16xf32>
        %parallel_loop3A_279 = arith.select %parallel_loop3A_276, %parallel_loop3A_214, %parallel_loop3A_210 : vector<16xi1>, vector<16xi32>
        %parallel_loop3A_280 = arith.select %parallel_loop3A_276, %parallel_loop3A_210, %parallel_loop3A_214 : vector<16xi1>, vector<16xi32>
        %parallel_loop3A_281 = arith.constant dense<true> : vector<16xi1>
        %parallel_loop3A_282, %parallel_loop3A_283, %parallel_loop3A_284 = tpu.sort %parallel_loop3A_277, %parallel_loop3A_279 masked %parallel_loop3A_281 : (vector<16xf32>, vector<16xi32>, vector<16xi1>) -> (vector<16xi1>, vector<16xf32>, vector<16xi32>)
        %parallel_loop3A_285 = arith.constant dense<true> : vector<16xi1>
        %parallel_loop3A_286, %parallel_loop3A_287, %parallel_loop3A_288 = tpu.sort %parallel_loop3A_278, %parallel_loop3A_280 masked %parallel_loop3A_285 : (vector<16xf32>, vector<16xi32>, vector<16xi1>) -> (vector<16xi1>, vector<16xf32>, vector<16xi32>)
        %parallel_loop3A_289 = arith.cmpf olt, %parallel_loop3A_217, %parallel_loop3A_221 : vector<16xf32>
        %parallel_loop3A_290 = arith.maximumf %parallel_loop3A_217, %parallel_loop3A_221 : vector<16xf32>
        %parallel_loop3A_291 = arith.minimumf %parallel_loop3A_217, %parallel_loop3A_221 : vector<16xf32>
        %parallel_loop3A_292 = arith.select %parallel_loop3A_289, %parallel_loop3A_222, %parallel_loop3A_218 : vector<16xi1>, vector<16xi32>
        %parallel_loop3A_293 = arith.select %parallel_loop3A_289, %parallel_loop3A_218, %parallel_loop3A_222 : vector<16xi1>, vector<16xi32>
        %parallel_loop3A_294 = arith.constant dense<true> : vector<16xi1>
        %parallel_loop3A_295, %parallel_loop3A_296, %parallel_loop3A_297 = tpu.sort %parallel_loop3A_290, %parallel_loop3A_292 masked %parallel_loop3A_294 {descending = true} : (vector<16xf32>, vector<16xi32>, vector<16xi1>) -> (vector<16xi1>, vector<16xf32>, vector<16xi32>)
        %parallel_loop3A_298 = arith.constant dense<true> : vector<16xi1>
        %parallel_loop3A_299, %parallel_loop3A_300, %parallel_loop3A_301 = tpu.sort %parallel_loop3A_291, %parallel_loop3A_293 masked %parallel_loop3A_298 {descending = true} : (vector<16xf32>, vector<16xi32>, vector<16xi1>) -> (vector<16xi1>, vector<16xf32>, vector<16xi32>)
        %parallel_loop3A_302 = arith.cmpf ogt, %parallel_loop3A_225, %parallel_loop3A_229 : vector<16xf32>
        %parallel_loop3A_303 = arith.minimumf %parallel_loop3A_225, %parallel_loop3A_229 : vector<16xf32>
        %parallel_loop3A_304 = arith.maximumf %parallel_loop3A_225, %parallel_loop3A_229 : vector<16xf32>
        %parallel_loop3A_305 = arith.select %parallel_loop3A_302, %parallel_loop3A_230, %parallel_loop3A_226 : vector<16xi1>, vector<16xi32>
        %parallel_loop3A_306 = arith.select %parallel_loop3A_302, %parallel_loop3A_226, %parallel_loop3A_230 : vector<16xi1>, vector<16xi32>
        %parallel_loop3A_307 = arith.constant dense<true> : vector<16xi1>
        %parallel_loop3A_308, %parallel_loop3A_309, %parallel_loop3A_310 = tpu.sort %parallel_loop3A_303, %parallel_loop3A_305 masked %parallel_loop3A_307 : (vector<16xf32>, vector<16xi32>, vector<16xi1>) -> (vector<16xi1>, vector<16xf32>, vector<16xi32>)
        %parallel_loop3A_311 = arith.constant dense<true> : vector<16xi1>
        %parallel_loop3A_312, %parallel_loop3A_313, %parallel_loop3A_314 = tpu.sort %parallel_loop3A_304, %parallel_loop3A_306 masked %parallel_loop3A_311 : (vector<16xf32>, vector<16xi32>, vector<16xi1>) -> (vector<16xi1>, vector<16xf32>, vector<16xi32>)
        %parallel_loop3A_315 = arith.cmpf olt, %parallel_loop3A_233, %parallel_loop3A_237 : vector<16xf32>
        %parallel_loop3A_316 = arith.maximumf %parallel_loop3A_233, %parallel_loop3A_237 : vector<16xf32>
        %parallel_loop3A_317 = arith.minimumf %parallel_loop3A_233, %parallel_loop3A_237 : vector<16xf32>
        %parallel_loop3A_318 = arith.select %parallel_loop3A_315, %parallel_loop3A_238, %parallel_loop3A_234 : vector<16xi1>, vector<16xi32>
        %parallel_loop3A_319 = arith.select %parallel_loop3A_315, %parallel_loop3A_234, %parallel_loop3A_238 : vector<16xi1>, vector<16xi32>
        %parallel_loop3A_320 = arith.constant dense<true> : vector<16xi1>
        %parallel_loop3A_321, %parallel_loop3A_322, %parallel_loop3A_323 = tpu.sort %parallel_loop3A_316, %parallel_loop3A_318 masked %parallel_loop3A_320 {descending = true} : (vector<16xf32>, vector<16xi32>, vector<16xi1>) -> (vector<16xi1>, vector<16xf32>, vector<16xi32>)
        %parallel_loop3A_324 = arith.constant dense<true> : vector<16xi1>
        %parallel_loop3A_325, %parallel_loop3A_326, %parallel_loop3A_327 = tpu.sort %parallel_loop3A_317, %parallel_loop3A_319 masked %parallel_loop3A_324 {descending = true} : (vector<16xf32>, vector<16xi32>, vector<16xi1>) -> (vector<16xi1>, vector<16xf32>, vector<16xi32>)
        %parallel_loop3A_328 = arith.cmpf ogt, %parallel_loop3A_241, %parallel_loop3A_245 : vector<16xf32>
        %parallel_loop3A_329 = arith.minimumf %parallel_loop3A_241, %parallel_loop3A_245 : vector<16xf32>
        %parallel_loop3A_330 = arith.maximumf %parallel_loop3A_241, %parallel_loop3A_245 : vector<16xf32>
        %parallel_loop3A_331 = arith.select %parallel_loop3A_328, %parallel_loop3A_246, %parallel_loop3A_242 : vector<16xi1>, vector<16xi32>
        %parallel_loop3A_332 = arith.select %parallel_loop3A_328, %parallel_loop3A_242, %parallel_loop3A_246 : vector<16xi1>, vector<16xi32>
        %parallel_loop3A_333 = arith.constant dense<true> : vector<16xi1>
        %parallel_loop3A_334, %parallel_loop3A_335, %parallel_loop3A_336 = tpu.sort %parallel_loop3A_329, %parallel_loop3A_331 masked %parallel_loop3A_333 : (vector<16xf32>, vector<16xi32>, vector<16xi1>) -> (vector<16xi1>, vector<16xf32>, vector<16xi32>)
        %parallel_loop3A_337 = arith.constant dense<true> : vector<16xi1>
        %parallel_loop3A_338, %parallel_loop3A_339, %parallel_loop3A_340 = tpu.sort %parallel_loop3A_330, %parallel_loop3A_332 masked %parallel_loop3A_337 : (vector<16xf32>, vector<16xi32>, vector<16xi1>) -> (vector<16xi1>, vector<16xf32>, vector<16xi32>)
        %parallel_loop3A_341 = arith.cmpf olt, %parallel_loop3A_249, %parallel_loop3A_253 : vector<16xf32>
        %parallel_loop3A_342 = arith.maximumf %parallel_loop3A_249, %parallel_loop3A_253 : vector<16xf32>
        %parallel_loop3A_343 = arith.minimumf %parallel_loop3A_249, %parallel_loop3A_253 : vector<16xf32>
        %parallel_loop3A_344 = arith.select %parallel_loop3A_341, %parallel_loop3A_254, %parallel_loop3A_250 : vector<16xi1>, vector<16xi32>
        %parallel_loop3A_345 = arith.select %parallel_loop3A_341, %parallel_loop3A_250, %parallel_loop3A_254 : vector<16xi1>, vector<16xi32>
        %parallel_loop3A_346 = arith.constant dense<true> : vector<16xi1>
        %parallel_loop3A_347, %parallel_loop3A_348, %parallel_loop3A_349 = tpu.sort %parallel_loop3A_342, %parallel_loop3A_344 masked %parallel_loop3A_346 {descending = true} : (vector<16xf32>, vector<16xi32>, vector<16xi1>) -> (vector<16xi1>, vector<16xf32>, vector<16xi32>)
        %parallel_loop3A_350 = arith.constant dense<true> : vector<16xi1>
        %parallel_loop3A_351, %parallel_loop3A_352, %parallel_loop3A_353 = tpu.sort %parallel_loop3A_343, %parallel_loop3A_345 masked %parallel_loop3A_350 {descending = true} : (vector<16xf32>, vector<16xi32>, vector<16xi1>) -> (vector<16xi1>, vector<16xf32>, vector<16xi32>)
        %parallel_loop3A_354 = arith.cmpf ogt, %parallel_loop3A_257, %parallel_loop3A_261 : vector<16xf32>
        %parallel_loop3A_355 = arith.minimumf %parallel_loop3A_257, %parallel_loop3A_261 : vector<16xf32>
        %parallel_loop3A_356 = arith.maximumf %parallel_loop3A_257, %parallel_loop3A_261 : vector<16xf32>
        %parallel_loop3A_357 = arith.select %parallel_loop3A_354, %parallel_loop3A_262, %parallel_loop3A_258 : vector<16xi1>, vector<16xi32>
        %parallel_loop3A_358 = arith.select %parallel_loop3A_354, %parallel_loop3A_258, %parallel_loop3A_262 : vector<16xi1>, vector<16xi32>
        %parallel_loop3A_359 = arith.constant dense<true> : vector<16xi1>
        %parallel_loop3A_360, %parallel_loop3A_361, %parallel_loop3A_362 = tpu.sort %parallel_loop3A_355, %parallel_loop3A_357 masked %parallel_loop3A_359 : (vector<16xf32>, vector<16xi32>, vector<16xi1>) -> (vector<16xi1>, vector<16xf32>, vector<16xi32>)
        %parallel_loop3A_363 = arith.constant dense<true> : vector<16xi1>
        %parallel_loop3A_364, %parallel_loop3A_365, %parallel_loop3A_366 = tpu.sort %parallel_loop3A_356, %parallel_loop3A_358 masked %parallel_loop3A_363 : (vector<16xf32>, vector<16xi32>, vector<16xi1>) -> (vector<16xi1>, vector<16xf32>, vector<16xi32>)
        %parallel_loop3A_367 = arith.cmpf olt, %parallel_loop3A_270, %parallel_loop3A_283 : vector<16xf32>
        %parallel_loop3A_368 = arith.maximumf %parallel_loop3A_270, %parallel_loop3A_283 : vector<16xf32>
        %parallel_loop3A_369 = arith.minimumf %parallel_loop3A_270, %parallel_loop3A_283 : vector<16xf32>
        %parallel_loop3A_370 = arith.select %parallel_loop3A_367, %parallel_loop3A_284, %parallel_loop3A_271 : vector<16xi1>, vector<16xi32>
        %parallel_loop3A_371 = arith.select %parallel_loop3A_367, %parallel_loop3A_271, %parallel_loop3A_284 : vector<16xi1>, vector<16xi32>
        %parallel_loop3A_372 = arith.cmpf olt, %parallel_loop3A_274, %parallel_loop3A_287 : vector<16xf32>
        %parallel_loop3A_373 = arith.maximumf %parallel_loop3A_274, %parallel_loop3A_287 : vector<16xf32>
        %parallel_loop3A_374 = arith.minimumf %parallel_loop3A_274, %parallel_loop3A_287 : vector<16xf32>
        %parallel_loop3A_375 = arith.select %parallel_loop3A_372, %parallel_loop3A_288, %parallel_loop3A_275 : vector<16xi1>, vector<16xi32>
        %parallel_loop3A_376 = arith.select %parallel_loop3A_372, %parallel_loop3A_275, %parallel_loop3A_288 : vector<16xi1>, vector<16xi32>
        %parallel_loop3A_377 = arith.cmpf olt, %parallel_loop3A_368, %parallel_loop3A_373 : vector<16xf32>
        %parallel_loop3A_378 = arith.maximumf %parallel_loop3A_368, %parallel_loop3A_373 : vector<16xf32>
        %parallel_loop3A_379 = arith.minimumf %parallel_loop3A_368, %parallel_loop3A_373 : vector<16xf32>
        %parallel_loop3A_380 = arith.select %parallel_loop3A_377, %parallel_loop3A_375, %parallel_loop3A_370 : vector<16xi1>, vector<16xi32>
        %parallel_loop3A_381 = arith.select %parallel_loop3A_377, %parallel_loop3A_370, %parallel_loop3A_375 : vector<16xi1>, vector<16xi32>
        %parallel_loop3A_382 = arith.cmpf olt, %parallel_loop3A_369, %parallel_loop3A_374 : vector<16xf32>
        %parallel_loop3A_383 = arith.maximumf %parallel_loop3A_369, %parallel_loop3A_374 : vector<16xf32>
        %parallel_loop3A_384 = arith.minimumf %parallel_loop3A_369, %parallel_loop3A_374 : vector<16xf32>
        %parallel_loop3A_385 = arith.select %parallel_loop3A_382, %parallel_loop3A_376, %parallel_loop3A_371 : vector<16xi1>, vector<16xi32>
        %parallel_loop3A_386 = arith.select %parallel_loop3A_382, %parallel_loop3A_371, %parallel_loop3A_376 : vector<16xi1>, vector<16xi32>
        %parallel_loop3A_387 = arith.constant dense<true> : vector<16xi1>
        %parallel_loop3A_388, %parallel_loop3A_389, %parallel_loop3A_390 = tpu.sort %parallel_loop3A_378, %parallel_loop3A_380 masked %parallel_loop3A_387 {descending = true} : (vector<16xf32>, vector<16xi32>, vector<16xi1>) -> (vector<16xi1>, vector<16xf32>, vector<16xi32>)
        %parallel_loop3A_391 = arith.constant dense<true> : vector<16xi1>
        %parallel_loop3A_392, %parallel_loop3A_393, %parallel_loop3A_394 = tpu.sort %parallel_loop3A_379, %parallel_loop3A_381 masked %parallel_loop3A_391 {descending = true} : (vector<16xf32>, vector<16xi32>, vector<16xi1>) -> (vector<16xi1>, vector<16xf32>, vector<16xi32>)
        %parallel_loop3A_395 = arith.constant dense<true> : vector<16xi1>
        %parallel_loop3A_396, %parallel_loop3A_397, %parallel_loop3A_398 = tpu.sort %parallel_loop3A_383, %parallel_loop3A_385 masked %parallel_loop3A_395 {descending = true} : (vector<16xf32>, vector<16xi32>, vector<16xi1>) -> (vector<16xi1>, vector<16xf32>, vector<16xi32>)
        %parallel_loop3A_399 = arith.constant dense<true> : vector<16xi1>
        %parallel_loop3A_400, %parallel_loop3A_401, %parallel_loop3A_402 = tpu.sort %parallel_loop3A_384, %parallel_loop3A_386 masked %parallel_loop3A_399 {descending = true} : (vector<16xf32>, vector<16xi32>, vector<16xi1>) -> (vector<16xi1>, vector<16xf32>, vector<16xi32>)
        %parallel_loop3A_403 = arith.cmpf ogt, %parallel_loop3A_296, %parallel_loop3A_309 : vector<16xf32>
        %parallel_loop3A_404 = arith.minimumf %parallel_loop3A_296, %parallel_loop3A_309 : vector<16xf32>
        %parallel_loop3A_405 = arith.maximumf %parallel_loop3A_296, %parallel_loop3A_309 : vector<16xf32>
        %parallel_loop3A_406 = arith.select %parallel_loop3A_403, %parallel_loop3A_310, %parallel_loop3A_297 : vector<16xi1>, vector<16xi32>
        %parallel_loop3A_407 = arith.select %parallel_loop3A_403, %parallel_loop3A_297, %parallel_loop3A_310 : vector<16xi1>, vector<16xi32>
        %parallel_loop3A_408 = arith.cmpf ogt, %parallel_loop3A_300, %parallel_loop3A_313 : vector<16xf32>
        %parallel_loop3A_409 = arith.minimumf %parallel_loop3A_300, %parallel_loop3A_313 : vector<16xf32>
        %parallel_loop3A_410 = arith.maximumf %parallel_loop3A_300, %parallel_loop3A_313 : vector<16xf32>
        %parallel_loop3A_411 = arith.select %parallel_loop3A_408, %parallel_loop3A_314, %parallel_loop3A_301 : vector<16xi1>, vector<16xi32>
        %parallel_loop3A_412 = arith.select %parallel_loop3A_408, %parallel_loop3A_301, %parallel_loop3A_314 : vector<16xi1>, vector<16xi32>
        %parallel_loop3A_413 = arith.cmpf ogt, %parallel_loop3A_404, %parallel_loop3A_409 : vector<16xf32>
        %parallel_loop3A_414 = arith.minimumf %parallel_loop3A_404, %parallel_loop3A_409 : vector<16xf32>
        %parallel_loop3A_415 = arith.maximumf %parallel_loop3A_404, %parallel_loop3A_409 : vector<16xf32>
        %parallel_loop3A_416 = arith.select %parallel_loop3A_413, %parallel_loop3A_411, %parallel_loop3A_406 : vector<16xi1>, vector<16xi32>
        %parallel_loop3A_417 = arith.select %parallel_loop3A_413, %parallel_loop3A_406, %parallel_loop3A_411 : vector<16xi1>, vector<16xi32>
        %parallel_loop3A_418 = arith.cmpf ogt, %parallel_loop3A_405, %parallel_loop3A_410 : vector<16xf32>
        %parallel_loop3A_419 = arith.minimumf %parallel_loop3A_405, %parallel_loop3A_410 : vector<16xf32>
        %parallel_loop3A_420 = arith.maximumf %parallel_loop3A_405, %parallel_loop3A_410 : vector<16xf32>
        %parallel_loop3A_421 = arith.select %parallel_loop3A_418, %parallel_loop3A_412, %parallel_loop3A_407 : vector<16xi1>, vector<16xi32>
        %parallel_loop3A_422 = arith.select %parallel_loop3A_418, %parallel_loop3A_407, %parallel_loop3A_412 : vector<16xi1>, vector<16xi32>
        %parallel_loop3A_423 = arith.constant dense<true> : vector<16xi1>
        %parallel_loop3A_424, %parallel_loop3A_425, %parallel_loop3A_426 = tpu.sort %parallel_loop3A_414, %parallel_loop3A_416 masked %parallel_loop3A_423 : (vector<16xf32>, vector<16xi32>, vector<16xi1>) -> (vector<16xi1>, vector<16xf32>, vector<16xi32>)
        %parallel_loop3A_427 = arith.constant dense<true> : vector<16xi1>
        %parallel_loop3A_428, %parallel_loop3A_429, %parallel_loop3A_430 = tpu.sort %parallel_loop3A_415, %parallel_loop3A_417 masked %parallel_loop3A_427 : (vector<16xf32>, vector<16xi32>, vector<16xi1>) -> (vector<16xi1>, vector<16xf32>, vector<16xi32>)
        %parallel_loop3A_431 = arith.constant dense<true> : vector<16xi1>
        %parallel_loop3A_432, %parallel_loop3A_433, %parallel_loop3A_434 = tpu.sort %parallel_loop3A_419, %parallel_loop3A_421 masked %parallel_loop3A_431 : (vector<16xf32>, vector<16xi32>, vector<16xi1>) -> (vector<16xi1>, vector<16xf32>, vector<16xi32>)
        %parallel_loop3A_435 = arith.constant dense<true> : vector<16xi1>
        %parallel_loop3A_436, %parallel_loop3A_437, %parallel_loop3A_438 = tpu.sort %parallel_loop3A_420, %parallel_loop3A_422 masked %parallel_loop3A_435 : (vector<16xf32>, vector<16xi32>, vector<16xi1>) -> (vector<16xi1>, vector<16xf32>, vector<16xi32>)
        %parallel_loop3A_439 = arith.cmpf olt, %parallel_loop3A_322, %parallel_loop3A_335 : vector<16xf32>
        %parallel_loop3A_440 = arith.maximumf %parallel_loop3A_322, %parallel_loop3A_335 : vector<16xf32>
        %parallel_loop3A_441 = arith.minimumf %parallel_loop3A_322, %parallel_loop3A_335 : vector<16xf32>
        %parallel_loop3A_442 = arith.select %parallel_loop3A_439, %parallel_loop3A_336, %parallel_loop3A_323 : vector<16xi1>, vector<16xi32>
        %parallel_loop3A_443 = arith.select %parallel_loop3A_439, %parallel_loop3A_323, %parallel_loop3A_336 : vector<16xi1>, vector<16xi32>
        %parallel_loop3A_444 = arith.cmpf olt, %parallel_loop3A_326, %parallel_loop3A_339 : vector<16xf32>
        %parallel_loop3A_445 = arith.maximumf %parallel_loop3A_326, %parallel_loop3A_339 : vector<16xf32>
        %parallel_loop3A_446 = arith.minimumf %parallel_loop3A_326, %parallel_loop3A_339 : vector<16xf32>
        %parallel_loop3A_447 = arith.select %parallel_loop3A_444, %parallel_loop3A_340, %parallel_loop3A_327 : vector<16xi1>, vector<16xi32>
        %parallel_loop3A_448 = arith.select %parallel_loop3A_444, %parallel_loop3A_327, %parallel_loop3A_340 : vector<16xi1>, vector<16xi32>
        %parallel_loop3A_449 = arith.cmpf olt, %parallel_loop3A_440, %parallel_loop3A_445 : vector<16xf32>
        %parallel_loop3A_450 = arith.maximumf %parallel_loop3A_440, %parallel_loop3A_445 : vector<16xf32>
        %parallel_loop3A_451 = arith.minimumf %parallel_loop3A_440, %parallel_loop3A_445 : vector<16xf32>
        %parallel_loop3A_452 = arith.select %parallel_loop3A_449, %parallel_loop3A_447, %parallel_loop3A_442 : vector<16xi1>, vector<16xi32>
        %parallel_loop3A_453 = arith.select %parallel_loop3A_449, %parallel_loop3A_442, %parallel_loop3A_447 : vector<16xi1>, vector<16xi32>
        %parallel_loop3A_454 = arith.cmpf olt, %parallel_loop3A_441, %parallel_loop3A_446 : vector<16xf32>
        %parallel_loop3A_455 = arith.maximumf %parallel_loop3A_441, %parallel_loop3A_446 : vector<16xf32>
        %parallel_loop3A_456 = arith.minimumf %parallel_loop3A_441, %parallel_loop3A_446 : vector<16xf32>
        %parallel_loop3A_457 = arith.select %parallel_loop3A_454, %parallel_loop3A_448, %parallel_loop3A_443 : vector<16xi1>, vector<16xi32>
        %parallel_loop3A_458 = arith.select %parallel_loop3A_454, %parallel_loop3A_443, %parallel_loop3A_448 : vector<16xi1>, vector<16xi32>
        %parallel_loop3A_459 = arith.constant dense<true> : vector<16xi1>
        %parallel_loop3A_460, %parallel_loop3A_461, %parallel_loop3A_462 = tpu.sort %parallel_loop3A_450, %parallel_loop3A_452 masked %parallel_loop3A_459 {descending = true} : (vector<16xf32>, vector<16xi32>, vector<16xi1>) -> (vector<16xi1>, vector<16xf32>, vector<16xi32>)
        %parallel_loop3A_463 = arith.constant dense<true> : vector<16xi1>
        %parallel_loop3A_464, %parallel_loop3A_465, %parallel_loop3A_466 = tpu.sort %parallel_loop3A_451, %parallel_loop3A_453 masked %parallel_loop3A_463 {descending = true} : (vector<16xf32>, vector<16xi32>, vector<16xi1>) -> (vector<16xi1>, vector<16xf32>, vector<16xi32>)
        %parallel_loop3A_467 = arith.constant dense<true> : vector<16xi1>
        %parallel_loop3A_468, %parallel_loop3A_469, %parallel_loop3A_470 = tpu.sort %parallel_loop3A_455, %parallel_loop3A_457 masked %parallel_loop3A_467 {descending = true} : (vector<16xf32>, vector<16xi32>, vector<16xi1>) -> (vector<16xi1>, vector<16xf32>, vector<16xi32>)
        %parallel_loop3A_471 = arith.constant dense<true> : vector<16xi1>
        %parallel_loop3A_472, %parallel_loop3A_473, %parallel_loop3A_474 = tpu.sort %parallel_loop3A_456, %parallel_loop3A_458 masked %parallel_loop3A_471 {descending = true} : (vector<16xf32>, vector<16xi32>, vector<16xi1>) -> (vector<16xi1>, vector<16xf32>, vector<16xi32>)
        %parallel_loop3A_475 = arith.cmpf ogt, %parallel_loop3A_348, %parallel_loop3A_361 : vector<16xf32>
        %parallel_loop3A_476 = arith.minimumf %parallel_loop3A_348, %parallel_loop3A_361 : vector<16xf32>
        %parallel_loop3A_477 = arith.maximumf %parallel_loop3A_348, %parallel_loop3A_361 : vector<16xf32>
        %parallel_loop3A_478 = arith.select %parallel_loop3A_475, %parallel_loop3A_362, %parallel_loop3A_349 : vector<16xi1>, vector<16xi32>
        %parallel_loop3A_479 = arith.select %parallel_loop3A_475, %parallel_loop3A_349, %parallel_loop3A_362 : vector<16xi1>, vector<16xi32>
        %parallel_loop3A_480 = arith.cmpf ogt, %parallel_loop3A_352, %parallel_loop3A_365 : vector<16xf32>
        %parallel_loop3A_481 = arith.minimumf %parallel_loop3A_352, %parallel_loop3A_365 : vector<16xf32>
        %parallel_loop3A_482 = arith.maximumf %parallel_loop3A_352, %parallel_loop3A_365 : vector<16xf32>
        %parallel_loop3A_483 = arith.select %parallel_loop3A_480, %parallel_loop3A_366, %parallel_loop3A_353 : vector<16xi1>, vector<16xi32>
        %parallel_loop3A_484 = arith.select %parallel_loop3A_480, %parallel_loop3A_353, %parallel_loop3A_366 : vector<16xi1>, vector<16xi32>
        %parallel_loop3A_485 = arith.cmpf ogt, %parallel_loop3A_476, %parallel_loop3A_481 : vector<16xf32>
        %parallel_loop3A_486 = arith.minimumf %parallel_loop3A_476, %parallel_loop3A_481 : vector<16xf32>
        %parallel_loop3A_487 = arith.maximumf %parallel_loop3A_476, %parallel_loop3A_481 : vector<16xf32>
        %parallel_loop3A_488 = arith.select %parallel_loop3A_485, %parallel_loop3A_483, %parallel_loop3A_478 : vector<16xi1>, vector<16xi32>
        %parallel_loop3A_489 = arith.select %parallel_loop3A_485, %parallel_loop3A_478, %parallel_loop3A_483 : vector<16xi1>, vector<16xi32>
        %parallel_loop3A_490 = arith.cmpf ogt, %parallel_loop3A_477, %parallel_loop3A_482 : vector<16xf32>
        %parallel_loop3A_491 = arith.minimumf %parallel_loop3A_477, %parallel_loop3A_482 : vector<16xf32>
        %parallel_loop3A_492 = arith.maximumf %parallel_loop3A_477, %parallel_loop3A_482 : vector<16xf32>
        %parallel_loop3A_493 = arith.select %parallel_loop3A_490, %parallel_loop3A_484, %parallel_loop3A_479 : vector<16xi1>, vector<16xi32>
        %parallel_loop3A_494 = arith.select %parallel_loop3A_490, %parallel_loop3A_479, %parallel_loop3A_484 : vector<16xi1>, vector<16xi32>
        %parallel_loop3A_495 = arith.constant dense<true> : vector<16xi1>
        %parallel_loop3A_496, %parallel_loop3A_497, %parallel_loop3A_498 = tpu.sort %parallel_loop3A_486, %parallel_loop3A_488 masked %parallel_loop3A_495 : (vector<16xf32>, vector<16xi32>, vector<16xi1>) -> (vector<16xi1>, vector<16xf32>, vector<16xi32>)
        %parallel_loop3A_499 = arith.constant dense<true> : vector<16xi1>
        %parallel_loop3A_500, %parallel_loop3A_501, %parallel_loop3A_502 = tpu.sort %parallel_loop3A_487, %parallel_loop3A_489 masked %parallel_loop3A_499 : (vector<16xf32>, vector<16xi32>, vector<16xi1>) -> (vector<16xi1>, vector<16xf32>, vector<16xi32>)
        %parallel_loop3A_503 = arith.constant dense<true> : vector<16xi1>
        %parallel_loop3A_504, %parallel_loop3A_505, %parallel_loop3A_506 = tpu.sort %parallel_loop3A_491, %parallel_loop3A_493 masked %parallel_loop3A_503 : (vector<16xf32>, vector<16xi32>, vector<16xi1>) -> (vector<16xi1>, vector<16xf32>, vector<16xi32>)
        %parallel_loop3A_507 = arith.constant dense<true> : vector<16xi1>
        %parallel_loop3A_508, %parallel_loop3A_509, %parallel_loop3A_510 = tpu.sort %parallel_loop3A_492, %parallel_loop3A_494 masked %parallel_loop3A_507 : (vector<16xf32>, vector<16xi32>, vector<16xi1>) -> (vector<16xi1>, vector<16xf32>, vector<16xi32>)
        %parallel_loop3A_511 = arith.cmpf olt, %parallel_loop3A_389, %parallel_loop3A_425 : vector<16xf32>
        %parallel_loop3A_512 = arith.maximumf %parallel_loop3A_389, %parallel_loop3A_425 : vector<16xf32>
        %parallel_loop3A_513 = arith.minimumf %parallel_loop3A_389, %parallel_loop3A_425 : vector<16xf32>
        %parallel_loop3A_514 = arith.select %parallel_loop3A_511, %parallel_loop3A_426, %parallel_loop3A_390 : vector<16xi1>, vector<16xi32>
        %parallel_loop3A_515 = arith.select %parallel_loop3A_511, %parallel_loop3A_390, %parallel_loop3A_426 : vector<16xi1>, vector<16xi32>
        %parallel_loop3A_516 = arith.cmpf olt, %parallel_loop3A_393, %parallel_loop3A_429 : vector<16xf32>
        %parallel_loop3A_517 = arith.maximumf %parallel_loop3A_393, %parallel_loop3A_429 : vector<16xf32>
        %parallel_loop3A_518 = arith.minimumf %parallel_loop3A_393, %parallel_loop3A_429 : vector<16xf32>
        %parallel_loop3A_519 = arith.select %parallel_loop3A_516, %parallel_loop3A_430, %parallel_loop3A_394 : vector<16xi1>, vector<16xi32>
        %parallel_loop3A_520 = arith.select %parallel_loop3A_516, %parallel_loop3A_394, %parallel_loop3A_430 : vector<16xi1>, vector<16xi32>
        %parallel_loop3A_521 = arith.cmpf olt, %parallel_loop3A_397, %parallel_loop3A_433 : vector<16xf32>
        %parallel_loop3A_522 = arith.maximumf %parallel_loop3A_397, %parallel_loop3A_433 : vector<16xf32>
        %parallel_loop3A_523 = arith.minimumf %parallel_loop3A_397, %parallel_loop3A_433 : vector<16xf32>
        %parallel_loop3A_524 = arith.select %parallel_loop3A_521, %parallel_loop3A_434, %parallel_loop3A_398 : vector<16xi1>, vector<16xi32>
        %parallel_loop3A_525 = arith.select %parallel_loop3A_521, %parallel_loop3A_398, %parallel_loop3A_434 : vector<16xi1>, vector<16xi32>
        %parallel_loop3A_526 = arith.cmpf olt, %parallel_loop3A_401, %parallel_loop3A_437 : vector<16xf32>
        %parallel_loop3A_527 = arith.maximumf %parallel_loop3A_401, %parallel_loop3A_437 : vector<16xf32>
        %parallel_loop3A_528 = arith.minimumf %parallel_loop3A_401, %parallel_loop3A_437 : vector<16xf32>
        %parallel_loop3A_529 = arith.select %parallel_loop3A_526, %parallel_loop3A_438, %parallel_loop3A_402 : vector<16xi1>, vector<16xi32>
        %parallel_loop3A_530 = arith.select %parallel_loop3A_526, %parallel_loop3A_402, %parallel_loop3A_438 : vector<16xi1>, vector<16xi32>
        %parallel_loop3A_531 = arith.cmpf olt, %parallel_loop3A_512, %parallel_loop3A_522 : vector<16xf32>
        %parallel_loop3A_532 = arith.maximumf %parallel_loop3A_512, %parallel_loop3A_522 : vector<16xf32>
        %parallel_loop3A_533 = arith.minimumf %parallel_loop3A_512, %parallel_loop3A_522 : vector<16xf32>
        %parallel_loop3A_534 = arith.select %parallel_loop3A_531, %parallel_loop3A_524, %parallel_loop3A_514 : vector<16xi1>, vector<16xi32>
        %parallel_loop3A_535 = arith.select %parallel_loop3A_531, %parallel_loop3A_514, %parallel_loop3A_524 : vector<16xi1>, vector<16xi32>
        %parallel_loop3A_536 = arith.cmpf olt, %parallel_loop3A_517, %parallel_loop3A_527 : vector<16xf32>
        %parallel_loop3A_537 = arith.maximumf %parallel_loop3A_517, %parallel_loop3A_527 : vector<16xf32>
        %parallel_loop3A_538 = arith.minimumf %parallel_loop3A_517, %parallel_loop3A_527 : vector<16xf32>
        %parallel_loop3A_539 = arith.select %parallel_loop3A_536, %parallel_loop3A_529, %parallel_loop3A_519 : vector<16xi1>, vector<16xi32>
        %parallel_loop3A_540 = arith.select %parallel_loop3A_536, %parallel_loop3A_519, %parallel_loop3A_529 : vector<16xi1>, vector<16xi32>
        %parallel_loop3A_541 = arith.cmpf olt, %parallel_loop3A_513, %parallel_loop3A_523 : vector<16xf32>
        %parallel_loop3A_542 = arith.maximumf %parallel_loop3A_513, %parallel_loop3A_523 : vector<16xf32>
        %parallel_loop3A_543 = arith.minimumf %parallel_loop3A_513, %parallel_loop3A_523 : vector<16xf32>
        %parallel_loop3A_544 = arith.select %parallel_loop3A_541, %parallel_loop3A_525, %parallel_loop3A_515 : vector<16xi1>, vector<16xi32>
        %parallel_loop3A_545 = arith.select %parallel_loop3A_541, %parallel_loop3A_515, %parallel_loop3A_525 : vector<16xi1>, vector<16xi32>
        %parallel_loop3A_546 = arith.cmpf olt, %parallel_loop3A_518, %parallel_loop3A_528 : vector<16xf32>
        %parallel_loop3A_547 = arith.maximumf %parallel_loop3A_518, %parallel_loop3A_528 : vector<16xf32>
        %parallel_loop3A_548 = arith.minimumf %parallel_loop3A_518, %parallel_loop3A_528 : vector<16xf32>
        %parallel_loop3A_549 = arith.select %parallel_loop3A_546, %parallel_loop3A_530, %parallel_loop3A_520 : vector<16xi1>, vector<16xi32>
        %parallel_loop3A_550 = arith.select %parallel_loop3A_546, %parallel_loop3A_520, %parallel_loop3A_530 : vector<16xi1>, vector<16xi32>
        %parallel_loop3A_551 = arith.cmpf olt, %parallel_loop3A_532, %parallel_loop3A_537 : vector<16xf32>
        %parallel_loop3A_552 = arith.maximumf %parallel_loop3A_532, %parallel_loop3A_537 : vector<16xf32>
        %parallel_loop3A_553 = arith.minimumf %parallel_loop3A_532, %parallel_loop3A_537 : vector<16xf32>
        %parallel_loop3A_554 = arith.select %parallel_loop3A_551, %parallel_loop3A_539, %parallel_loop3A_534 : vector<16xi1>, vector<16xi32>
        %parallel_loop3A_555 = arith.select %parallel_loop3A_551, %parallel_loop3A_534, %parallel_loop3A_539 : vector<16xi1>, vector<16xi32>
        %parallel_loop3A_556 = arith.cmpf olt, %parallel_loop3A_533, %parallel_loop3A_538 : vector<16xf32>
        %parallel_loop3A_557 = arith.maximumf %parallel_loop3A_533, %parallel_loop3A_538 : vector<16xf32>
        %parallel_loop3A_558 = arith.minimumf %parallel_loop3A_533, %parallel_loop3A_538 : vector<16xf32>
        %parallel_loop3A_559 = arith.select %parallel_loop3A_556, %parallel_loop3A_540, %parallel_loop3A_535 : vector<16xi1>, vector<16xi32>
        %parallel_loop3A_560 = arith.select %parallel_loop3A_556, %parallel_loop3A_535, %parallel_loop3A_540 : vector<16xi1>, vector<16xi32>
        %parallel_loop3A_561 = arith.cmpf olt, %parallel_loop3A_542, %parallel_loop3A_547 : vector<16xf32>
        %parallel_loop3A_562 = arith.maximumf %parallel_loop3A_542, %parallel_loop3A_547 : vector<16xf32>
        %parallel_loop3A_563 = arith.minimumf %parallel_loop3A_542, %parallel_loop3A_547 : vector<16xf32>
        %parallel_loop3A_564 = arith.select %parallel_loop3A_561, %parallel_loop3A_549, %parallel_loop3A_544 : vector<16xi1>, vector<16xi32>
        %parallel_loop3A_565 = arith.select %parallel_loop3A_561, %parallel_loop3A_544, %parallel_loop3A_549 : vector<16xi1>, vector<16xi32>
        %parallel_loop3A_566 = arith.cmpf olt, %parallel_loop3A_543, %parallel_loop3A_548 : vector<16xf32>
        %parallel_loop3A_567 = arith.maximumf %parallel_loop3A_543, %parallel_loop3A_548 : vector<16xf32>
        %parallel_loop3A_568 = arith.minimumf %parallel_loop3A_543, %parallel_loop3A_548 : vector<16xf32>
        %parallel_loop3A_569 = arith.select %parallel_loop3A_566, %parallel_loop3A_550, %parallel_loop3A_545 : vector<16xi1>, vector<16xi32>
        %parallel_loop3A_570 = arith.select %parallel_loop3A_566, %parallel_loop3A_545, %parallel_loop3A_550 : vector<16xi1>, vector<16xi32>
        %parallel_loop3A_571 = arith.constant dense<true> : vector<16xi1>
        %parallel_loop3A_572, %parallel_loop3A_573, %parallel_loop3A_574 = tpu.sort %parallel_loop3A_552, %parallel_loop3A_554 masked %parallel_loop3A_571 {descending = true} : (vector<16xf32>, vector<16xi32>, vector<16xi1>) -> (vector<16xi1>, vector<16xf32>, vector<16xi32>)
        %parallel_loop3A_575 = arith.constant dense<true> : vector<16xi1>
        %parallel_loop3A_576, %parallel_loop3A_577, %parallel_loop3A_578 = tpu.sort %parallel_loop3A_553, %parallel_loop3A_555 masked %parallel_loop3A_575 {descending = true} : (vector<16xf32>, vector<16xi32>, vector<16xi1>) -> (vector<16xi1>, vector<16xf32>, vector<16xi32>)
        %parallel_loop3A_579 = arith.constant dense<true> : vector<16xi1>
        %parallel_loop3A_580, %parallel_loop3A_581, %parallel_loop3A_582 = tpu.sort %parallel_loop3A_557, %parallel_loop3A_559 masked %parallel_loop3A_579 {descending = true} : (vector<16xf32>, vector<16xi32>, vector<16xi1>) -> (vector<16xi1>, vector<16xf32>, vector<16xi32>)
        %parallel_loop3A_583 = arith.constant dense<true> : vector<16xi1>
        %parallel_loop3A_584, %parallel_loop3A_585, %parallel_loop3A_586 = tpu.sort %parallel_loop3A_558, %parallel_loop3A_560 masked %parallel_loop3A_583 {descending = true} : (vector<16xf32>, vector<16xi32>, vector<16xi1>) -> (vector<16xi1>, vector<16xf32>, vector<16xi32>)
        %parallel_loop3A_587 = arith.constant dense<true> : vector<16xi1>
        %parallel_loop3A_588, %parallel_loop3A_589, %parallel_loop3A_590 = tpu.sort %parallel_loop3A_562, %parallel_loop3A_564 masked %parallel_loop3A_587 {descending = true} : (vector<16xf32>, vector<16xi32>, vector<16xi1>) -> (vector<16xi1>, vector<16xf32>, vector<16xi32>)
        %parallel_loop3A_591 = arith.constant dense<true> : vector<16xi1>
        %parallel_loop3A_592, %parallel_loop3A_593, %parallel_loop3A_594 = tpu.sort %parallel_loop3A_563, %parallel_loop3A_565 masked %parallel_loop3A_591 {descending = true} : (vector<16xf32>, vector<16xi32>, vector<16xi1>) -> (vector<16xi1>, vector<16xf32>, vector<16xi32>)
        %parallel_loop3A_595 = arith.constant dense<true> : vector<16xi1>
        %parallel_loop3A_596, %parallel_loop3A_597, %parallel_loop3A_598 = tpu.sort %parallel_loop3A_567, %parallel_loop3A_569 masked %parallel_loop3A_595 {descending = true} : (vector<16xf32>, vector<16xi32>, vector<16xi1>) -> (vector<16xi1>, vector<16xf32>, vector<16xi32>)
        %parallel_loop3A_599 = arith.constant dense<true> : vector<16xi1>
        %parallel_loop3A_600, %parallel_loop3A_601, %parallel_loop3A_602 = tpu.sort %parallel_loop3A_568, %parallel_loop3A_570 masked %parallel_loop3A_599 {descending = true} : (vector<16xf32>, vector<16xi32>, vector<16xi1>) -> (vector<16xi1>, vector<16xf32>, vector<16xi32>)
        %parallel_loop3A_603 = arith.cmpf ogt, %parallel_loop3A_461, %parallel_loop3A_497 : vector<16xf32>
        %parallel_loop3A_604 = arith.minimumf %parallel_loop3A_461, %parallel_loop3A_497 : vector<16xf32>
        %parallel_loop3A_605 = arith.maximumf %parallel_loop3A_461, %parallel_loop3A_497 : vector<16xf32>
        %parallel_loop3A_606 = arith.select %parallel_loop3A_603, %parallel_loop3A_498, %parallel_loop3A_462 : vector<16xi1>, vector<16xi32>
        %parallel_loop3A_607 = arith.select %parallel_loop3A_603, %parallel_loop3A_462, %parallel_loop3A_498 : vector<16xi1>, vector<16xi32>
        %parallel_loop3A_608 = arith.cmpf ogt, %parallel_loop3A_465, %parallel_loop3A_501 : vector<16xf32>
        %parallel_loop3A_609 = arith.minimumf %parallel_loop3A_465, %parallel_loop3A_501 : vector<16xf32>
        %parallel_loop3A_610 = arith.maximumf %parallel_loop3A_465, %parallel_loop3A_501 : vector<16xf32>
        %parallel_loop3A_611 = arith.select %parallel_loop3A_608, %parallel_loop3A_502, %parallel_loop3A_466 : vector<16xi1>, vector<16xi32>
        %parallel_loop3A_612 = arith.select %parallel_loop3A_608, %parallel_loop3A_466, %parallel_loop3A_502 : vector<16xi1>, vector<16xi32>
        %parallel_loop3A_613 = arith.cmpf ogt, %parallel_loop3A_469, %parallel_loop3A_505 : vector<16xf32>
        %parallel_loop3A_614 = arith.minimumf %parallel_loop3A_469, %parallel_loop3A_505 : vector<16xf32>
        %parallel_loop3A_615 = arith.maximumf %parallel_loop3A_469, %parallel_loop3A_505 : vector<16xf32>
        %parallel_loop3A_616 = arith.select %parallel_loop3A_613, %parallel_loop3A_506, %parallel_loop3A_470 : vector<16xi1>, vector<16xi32>
        %parallel_loop3A_617 = arith.select %parallel_loop3A_613, %parallel_loop3A_470, %parallel_loop3A_506 : vector<16xi1>, vector<16xi32>
        %parallel_loop3A_618 = arith.cmpf ogt, %parallel_loop3A_473, %parallel_loop3A_509 : vector<16xf32>
        %parallel_loop3A_619 = arith.minimumf %parallel_loop3A_473, %parallel_loop3A_509 : vector<16xf32>
        %parallel_loop3A_620 = arith.maximumf %parallel_loop3A_473, %parallel_loop3A_509 : vector<16xf32>
        %parallel_loop3A_621 = arith.select %parallel_loop3A_618, %parallel_loop3A_510, %parallel_loop3A_474 : vector<16xi1>, vector<16xi32>
        %parallel_loop3A_622 = arith.select %parallel_loop3A_618, %parallel_loop3A_474, %parallel_loop3A_510 : vector<16xi1>, vector<16xi32>
        %parallel_loop3A_623 = arith.cmpf ogt, %parallel_loop3A_604, %parallel_loop3A_614 : vector<16xf32>
        %parallel_loop3A_624 = arith.minimumf %parallel_loop3A_604, %parallel_loop3A_614 : vector<16xf32>
        %parallel_loop3A_625 = arith.maximumf %parallel_loop3A_604, %parallel_loop3A_614 : vector<16xf32>
        %parallel_loop3A_626 = arith.select %parallel_loop3A_623, %parallel_loop3A_616, %parallel_loop3A_606 : vector<16xi1>, vector<16xi32>
        %parallel_loop3A_627 = arith.select %parallel_loop3A_623, %parallel_loop3A_606, %parallel_loop3A_616 : vector<16xi1>, vector<16xi32>
        %parallel_loop3A_628 = arith.cmpf ogt, %parallel_loop3A_609, %parallel_loop3A_619 : vector<16xf32>
        %parallel_loop3A_629 = arith.minimumf %parallel_loop3A_609, %parallel_loop3A_619 : vector<16xf32>
        %parallel_loop3A_630 = arith.maximumf %parallel_loop3A_609, %parallel_loop3A_619 : vector<16xf32>
        %parallel_loop3A_631 = arith.select %parallel_loop3A_628, %parallel_loop3A_621, %parallel_loop3A_611 : vector<16xi1>, vector<16xi32>
        %parallel_loop3A_632 = arith.select %parallel_loop3A_628, %parallel_loop3A_611, %parallel_loop3A_621 : vector<16xi1>, vector<16xi32>
        %parallel_loop3A_633 = arith.cmpf ogt, %parallel_loop3A_605, %parallel_loop3A_615 : vector<16xf32>
        %parallel_loop3A_634 = arith.minimumf %parallel_loop3A_605, %parallel_loop3A_615 : vector<16xf32>
        %parallel_loop3A_635 = arith.maximumf %parallel_loop3A_605, %parallel_loop3A_615 : vector<16xf32>
        %parallel_loop3A_636 = arith.select %parallel_loop3A_633, %parallel_loop3A_617, %parallel_loop3A_607 : vector<16xi1>, vector<16xi32>
        %parallel_loop3A_637 = arith.select %parallel_loop3A_633, %parallel_loop3A_607, %parallel_loop3A_617 : vector<16xi1>, vector<16xi32>
        %parallel_loop3A_638 = arith.cmpf ogt, %parallel_loop3A_610, %parallel_loop3A_620 : vector<16xf32>
        %parallel_loop3A_639 = arith.minimumf %parallel_loop3A_610, %parallel_loop3A_620 : vector<16xf32>
        %parallel_loop3A_640 = arith.maximumf %parallel_loop3A_610, %parallel_loop3A_620 : vector<16xf32>
        %parallel_loop3A_641 = arith.select %parallel_loop3A_638, %parallel_loop3A_622, %parallel_loop3A_612 : vector<16xi1>, vector<16xi32>
        %parallel_loop3A_642 = arith.select %parallel_loop3A_638, %parallel_loop3A_612, %parallel_loop3A_622 : vector<16xi1>, vector<16xi32>
        %parallel_loop3A_643 = arith.cmpf ogt, %parallel_loop3A_624, %parallel_loop3A_629 : vector<16xf32>
        %parallel_loop3A_644 = arith.minimumf %parallel_loop3A_624, %parallel_loop3A_629 : vector<16xf32>
        %parallel_loop3A_645 = arith.maximumf %parallel_loop3A_624, %parallel_loop3A_629 : vector<16xf32>
        %parallel_loop3A_646 = arith.select %parallel_loop3A_643, %parallel_loop3A_631, %parallel_loop3A_626 : vector<16xi1>, vector<16xi32>
        %parallel_loop3A_647 = arith.select %parallel_loop3A_643, %parallel_loop3A_626, %parallel_loop3A_631 : vector<16xi1>, vector<16xi32>
        %parallel_loop3A_648 = arith.cmpf ogt, %parallel_loop3A_625, %parallel_loop3A_630 : vector<16xf32>
        %parallel_loop3A_649 = arith.minimumf %parallel_loop3A_625, %parallel_loop3A_630 : vector<16xf32>
        %parallel_loop3A_650 = arith.maximumf %parallel_loop3A_625, %parallel_loop3A_630 : vector<16xf32>
        %parallel_loop3A_651 = arith.select %parallel_loop3A_648, %parallel_loop3A_632, %parallel_loop3A_627 : vector<16xi1>, vector<16xi32>
        %parallel_loop3A_652 = arith.select %parallel_loop3A_648, %parallel_loop3A_627, %parallel_loop3A_632 : vector<16xi1>, vector<16xi32>
        %parallel_loop3A_653 = arith.cmpf ogt, %parallel_loop3A_634, %parallel_loop3A_639 : vector<16xf32>
        %parallel_loop3A_654 = arith.minimumf %parallel_loop3A_634, %parallel_loop3A_639 : vector<16xf32>
        %parallel_loop3A_655 = arith.maximumf %parallel_loop3A_634, %parallel_loop3A_639 : vector<16xf32>
        %parallel_loop3A_656 = arith.select %parallel_loop3A_653, %parallel_loop3A_641, %parallel_loop3A_636 : vector<16xi1>, vector<16xi32>
        %parallel_loop3A_657 = arith.select %parallel_loop3A_653, %parallel_loop3A_636, %parallel_loop3A_641 : vector<16xi1>, vector<16xi32>
        %parallel_loop3A_658 = arith.cmpf ogt, %parallel_loop3A_635, %parallel_loop3A_640 : vector<16xf32>
        %parallel_loop3A_659 = arith.minimumf %parallel_loop3A_635, %parallel_loop3A_640 : vector<16xf32>
        %parallel_loop3A_660 = arith.maximumf %parallel_loop3A_635, %parallel_loop3A_640 : vector<16xf32>
        %parallel_loop3A_661 = arith.select %parallel_loop3A_658, %parallel_loop3A_642, %parallel_loop3A_637 : vector<16xi1>, vector<16xi32>
        %parallel_loop3A_662 = arith.select %parallel_loop3A_658, %parallel_loop3A_637, %parallel_loop3A_642 : vector<16xi1>, vector<16xi32>
        %parallel_loop3A_663 = arith.constant dense<true> : vector<16xi1>
        %parallel_loop3A_664, %parallel_loop3A_665, %parallel_loop3A_666 = tpu.sort %parallel_loop3A_644, %parallel_loop3A_646 masked %parallel_loop3A_663 : (vector<16xf32>, vector<16xi32>, vector<16xi1>) -> (vector<16xi1>, vector<16xf32>, vector<16xi32>)
        %parallel_loop3A_667 = arith.constant dense<true> : vector<16xi1>
        %parallel_loop3A_668, %parallel_loop3A_669, %parallel_loop3A_670 = tpu.sort %parallel_loop3A_645, %parallel_loop3A_647 masked %parallel_loop3A_667 : (vector<16xf32>, vector<16xi32>, vector<16xi1>) -> (vector<16xi1>, vector<16xf32>, vector<16xi32>)
        %parallel_loop3A_671 = arith.constant dense<true> : vector<16xi1>
        %parallel_loop3A_672, %parallel_loop3A_673, %parallel_loop3A_674 = tpu.sort %parallel_loop3A_649, %parallel_loop3A_651 masked %parallel_loop3A_671 : (vector<16xf32>, vector<16xi32>, vector<16xi1>) -> (vector<16xi1>, vector<16xf32>, vector<16xi32>)
        %parallel_loop3A_675 = arith.constant dense<true> : vector<16xi1>
        %parallel_loop3A_676, %parallel_loop3A_677, %parallel_loop3A_678 = tpu.sort %parallel_loop3A_650, %parallel_loop3A_652 masked %parallel_loop3A_675 : (vector<16xf32>, vector<16xi32>, vector<16xi1>) -> (vector<16xi1>, vector<16xf32>, vector<16xi32>)
        %parallel_loop3A_679 = arith.constant dense<true> : vector<16xi1>
        %parallel_loop3A_680, %parallel_loop3A_681, %parallel_loop3A_682 = tpu.sort %parallel_loop3A_654, %parallel_loop3A_656 masked %parallel_loop3A_679 : (vector<16xf32>, vector<16xi32>, vector<16xi1>) -> (vector<16xi1>, vector<16xf32>, vector<16xi32>)
        %parallel_loop3A_683 = arith.constant dense<true> : vector<16xi1>
        %parallel_loop3A_684, %parallel_loop3A_685, %parallel_loop3A_686 = tpu.sort %parallel_loop3A_655, %parallel_loop3A_657 masked %parallel_loop3A_683 : (vector<16xf32>, vector<16xi32>, vector<16xi1>) -> (vector<16xi1>, vector<16xf32>, vector<16xi32>)
        %parallel_loop3A_687 = arith.constant dense<true> : vector<16xi1>
        %parallel_loop3A_688, %parallel_loop3A_689, %parallel_loop3A_690 = tpu.sort %parallel_loop3A_659, %parallel_loop3A_661 masked %parallel_loop3A_687 : (vector<16xf32>, vector<16xi32>, vector<16xi1>) -> (vector<16xi1>, vector<16xf32>, vector<16xi32>)
        %parallel_loop3A_691 = arith.constant dense<true> : vector<16xi1>
        %parallel_loop3A_692, %parallel_loop3A_693, %parallel_loop3A_694 = tpu.sort %parallel_loop3A_660, %parallel_loop3A_662 masked %parallel_loop3A_691 : (vector<16xf32>, vector<16xi32>, vector<16xi1>) -> (vector<16xi1>, vector<16xf32>, vector<16xi32>)
        %parallel_loop3A_695 = arith.cmpf olt, %parallel_loop3A_573, %parallel_loop3A_665 : vector<16xf32>
        %parallel_loop3A_696 = arith.maximumf %parallel_loop3A_573, %parallel_loop3A_665 : vector<16xf32>
        %parallel_loop3A_697 = arith.minimumf %parallel_loop3A_573, %parallel_loop3A_665 : vector<16xf32>
        %parallel_loop3A_698 = arith.select %parallel_loop3A_695, %parallel_loop3A_666, %parallel_loop3A_574 : vector<16xi1>, vector<16xi32>
        %parallel_loop3A_699 = arith.select %parallel_loop3A_695, %parallel_loop3A_574, %parallel_loop3A_666 : vector<16xi1>, vector<16xi32>
        %parallel_loop3A_700 = arith.cmpf olt, %parallel_loop3A_577, %parallel_loop3A_669 : vector<16xf32>
        %parallel_loop3A_701 = arith.maximumf %parallel_loop3A_577, %parallel_loop3A_669 : vector<16xf32>
        %parallel_loop3A_702 = arith.minimumf %parallel_loop3A_577, %parallel_loop3A_669 : vector<16xf32>
        %parallel_loop3A_703 = arith.select %parallel_loop3A_700, %parallel_loop3A_670, %parallel_loop3A_578 : vector<16xi1>, vector<16xi32>
        %parallel_loop3A_704 = arith.select %parallel_loop3A_700, %parallel_loop3A_578, %parallel_loop3A_670 : vector<16xi1>, vector<16xi32>
        %parallel_loop3A_705 = arith.cmpf olt, %parallel_loop3A_581, %parallel_loop3A_673 : vector<16xf32>
        %parallel_loop3A_706 = arith.maximumf %parallel_loop3A_581, %parallel_loop3A_673 : vector<16xf32>
        %parallel_loop3A_707 = arith.minimumf %parallel_loop3A_581, %parallel_loop3A_673 : vector<16xf32>
        %parallel_loop3A_708 = arith.select %parallel_loop3A_705, %parallel_loop3A_674, %parallel_loop3A_582 : vector<16xi1>, vector<16xi32>
        %parallel_loop3A_709 = arith.select %parallel_loop3A_705, %parallel_loop3A_582, %parallel_loop3A_674 : vector<16xi1>, vector<16xi32>
        %parallel_loop3A_710 = arith.cmpf olt, %parallel_loop3A_585, %parallel_loop3A_677 : vector<16xf32>
        %parallel_loop3A_711 = arith.maximumf %parallel_loop3A_585, %parallel_loop3A_677 : vector<16xf32>
        %parallel_loop3A_712 = arith.minimumf %parallel_loop3A_585, %parallel_loop3A_677 : vector<16xf32>
        %parallel_loop3A_713 = arith.select %parallel_loop3A_710, %parallel_loop3A_678, %parallel_loop3A_586 : vector<16xi1>, vector<16xi32>
        %parallel_loop3A_714 = arith.select %parallel_loop3A_710, %parallel_loop3A_586, %parallel_loop3A_678 : vector<16xi1>, vector<16xi32>
        %parallel_loop3A_715 = arith.cmpf olt, %parallel_loop3A_589, %parallel_loop3A_681 : vector<16xf32>
        %parallel_loop3A_716 = arith.maximumf %parallel_loop3A_589, %parallel_loop3A_681 : vector<16xf32>
        %parallel_loop3A_717 = arith.minimumf %parallel_loop3A_589, %parallel_loop3A_681 : vector<16xf32>
        %parallel_loop3A_718 = arith.select %parallel_loop3A_715, %parallel_loop3A_682, %parallel_loop3A_590 : vector<16xi1>, vector<16xi32>
        %parallel_loop3A_719 = arith.select %parallel_loop3A_715, %parallel_loop3A_590, %parallel_loop3A_682 : vector<16xi1>, vector<16xi32>
        %parallel_loop3A_720 = arith.cmpf olt, %parallel_loop3A_593, %parallel_loop3A_685 : vector<16xf32>
        %parallel_loop3A_721 = arith.maximumf %parallel_loop3A_593, %parallel_loop3A_685 : vector<16xf32>
        %parallel_loop3A_722 = arith.minimumf %parallel_loop3A_593, %parallel_loop3A_685 : vector<16xf32>
        %parallel_loop3A_723 = arith.select %parallel_loop3A_720, %parallel_loop3A_686, %parallel_loop3A_594 : vector<16xi1>, vector<16xi32>
        %parallel_loop3A_724 = arith.select %parallel_loop3A_720, %parallel_loop3A_594, %parallel_loop3A_686 : vector<16xi1>, vector<16xi32>
        %parallel_loop3A_725 = arith.cmpf olt, %parallel_loop3A_597, %parallel_loop3A_689 : vector<16xf32>
        %parallel_loop3A_726 = arith.maximumf %parallel_loop3A_597, %parallel_loop3A_689 : vector<16xf32>
        %parallel_loop3A_727 = arith.minimumf %parallel_loop3A_597, %parallel_loop3A_689 : vector<16xf32>
        %parallel_loop3A_728 = arith.select %parallel_loop3A_725, %parallel_loop3A_690, %parallel_loop3A_598 : vector<16xi1>, vector<16xi32>
        %parallel_loop3A_729 = arith.select %parallel_loop3A_725, %parallel_loop3A_598, %parallel_loop3A_690 : vector<16xi1>, vector<16xi32>
        %parallel_loop3A_730 = arith.cmpf olt, %parallel_loop3A_601, %parallel_loop3A_693 : vector<16xf32>
        %parallel_loop3A_731 = arith.maximumf %parallel_loop3A_601, %parallel_loop3A_693 : vector<16xf32>
        %parallel_loop3A_732 = arith.minimumf %parallel_loop3A_601, %parallel_loop3A_693 : vector<16xf32>
        %parallel_loop3A_733 = arith.select %parallel_loop3A_730, %parallel_loop3A_694, %parallel_loop3A_602 : vector<16xi1>, vector<16xi32>
        %parallel_loop3A_734 = arith.select %parallel_loop3A_730, %parallel_loop3A_602, %parallel_loop3A_694 : vector<16xi1>, vector<16xi32>
        %parallel_loop3A_735 = arith.cmpf olt, %parallel_loop3A_696, %parallel_loop3A_716 : vector<16xf32>
        %parallel_loop3A_736 = arith.maximumf %parallel_loop3A_696, %parallel_loop3A_716 : vector<16xf32>
        %parallel_loop3A_737 = arith.minimumf %parallel_loop3A_696, %parallel_loop3A_716 : vector<16xf32>
        %parallel_loop3A_738 = arith.select %parallel_loop3A_735, %parallel_loop3A_718, %parallel_loop3A_698 : vector<16xi1>, vector<16xi32>
        %parallel_loop3A_739 = arith.select %parallel_loop3A_735, %parallel_loop3A_698, %parallel_loop3A_718 : vector<16xi1>, vector<16xi32>
        %parallel_loop3A_740 = arith.cmpf olt, %parallel_loop3A_701, %parallel_loop3A_721 : vector<16xf32>
        %parallel_loop3A_741 = arith.maximumf %parallel_loop3A_701, %parallel_loop3A_721 : vector<16xf32>
        %parallel_loop3A_742 = arith.minimumf %parallel_loop3A_701, %parallel_loop3A_721 : vector<16xf32>
        %parallel_loop3A_743 = arith.select %parallel_loop3A_740, %parallel_loop3A_723, %parallel_loop3A_703 : vector<16xi1>, vector<16xi32>
        %parallel_loop3A_744 = arith.select %parallel_loop3A_740, %parallel_loop3A_703, %parallel_loop3A_723 : vector<16xi1>, vector<16xi32>
        %parallel_loop3A_745 = arith.cmpf olt, %parallel_loop3A_706, %parallel_loop3A_726 : vector<16xf32>
        %parallel_loop3A_746 = arith.maximumf %parallel_loop3A_706, %parallel_loop3A_726 : vector<16xf32>
        %parallel_loop3A_747 = arith.minimumf %parallel_loop3A_706, %parallel_loop3A_726 : vector<16xf32>
        %parallel_loop3A_748 = arith.select %parallel_loop3A_745, %parallel_loop3A_728, %parallel_loop3A_708 : vector<16xi1>, vector<16xi32>
        %parallel_loop3A_749 = arith.select %parallel_loop3A_745, %parallel_loop3A_708, %parallel_loop3A_728 : vector<16xi1>, vector<16xi32>
        %parallel_loop3A_750 = arith.cmpf olt, %parallel_loop3A_711, %parallel_loop3A_731 : vector<16xf32>
        %parallel_loop3A_751 = arith.maximumf %parallel_loop3A_711, %parallel_loop3A_731 : vector<16xf32>
        %parallel_loop3A_752 = arith.minimumf %parallel_loop3A_711, %parallel_loop3A_731 : vector<16xf32>
        %parallel_loop3A_753 = arith.select %parallel_loop3A_750, %parallel_loop3A_733, %parallel_loop3A_713 : vector<16xi1>, vector<16xi32>
        %parallel_loop3A_754 = arith.select %parallel_loop3A_750, %parallel_loop3A_713, %parallel_loop3A_733 : vector<16xi1>, vector<16xi32>
        %parallel_loop3A_755 = arith.cmpf olt, %parallel_loop3A_697, %parallel_loop3A_717 : vector<16xf32>
        %parallel_loop3A_756 = arith.maximumf %parallel_loop3A_697, %parallel_loop3A_717 : vector<16xf32>
        %parallel_loop3A_757 = arith.minimumf %parallel_loop3A_697, %parallel_loop3A_717 : vector<16xf32>
        %parallel_loop3A_758 = arith.select %parallel_loop3A_755, %parallel_loop3A_719, %parallel_loop3A_699 : vector<16xi1>, vector<16xi32>
        %parallel_loop3A_759 = arith.select %parallel_loop3A_755, %parallel_loop3A_699, %parallel_loop3A_719 : vector<16xi1>, vector<16xi32>
        %parallel_loop3A_760 = arith.cmpf olt, %parallel_loop3A_702, %parallel_loop3A_722 : vector<16xf32>
        %parallel_loop3A_761 = arith.maximumf %parallel_loop3A_702, %parallel_loop3A_722 : vector<16xf32>
        %parallel_loop3A_762 = arith.minimumf %parallel_loop3A_702, %parallel_loop3A_722 : vector<16xf32>
        %parallel_loop3A_763 = arith.select %parallel_loop3A_760, %parallel_loop3A_724, %parallel_loop3A_704 : vector<16xi1>, vector<16xi32>
        %parallel_loop3A_764 = arith.select %parallel_loop3A_760, %parallel_loop3A_704, %parallel_loop3A_724 : vector<16xi1>, vector<16xi32>
        %parallel_loop3A_765 = arith.cmpf olt, %parallel_loop3A_707, %parallel_loop3A_727 : vector<16xf32>
        %parallel_loop3A_766 = arith.maximumf %parallel_loop3A_707, %parallel_loop3A_727 : vector<16xf32>
        %parallel_loop3A_767 = arith.minimumf %parallel_loop3A_707, %parallel_loop3A_727 : vector<16xf32>
        %parallel_loop3A_768 = arith.select %parallel_loop3A_765, %parallel_loop3A_729, %parallel_loop3A_709 : vector<16xi1>, vector<16xi32>
        %parallel_loop3A_769 = arith.select %parallel_loop3A_765, %parallel_loop3A_709, %parallel_loop3A_729 : vector<16xi1>, vector<16xi32>
        %parallel_loop3A_770 = arith.cmpf olt, %parallel_loop3A_712, %parallel_loop3A_732 : vector<16xf32>
        %parallel_loop3A_771 = arith.maximumf %parallel_loop3A_712, %parallel_loop3A_732 : vector<16xf32>
        %parallel_loop3A_772 = arith.minimumf %parallel_loop3A_712, %parallel_loop3A_732 : vector<16xf32>
        %parallel_loop3A_773 = arith.select %parallel_loop3A_770, %parallel_loop3A_734, %parallel_loop3A_714 : vector<16xi1>, vector<16xi32>
        %parallel_loop3A_774 = arith.select %parallel_loop3A_770, %parallel_loop3A_714, %parallel_loop3A_734 : vector<16xi1>, vector<16xi32>
        %parallel_loop3A_775 = arith.cmpf olt, %parallel_loop3A_736, %parallel_loop3A_746 : vector<16xf32>
        %parallel_loop3A_776 = arith.maximumf %parallel_loop3A_736, %parallel_loop3A_746 : vector<16xf32>
        %parallel_loop3A_777 = arith.minimumf %parallel_loop3A_736, %parallel_loop3A_746 : vector<16xf32>
        %parallel_loop3A_778 = arith.select %parallel_loop3A_775, %parallel_loop3A_748, %parallel_loop3A_738 : vector<16xi1>, vector<16xi32>
        %parallel_loop3A_779 = arith.select %parallel_loop3A_775, %parallel_loop3A_738, %parallel_loop3A_748 : vector<16xi1>, vector<16xi32>
        %parallel_loop3A_780 = arith.cmpf olt, %parallel_loop3A_741, %parallel_loop3A_751 : vector<16xf32>
        %parallel_loop3A_781 = arith.maximumf %parallel_loop3A_741, %parallel_loop3A_751 : vector<16xf32>
        %parallel_loop3A_782 = arith.minimumf %parallel_loop3A_741, %parallel_loop3A_751 : vector<16xf32>
        %parallel_loop3A_783 = arith.select %parallel_loop3A_780, %parallel_loop3A_753, %parallel_loop3A_743 : vector<16xi1>, vector<16xi32>
        %parallel_loop3A_784 = arith.select %parallel_loop3A_780, %parallel_loop3A_743, %parallel_loop3A_753 : vector<16xi1>, vector<16xi32>
        %parallel_loop3A_785 = arith.cmpf olt, %parallel_loop3A_737, %parallel_loop3A_747 : vector<16xf32>
        %parallel_loop3A_786 = arith.maximumf %parallel_loop3A_737, %parallel_loop3A_747 : vector<16xf32>
        %parallel_loop3A_787 = arith.minimumf %parallel_loop3A_737, %parallel_loop3A_747 : vector<16xf32>
        %parallel_loop3A_788 = arith.select %parallel_loop3A_785, %parallel_loop3A_749, %parallel_loop3A_739 : vector<16xi1>, vector<16xi32>
        %parallel_loop3A_789 = arith.select %parallel_loop3A_785, %parallel_loop3A_739, %parallel_loop3A_749 : vector<16xi1>, vector<16xi32>
        %parallel_loop3A_790 = arith.cmpf olt, %parallel_loop3A_742, %parallel_loop3A_752 : vector<16xf32>
        %parallel_loop3A_791 = arith.maximumf %parallel_loop3A_742, %parallel_loop3A_752 : vector<16xf32>
        %parallel_loop3A_792 = arith.minimumf %parallel_loop3A_742, %parallel_loop3A_752 : vector<16xf32>
        %parallel_loop3A_793 = arith.select %parallel_loop3A_790, %parallel_loop3A_754, %parallel_loop3A_744 : vector<16xi1>, vector<16xi32>
        %parallel_loop3A_794 = arith.select %parallel_loop3A_790, %parallel_loop3A_744, %parallel_loop3A_754 : vector<16xi1>, vector<16xi32>
        %parallel_loop3A_795 = arith.cmpf olt, %parallel_loop3A_756, %parallel_loop3A_766 : vector<16xf32>
        %parallel_loop3A_796 = arith.maximumf %parallel_loop3A_756, %parallel_loop3A_766 : vector<16xf32>
        %parallel_loop3A_797 = arith.minimumf %parallel_loop3A_756, %parallel_loop3A_766 : vector<16xf32>
        %parallel_loop3A_798 = arith.select %parallel_loop3A_795, %parallel_loop3A_768, %parallel_loop3A_758 : vector<16xi1>, vector<16xi32>
        %parallel_loop3A_799 = arith.select %parallel_loop3A_795, %parallel_loop3A_758, %parallel_loop3A_768 : vector<16xi1>, vector<16xi32>
        %parallel_loop3A_800 = arith.cmpf olt, %parallel_loop3A_761, %parallel_loop3A_771 : vector<16xf32>
        %parallel_loop3A_801 = arith.maximumf %parallel_loop3A_761, %parallel_loop3A_771 : vector<16xf32>
        %parallel_loop3A_802 = arith.minimumf %parallel_loop3A_761, %parallel_loop3A_771 : vector<16xf32>
        %parallel_loop3A_803 = arith.select %parallel_loop3A_800, %parallel_loop3A_773, %parallel_loop3A_763 : vector<16xi1>, vector<16xi32>
        %parallel_loop3A_804 = arith.select %parallel_loop3A_800, %parallel_loop3A_763, %parallel_loop3A_773 : vector<16xi1>, vector<16xi32>
        %parallel_loop3A_805 = arith.cmpf olt, %parallel_loop3A_757, %parallel_loop3A_767 : vector<16xf32>
        %parallel_loop3A_806 = arith.maximumf %parallel_loop3A_757, %parallel_loop3A_767 : vector<16xf32>
        %parallel_loop3A_807 = arith.minimumf %parallel_loop3A_757, %parallel_loop3A_767 : vector<16xf32>
        %parallel_loop3A_808 = arith.select %parallel_loop3A_805, %parallel_loop3A_769, %parallel_loop3A_759 : vector<16xi1>, vector<16xi32>
        %parallel_loop3A_809 = arith.select %parallel_loop3A_805, %parallel_loop3A_759, %parallel_loop3A_769 : vector<16xi1>, vector<16xi32>
        %parallel_loop3A_810 = arith.cmpf olt, %parallel_loop3A_762, %parallel_loop3A_772 : vector<16xf32>
        %parallel_loop3A_811 = arith.maximumf %parallel_loop3A_762, %parallel_loop3A_772 : vector<16xf32>
        %parallel_loop3A_812 = arith.minimumf %parallel_loop3A_762, %parallel_loop3A_772 : vector<16xf32>
        %parallel_loop3A_813 = arith.select %parallel_loop3A_810, %parallel_loop3A_774, %parallel_loop3A_764 : vector<16xi1>, vector<16xi32>
        %parallel_loop3A_814 = arith.select %parallel_loop3A_810, %parallel_loop3A_764, %parallel_loop3A_774 : vector<16xi1>, vector<16xi32>
        %parallel_loop3A_815 = arith.cmpf olt, %parallel_loop3A_776, %parallel_loop3A_781 : vector<16xf32>
        %parallel_loop3A_816 = arith.maximumf %parallel_loop3A_776, %parallel_loop3A_781 : vector<16xf32>
        %parallel_loop3A_817 = arith.minimumf %parallel_loop3A_776, %parallel_loop3A_781 : vector<16xf32>
        %parallel_loop3A_818 = arith.select %parallel_loop3A_815, %parallel_loop3A_783, %parallel_loop3A_778 : vector<16xi1>, vector<16xi32>
        %parallel_loop3A_819 = arith.select %parallel_loop3A_815, %parallel_loop3A_778, %parallel_loop3A_783 : vector<16xi1>, vector<16xi32>
        %parallel_loop3A_820 = arith.cmpf olt, %parallel_loop3A_777, %parallel_loop3A_782 : vector<16xf32>
        %parallel_loop3A_821 = arith.maximumf %parallel_loop3A_777, %parallel_loop3A_782 : vector<16xf32>
        %parallel_loop3A_822 = arith.minimumf %parallel_loop3A_777, %parallel_loop3A_782 : vector<16xf32>
        %parallel_loop3A_823 = arith.select %parallel_loop3A_820, %parallel_loop3A_784, %parallel_loop3A_779 : vector<16xi1>, vector<16xi32>
        %parallel_loop3A_824 = arith.select %parallel_loop3A_820, %parallel_loop3A_779, %parallel_loop3A_784 : vector<16xi1>, vector<16xi32>
        %parallel_loop3A_825 = arith.cmpf olt, %parallel_loop3A_786, %parallel_loop3A_791 : vector<16xf32>
        %parallel_loop3A_826 = arith.maximumf %parallel_loop3A_786, %parallel_loop3A_791 : vector<16xf32>
        %parallel_loop3A_827 = arith.minimumf %parallel_loop3A_786, %parallel_loop3A_791 : vector<16xf32>
        %parallel_loop3A_828 = arith.select %parallel_loop3A_825, %parallel_loop3A_793, %parallel_loop3A_788 : vector<16xi1>, vector<16xi32>
        %parallel_loop3A_829 = arith.select %parallel_loop3A_825, %parallel_loop3A_788, %parallel_loop3A_793 : vector<16xi1>, vector<16xi32>
        %parallel_loop3A_830 = arith.cmpf olt, %parallel_loop3A_787, %parallel_loop3A_792 : vector<16xf32>
        %parallel_loop3A_831 = arith.maximumf %parallel_loop3A_787, %parallel_loop3A_792 : vector<16xf32>
        %parallel_loop3A_832 = arith.minimumf %parallel_loop3A_787, %parallel_loop3A_792 : vector<16xf32>
        %parallel_loop3A_833 = arith.select %parallel_loop3A_830, %parallel_loop3A_794, %parallel_loop3A_789 : vector<16xi1>, vector<16xi32>
        %parallel_loop3A_834 = arith.select %parallel_loop3A_830, %parallel_loop3A_789, %parallel_loop3A_794 : vector<16xi1>, vector<16xi32>
        %parallel_loop3A_835 = arith.cmpf olt, %parallel_loop3A_796, %parallel_loop3A_801 : vector<16xf32>
        %parallel_loop3A_836 = arith.maximumf %parallel_loop3A_796, %parallel_loop3A_801 : vector<16xf32>
        %parallel_loop3A_837 = arith.minimumf %parallel_loop3A_796, %parallel_loop3A_801 : vector<16xf32>
        %parallel_loop3A_838 = arith.select %parallel_loop3A_835, %parallel_loop3A_803, %parallel_loop3A_798 : vector<16xi1>, vector<16xi32>
        %parallel_loop3A_839 = arith.select %parallel_loop3A_835, %parallel_loop3A_798, %parallel_loop3A_803 : vector<16xi1>, vector<16xi32>
        %parallel_loop3A_840 = arith.cmpf olt, %parallel_loop3A_797, %parallel_loop3A_802 : vector<16xf32>
        %parallel_loop3A_841 = arith.maximumf %parallel_loop3A_797, %parallel_loop3A_802 : vector<16xf32>
        %parallel_loop3A_842 = arith.minimumf %parallel_loop3A_797, %parallel_loop3A_802 : vector<16xf32>
        %parallel_loop3A_843 = arith.select %parallel_loop3A_840, %parallel_loop3A_804, %parallel_loop3A_799 : vector<16xi1>, vector<16xi32>
        %parallel_loop3A_844 = arith.select %parallel_loop3A_840, %parallel_loop3A_799, %parallel_loop3A_804 : vector<16xi1>, vector<16xi32>
        %parallel_loop3A_845 = arith.cmpf olt, %parallel_loop3A_806, %parallel_loop3A_811 : vector<16xf32>
        %parallel_loop3A_846 = arith.maximumf %parallel_loop3A_806, %parallel_loop3A_811 : vector<16xf32>
        %parallel_loop3A_847 = arith.minimumf %parallel_loop3A_806, %parallel_loop3A_811 : vector<16xf32>
        %parallel_loop3A_848 = arith.select %parallel_loop3A_845, %parallel_loop3A_813, %parallel_loop3A_808 : vector<16xi1>, vector<16xi32>
        %parallel_loop3A_849 = arith.select %parallel_loop3A_845, %parallel_loop3A_808, %parallel_loop3A_813 : vector<16xi1>, vector<16xi32>
        %parallel_loop3A_850 = arith.cmpf olt, %parallel_loop3A_807, %parallel_loop3A_812 : vector<16xf32>
        %parallel_loop3A_851 = arith.maximumf %parallel_loop3A_807, %parallel_loop3A_812 : vector<16xf32>
        %parallel_loop3A_852 = arith.minimumf %parallel_loop3A_807, %parallel_loop3A_812 : vector<16xf32>
        %parallel_loop3A_853 = arith.select %parallel_loop3A_850, %parallel_loop3A_814, %parallel_loop3A_809 : vector<16xi1>, vector<16xi32>
        %parallel_loop3A_854 = arith.select %parallel_loop3A_850, %parallel_loop3A_809, %parallel_loop3A_814 : vector<16xi1>, vector<16xi32>
        %parallel_loop3A_855 = arith.constant dense<true> : vector<16xi1>
        %parallel_loop3A_856, %parallel_loop3A_857, %parallel_loop3A_858 = tpu.sort %parallel_loop3A_816, %parallel_loop3A_818 masked %parallel_loop3A_855 {descending = true} : (vector<16xf32>, vector<16xi32>, vector<16xi1>) -> (vector<16xi1>, vector<16xf32>, vector<16xi32>)
        %parallel_loop3A_859 = arith.constant dense<true> : vector<16xi1>
        %parallel_loop3A_860, %parallel_loop3A_861, %parallel_loop3A_862 = tpu.sort %parallel_loop3A_817, %parallel_loop3A_819 masked %parallel_loop3A_859 {descending = true} : (vector<16xf32>, vector<16xi32>, vector<16xi1>) -> (vector<16xi1>, vector<16xf32>, vector<16xi32>)
        %parallel_loop3A_863 = arith.constant dense<true> : vector<16xi1>
        %parallel_loop3A_864, %parallel_loop3A_865, %parallel_loop3A_866 = tpu.sort %parallel_loop3A_821, %parallel_loop3A_823 masked %parallel_loop3A_863 {descending = true} : (vector<16xf32>, vector<16xi32>, vector<16xi1>) -> (vector<16xi1>, vector<16xf32>, vector<16xi32>)
        %parallel_loop3A_867 = arith.constant dense<true> : vector<16xi1>
        %parallel_loop3A_868, %parallel_loop3A_869, %parallel_loop3A_870 = tpu.sort %parallel_loop3A_822, %parallel_loop3A_824 masked %parallel_loop3A_867 {descending = true} : (vector<16xf32>, vector<16xi32>, vector<16xi1>) -> (vector<16xi1>, vector<16xf32>, vector<16xi32>)
        %parallel_loop3A_871 = arith.constant dense<true> : vector<16xi1>
        %parallel_loop3A_872, %parallel_loop3A_873, %parallel_loop3A_874 = tpu.sort %parallel_loop3A_826, %parallel_loop3A_828 masked %parallel_loop3A_871 {descending = true} : (vector<16xf32>, vector<16xi32>, vector<16xi1>) -> (vector<16xi1>, vector<16xf32>, vector<16xi32>)
        %parallel_loop3A_875 = arith.constant dense<true> : vector<16xi1>
        %parallel_loop3A_876, %parallel_loop3A_877, %parallel_loop3A_878 = tpu.sort %parallel_loop3A_827, %parallel_loop3A_829 masked %parallel_loop3A_875 {descending = true} : (vector<16xf32>, vector<16xi32>, vector<16xi1>) -> (vector<16xi1>, vector<16xf32>, vector<16xi32>)
        %parallel_loop3A_879 = arith.constant dense<true> : vector<16xi1>
        %parallel_loop3A_880, %parallel_loop3A_881, %parallel_loop3A_882 = tpu.sort %parallel_loop3A_831, %parallel_loop3A_833 masked %parallel_loop3A_879 {descending = true} : (vector<16xf32>, vector<16xi32>, vector<16xi1>) -> (vector<16xi1>, vector<16xf32>, vector<16xi32>)
        %parallel_loop3A_883 = arith.constant dense<true> : vector<16xi1>
        %parallel_loop3A_884, %parallel_loop3A_885, %parallel_loop3A_886 = tpu.sort %parallel_loop3A_832, %parallel_loop3A_834 masked %parallel_loop3A_883 {descending = true} : (vector<16xf32>, vector<16xi32>, vector<16xi1>) -> (vector<16xi1>, vector<16xf32>, vector<16xi32>)
        %parallel_loop3A_887 = arith.constant dense<true> : vector<16xi1>
        %parallel_loop3A_888, %parallel_loop3A_889, %parallel_loop3A_890 = tpu.sort %parallel_loop3A_836, %parallel_loop3A_838 masked %parallel_loop3A_887 {descending = true} : (vector<16xf32>, vector<16xi32>, vector<16xi1>) -> (vector<16xi1>, vector<16xf32>, vector<16xi32>)
        %parallel_loop3A_891 = arith.constant dense<true> : vector<16xi1>
        %parallel_loop3A_892, %parallel_loop3A_893, %parallel_loop3A_894 = tpu.sort %parallel_loop3A_837, %parallel_loop3A_839 masked %parallel_loop3A_891 {descending = true} : (vector<16xf32>, vector<16xi32>, vector<16xi1>) -> (vector<16xi1>, vector<16xf32>, vector<16xi32>)
        %parallel_loop3A_895 = arith.constant dense<true> : vector<16xi1>
        %parallel_loop3A_896, %parallel_loop3A_897, %parallel_loop3A_898 = tpu.sort %parallel_loop3A_841, %parallel_loop3A_843 masked %parallel_loop3A_895 {descending = true} : (vector<16xf32>, vector<16xi32>, vector<16xi1>) -> (vector<16xi1>, vector<16xf32>, vector<16xi32>)
        %parallel_loop3A_899 = arith.constant dense<true> : vector<16xi1>
        %parallel_loop3A_900, %parallel_loop3A_901, %parallel_loop3A_902 = tpu.sort %parallel_loop3A_842, %parallel_loop3A_844 masked %parallel_loop3A_899 {descending = true} : (vector<16xf32>, vector<16xi32>, vector<16xi1>) -> (vector<16xi1>, vector<16xf32>, vector<16xi32>)
        %parallel_loop3A_903 = arith.constant dense<true> : vector<16xi1>
        %parallel_loop3A_904, %parallel_loop3A_905, %parallel_loop3A_906 = tpu.sort %parallel_loop3A_846, %parallel_loop3A_848 masked %parallel_loop3A_903 {descending = true} : (vector<16xf32>, vector<16xi32>, vector<16xi1>) -> (vector<16xi1>, vector<16xf32>, vector<16xi32>)
        %parallel_loop3A_907 = arith.constant dense<true> : vector<16xi1>
        %parallel_loop3A_908, %parallel_loop3A_909, %parallel_loop3A_910 = tpu.sort %parallel_loop3A_847, %parallel_loop3A_849 masked %parallel_loop3A_907 {descending = true} : (vector<16xf32>, vector<16xi32>, vector<16xi1>) -> (vector<16xi1>, vector<16xf32>, vector<16xi32>)
        %parallel_loop3A_911 = arith.constant dense<true> : vector<16xi1>
        %parallel_loop3A_912, %parallel_loop3A_913, %parallel_loop3A_914 = tpu.sort %parallel_loop3A_851, %parallel_loop3A_853 masked %parallel_loop3A_911 {descending = true} : (vector<16xf32>, vector<16xi32>, vector<16xi1>) -> (vector<16xi1>, vector<16xf32>, vector<16xi32>)
        %parallel_loop3A_915 = arith.constant dense<true> : vector<16xi1>
        %parallel_loop3A_916, %parallel_loop3A_917, %parallel_loop3A_918 = tpu.sort %parallel_loop3A_852, %parallel_loop3A_854 masked %parallel_loop3A_915 {descending = true} : (vector<16xf32>, vector<16xi32>, vector<16xi1>) -> (vector<16xi1>, vector<16xf32>, vector<16xi32>)
        %parallel_loop3A_919 = arith.index_cast %parallel_loop3A_150 : i32 to index
        %parallel_loop3A_920 = arith.constant 0 : index
        %parallel_loop3A_921 = tpu.vector_load %arg9[%parallel_loop3A_919, %parallel_loop3A_920] {strides = array<i32>} : memref<32x256xf32, #tpu.memory_space<vmem>>, vector<16xf32>,
        tpu.vector_store %arg9[%parallel_loop3A_919, %parallel_loop3A_920], %parallel_loop3A_857 {strides = array<i32>} : memref<32x256xf32, #tpu.memory_space<vmem>>, vector<16xf32>,
        %parallel_loop3A_922 = arith.index_cast %parallel_loop3A_150 : i32 to index
        %parallel_loop3A_923 = arith.constant 0 : index
        %parallel_loop3A_924 = tpu.vector_load %arg8[%parallel_loop3A_922, %parallel_loop3A_923] {strides = array<i32>} : memref<32x256xi32, #tpu.memory_space<vmem>>, vector<16xi32>,
        tpu.vector_store %arg8[%parallel_loop3A_922, %parallel_loop3A_923], %parallel_loop3A_858 {strides = array<i32>} : memref<32x256xi32, #tpu.memory_space<vmem>>, vector<16xi32>,
        %parallel_loop3A_925 = arith.index_cast %parallel_loop3A_150 : i32 to index
        %parallel_loop3A_926 = arith.constant 16 : index
        %parallel_loop3A_927 = tpu.vector_load %arg9[%parallel_loop3A_925, %parallel_loop3A_926] {strides = array<i32>} : memref<32x256xf32, #tpu.memory_space<vmem>>, vector<16xf32>,
        tpu.vector_store %arg9[%parallel_loop3A_925, %parallel_loop3A_926], %parallel_loop3A_861 {strides = array<i32>} : memref<32x256xf32, #tpu.memory_space<vmem>>, vector<16xf32>,
        %parallel_loop3A_928 = arith.index_cast %parallel_loop3A_150 : i32 to index
        %parallel_loop3A_929 = arith.constant 16 : index
        %parallel_loop3A_930 = tpu.vector_load %arg8[%parallel_loop3A_928, %parallel_loop3A_929] {strides = array<i32>} : memref<32x256xi32, #tpu.memory_space<vmem>>, vector<16xi32>,
        tpu.vector_store %arg8[%parallel_loop3A_928, %parallel_loop3A_929], %parallel_loop3A_862 {strides = array<i32>} : memref<32x256xi32, #tpu.memory_space<vmem>>, vector<16xi32>,
        %parallel_loop3A_931 = arith.index_cast %parallel_loop3A_150 : i32 to index
        %parallel_loop3A_932 = arith.constant 32 : index
        %parallel_loop3A_933 = tpu.vector_load %arg9[%parallel_loop3A_931, %parallel_loop3A_932] {strides = array<i32>} : memref<32x256xf32, #tpu.memory_space<vmem>>, vector<16xf32>,
        tpu.vector_store %arg9[%parallel_loop3A_931, %parallel_loop3A_932], %parallel_loop3A_865 {strides = array<i32>} : memref<32x256xf32, #tpu.memory_space<vmem>>, vector<16xf32>,
        %parallel_loop3A_934 = arith.index_cast %parallel_loop3A_150 : i32 to index
        %parallel_loop3A_935 = arith.constant 32 : index
        %parallel_loop3A_936 = tpu.vector_load %arg8[%parallel_loop3A_934, %parallel_loop3A_935] {strides = array<i32>} : memref<32x256xi32, #tpu.memory_space<vmem>>, vector<16xi32>,
        tpu.vector_store %arg8[%parallel_loop3A_934, %parallel_loop3A_935], %parallel_loop3A_866 {strides = array<i32>} : memref<32x256xi32, #tpu.memory_space<vmem>>, vector<16xi32>,
        %parallel_loop3A_937 = arith.index_cast %parallel_loop3A_150 : i32 to index
        %parallel_loop3A_938 = arith.constant 48 : index
        %parallel_loop3A_939 = tpu.vector_load %arg9[%parallel_loop3A_937, %parallel_loop3A_938] {strides = array<i32>} : memref<32x256xf32, #tpu.memory_space<vmem>>, vector<16xf32>,
        tpu.vector_store %arg9[%parallel_loop3A_937, %parallel_loop3A_938], %parallel_loop3A_869 {strides = array<i32>} : memref<32x256xf32, #tpu.memory_space<vmem>>, vector<16xf32>,
        %parallel_loop3A_940 = arith.index_cast %parallel_loop3A_150 : i32 to index
        %parallel_loop3A_941 = arith.constant 48 : index
        %parallel_loop3A_942 = tpu.vector_load %arg8[%parallel_loop3A_940, %parallel_loop3A_941] {strides = array<i32>} : memref<32x256xi32, #tpu.memory_space<vmem>>, vector<16xi32>,
        tpu.vector_store %arg8[%parallel_loop3A_940, %parallel_loop3A_941], %parallel_loop3A_870 {strides = array<i32>} : memref<32x256xi32, #tpu.memory_space<vmem>>, vector<16xi32>,
        %parallel_loop3A_943 = arith.index_cast %parallel_loop3A_150 : i32 to index
        %parallel_loop3A_944 = arith.constant 64 : index
        %parallel_loop3A_945 = tpu.vector_load %arg9[%parallel_loop3A_943, %parallel_loop3A_944] {strides = array<i32>} : memref<32x256xf32, #tpu.memory_space<vmem>>, vector<16xf32>,
        tpu.vector_store %arg9[%parallel_loop3A_943, %parallel_loop3A_944], %parallel_loop3A_873 {strides = array<i32>} : memref<32x256xf32, #tpu.memory_space<vmem>>, vector<16xf32>,
        %parallel_loop3A_946 = arith.index_cast %parallel_loop3A_150 : i32 to index
        %parallel_loop3A_947 = arith.constant 64 : index
        %parallel_loop3A_948 = tpu.vector_load %arg8[%parallel_loop3A_946, %parallel_loop3A_947] {strides = array<i32>} : memref<32x256xi32, #tpu.memory_space<vmem>>, vector<16xi32>,
        tpu.vector_store %arg8[%parallel_loop3A_946, %parallel_loop3A_947], %parallel_loop3A_874 {strides = array<i32>} : memref<32x256xi32, #tpu.memory_space<vmem>>, vector<16xi32>,
        %parallel_loop3A_949 = arith.index_cast %parallel_loop3A_150 : i32 to index
        %parallel_loop3A_950 = arith.constant 80 : index
        %parallel_loop3A_951 = tpu.vector_load %arg9[%parallel_loop3A_949, %parallel_loop3A_950] {strides = array<i32>} : memref<32x256xf32, #tpu.memory_space<vmem>>, vector<16xf32>,
        tpu.vector_store %arg9[%parallel_loop3A_949, %parallel_loop3A_950], %parallel_loop3A_877 {strides = array<i32>} : memref<32x256xf32, #tpu.memory_space<vmem>>, vector<16xf32>,
        %parallel_loop3A_952 = arith.index_cast %parallel_loop3A_150 : i32 to index
        %parallel_loop3A_953 = arith.constant 80 : index
        %parallel_loop3A_954 = tpu.vector_load %arg8[%parallel_loop3A_952, %parallel_loop3A_953] {strides = array<i32>} : memref<32x256xi32, #tpu.memory_space<vmem>>, vector<16xi32>,
        tpu.vector_store %arg8[%parallel_loop3A_952, %parallel_loop3A_953], %parallel_loop3A_878 {strides = array<i32>} : memref<32x256xi32, #tpu.memory_space<vmem>>, vector<16xi32>,
        %parallel_loop3A_955 = arith.index_cast %parallel_loop3A_150 : i32 to index
        %parallel_loop3A_956 = arith.constant 96 : index
        %parallel_loop3A_957 = tpu.vector_load %arg9[%parallel_loop3A_955, %parallel_loop3A_956] {strides = array<i32>} : memref<32x256xf32, #tpu.memory_space<vmem>>, vector<16xf32>,
        tpu.vector_store %arg9[%parallel_loop3A_955, %parallel_loop3A_956], %parallel_loop3A_881 {strides = array<i32>} : memref<32x256xf32, #tpu.memory_space<vmem>>, vector<16xf32>,
        %parallel_loop3A_958 = arith.index_cast %parallel_loop3A_150 : i32 to index
        %parallel_loop3A_959 = arith.constant 96 : index
        %parallel_loop3A_960 = tpu.vector_load %arg8[%parallel_loop3A_958, %parallel_loop3A_959] {strides = array<i32>} : memref<32x256xi32, #tpu.memory_space<vmem>>, vector<16xi32>,
        tpu.vector_store %arg8[%parallel_loop3A_958, %parallel_loop3A_959], %parallel_loop3A_882 {strides = array<i32>} : memref<32x256xi32, #tpu.memory_space<vmem>>, vector<16xi32>,
        %parallel_loop3A_961 = arith.index_cast %parallel_loop3A_150 : i32 to index
        %parallel_loop3A_962 = arith.constant 112 : index
        %parallel_loop3A_963 = tpu.vector_load %arg9[%parallel_loop3A_961, %parallel_loop3A_962] {strides = array<i32>} : memref<32x256xf32, #tpu.memory_space<vmem>>, vector<16xf32>,
        tpu.vector_store %arg9[%parallel_loop3A_961, %parallel_loop3A_962], %parallel_loop3A_885 {strides = array<i32>} : memref<32x256xf32, #tpu.memory_space<vmem>>, vector<16xf32>,
        %parallel_loop3A_964 = arith.index_cast %parallel_loop3A_150 : i32 to index
        %parallel_loop3A_965 = arith.constant 112 : index
        %parallel_loop3A_966 = tpu.vector_load %arg8[%parallel_loop3A_964, %parallel_loop3A_965] {strides = array<i32>} : memref<32x256xi32, #tpu.memory_space<vmem>>, vector<16xi32>,
        tpu.vector_store %arg8[%parallel_loop3A_964, %parallel_loop3A_965], %parallel_loop3A_886 {strides = array<i32>} : memref<32x256xi32, #tpu.memory_space<vmem>>, vector<16xi32>,
        %parallel_loop3A_967 = arith.index_cast %parallel_loop3A_150 : i32 to index
        %parallel_loop3A_968 = arith.constant 128 : index
        %parallel_loop3A_969 = tpu.vector_load %arg9[%parallel_loop3A_967, %parallel_loop3A_968] {strides = array<i32>} : memref<32x256xf32, #tpu.memory_space<vmem>>, vector<16xf32>,
        tpu.vector_store %arg9[%parallel_loop3A_967, %parallel_loop3A_968], %parallel_loop3A_889 {strides = array<i32>} : memref<32x256xf32, #tpu.memory_space<vmem>>, vector<16xf32>,
        %parallel_loop3A_970 = arith.index_cast %parallel_loop3A_150 : i32 to index
        %parallel_loop3A_971 = arith.constant 128 : index
        %parallel_loop3A_972 = tpu.vector_load %arg8[%parallel_loop3A_970, %parallel_loop3A_971] {strides = array<i32>} : memref<32x256xi32, #tpu.memory_space<vmem>>, vector<16xi32>,
        tpu.vector_store %arg8[%parallel_loop3A_970, %parallel_loop3A_971], %parallel_loop3A_890 {strides = array<i32>} : memref<32x256xi32, #tpu.memory_space<vmem>>, vector<16xi32>,
        %parallel_loop3A_973 = arith.index_cast %parallel_loop3A_150 : i32 to index
        %parallel_loop3A_974 = arith.constant 144 : index
        %parallel_loop3A_975 = tpu.vector_load %arg9[%parallel_loop3A_973, %parallel_loop3A_974] {strides = array<i32>} : memref<32x256xf32, #tpu.memory_space<vmem>>, vector<16xf32>,
        tpu.vector_store %arg9[%parallel_loop3A_973, %parallel_loop3A_974], %parallel_loop3A_893 {strides = array<i32>} : memref<32x256xf32, #tpu.memory_space<vmem>>, vector<16xf32>,
        %parallel_loop3A_976 = arith.index_cast %parallel_loop3A_150 : i32 to index
        %parallel_loop3A_977 = arith.constant 144 : index
        %parallel_loop3A_978 = tpu.vector_load %arg8[%parallel_loop3A_976, %parallel_loop3A_977] {strides = array<i32>} : memref<32x256xi32, #tpu.memory_space<vmem>>, vector<16xi32>,
        tpu.vector_store %arg8[%parallel_loop3A_976, %parallel_loop3A_977], %parallel_loop3A_894 {strides = array<i32>} : memref<32x256xi32, #tpu.memory_space<vmem>>, vector<16xi32>,
        %parallel_loop3A_979 = arith.index_cast %parallel_loop3A_150 : i32 to index
        %parallel_loop3A_980 = arith.constant 160 : index
        %parallel_loop3A_981 = tpu.vector_load %arg9[%parallel_loop3A_979, %parallel_loop3A_980] {strides = array<i32>} : memref<32x256xf32, #tpu.memory_space<vmem>>, vector<16xf32>,
        tpu.vector_store %arg9[%parallel_loop3A_979, %parallel_loop3A_980], %parallel_loop3A_897 {strides = array<i32>} : memref<32x256xf32, #tpu.memory_space<vmem>>, vector<16xf32>,
        %parallel_loop3A_982 = arith.index_cast %parallel_loop3A_150 : i32 to index
        %parallel_loop3A_983 = arith.constant 160 : index
        %parallel_loop3A_984 = tpu.vector_load %arg8[%parallel_loop3A_982, %parallel_loop3A_983] {strides = array<i32>} : memref<32x256xi32, #tpu.memory_space<vmem>>, vector<16xi32>,
        tpu.vector_store %arg8[%parallel_loop3A_982, %parallel_loop3A_983], %parallel_loop3A_898 {strides = array<i32>} : memref<32x256xi32, #tpu.memory_space<vmem>>, vector<16xi32>,
        %parallel_loop3A_985 = arith.index_cast %parallel_loop3A_150 : i32 to index
        %parallel_loop3A_986 = arith.constant 176 : index
        %parallel_loop3A_987 = tpu.vector_load %arg9[%parallel_loop3A_985, %parallel_loop3A_986] {strides = array<i32>} : memref<32x256xf32, #tpu.memory_space<vmem>>, vector<16xf32>,
        tpu.vector_store %arg9[%parallel_loop3A_985, %parallel_loop3A_986], %parallel_loop3A_901 {strides = array<i32>} : memref<32x256xf32, #tpu.memory_space<vmem>>, vector<16xf32>,
        %parallel_loop3A_988 = arith.index_cast %parallel_loop3A_150 : i32 to index
        %parallel_loop3A_989 = arith.constant 176 : index
        %parallel_loop3A_990 = tpu.vector_load %arg8[%parallel_loop3A_988, %parallel_loop3A_989] {strides = array<i32>} : memref<32x256xi32, #tpu.memory_space<vmem>>, vector<16xi32>,
        tpu.vector_store %arg8[%parallel_loop3A_988, %parallel_loop3A_989], %parallel_loop3A_902 {strides = array<i32>} : memref<32x256xi32, #tpu.memory_space<vmem>>, vector<16xi32>,
        %parallel_loop3A_991 = arith.index_cast %parallel_loop3A_150 : i32 to index
        %parallel_loop3A_992 = arith.constant 192 : index
        %parallel_loop3A_993 = tpu.vector_load %arg9[%parallel_loop3A_991, %parallel_loop3A_992] {strides = array<i32>} : memref<32x256xf32, #tpu.memory_space<vmem>>, vector<16xf32>,
        tpu.vector_store %arg9[%parallel_loop3A_991, %parallel_loop3A_992], %parallel_loop3A_905 {strides = array<i32>} : memref<32x256xf32, #tpu.memory_space<vmem>>, vector<16xf32>,
        %parallel_loop3A_994 = arith.index_cast %parallel_loop3A_150 : i32 to index
        %parallel_loop3A_995 = arith.constant 192 : index
        %parallel_loop3A_996 = tpu.vector_load %arg8[%parallel_loop3A_994, %parallel_loop3A_995] {strides = array<i32>} : memref<32x256xi32, #tpu.memory_space<vmem>>, vector<16xi32>,
        tpu.vector_store %arg8[%parallel_loop3A_994, %parallel_loop3A_995], %parallel_loop3A_906 {strides = array<i32>} : memref<32x256xi32, #tpu.memory_space<vmem>>, vector<16xi32>,
        %parallel_loop3A_997 = arith.index_cast %parallel_loop3A_150 : i32 to index
        %parallel_loop3A_998 = arith.constant 208 : index
        %parallel_loop3A_999 = tpu.vector_load %arg9[%parallel_loop3A_997, %parallel_loop3A_998] {strides = array<i32>} : memref<32x256xf32, #tpu.memory_space<vmem>>, vector<16xf32>,
        tpu.vector_store %arg9[%parallel_loop3A_997, %parallel_loop3A_998], %parallel_loop3A_909 {strides = array<i32>} : memref<32x256xf32, #tpu.memory_space<vmem>>, vector<16xf32>,
        %parallel_loop3A_1000 = arith.index_cast %parallel_loop3A_150 : i32 to index
        %parallel_loop3A_1001 = arith.constant 208 : index
        %parallel_loop3A_1002 = tpu.vector_load %arg8[%parallel_loop3A_1000, %parallel_loop3A_1001] {strides = array<i32>} : memref<32x256xi32, #tpu.memory_space<vmem>>, vector<16xi32>,
        tpu.vector_store %arg8[%parallel_loop3A_1000, %parallel_loop3A_1001], %parallel_loop3A_910 {strides = array<i32>} : memref<32x256xi32, #tpu.memory_space<vmem>>, vector<16xi32>,
        %parallel_loop3A_1003 = arith.index_cast %parallel_loop3A_150 : i32 to index
        %parallel_loop3A_1004 = arith.constant 224 : index
        %parallel_loop3A_1005 = tpu.vector_load %arg9[%parallel_loop3A_1003, %parallel_loop3A_1004] {strides = array<i32>} : memref<32x256xf32, #tpu.memory_space<vmem>>, vector<16xf32>,
        tpu.vector_store %arg9[%parallel_loop3A_1003, %parallel_loop3A_1004], %parallel_loop3A_913 {strides = array<i32>} : memref<32x256xf32, #tpu.memory_space<vmem>>, vector<16xf32>,
        %parallel_loop3A_1006 = arith.index_cast %parallel_loop3A_150 : i32 to index
        %parallel_loop3A_1007 = arith.constant 224 : index
        %parallel_loop3A_1008 = tpu.vector_load %arg8[%parallel_loop3A_1006, %parallel_loop3A_1007] {strides = array<i32>} : memref<32x256xi32, #tpu.memory_space<vmem>>, vector<16xi32>,
        tpu.vector_store %arg8[%parallel_loop3A_1006, %parallel_loop3A_1007], %parallel_loop3A_914 {strides = array<i32>} : memref<32x256xi32, #tpu.memory_space<vmem>>, vector<16xi32>,
        %parallel_loop3A_1009 = arith.index_cast %parallel_loop3A_150 : i32 to index
        %parallel_loop3A_1010 = arith.constant 240 : index
        %parallel_loop3A_1011 = tpu.vector_load %arg9[%parallel_loop3A_1009, %parallel_loop3A_1010] {strides = array<i32>} : memref<32x256xf32, #tpu.memory_space<vmem>>, vector<16xf32>,
        tpu.vector_store %arg9[%parallel_loop3A_1009, %parallel_loop3A_1010], %parallel_loop3A_917 {strides = array<i32>} : memref<32x256xf32, #tpu.memory_space<vmem>>, vector<16xf32>,
        %parallel_loop3A_1012 = arith.index_cast %parallel_loop3A_150 : i32 to index
        %parallel_loop3A_1013 = arith.constant 240 : index
        %parallel_loop3A_1014 = tpu.vector_load %arg8[%parallel_loop3A_1012, %parallel_loop3A_1013] {strides = array<i32>} : memref<32x256xi32, #tpu.memory_space<vmem>>, vector<16xi32>,
        tpu.vector_store %arg8[%parallel_loop3A_1012, %parallel_loop3A_1013], %parallel_loop3A_918 {strides = array<i32>} : memref<32x256xi32, #tpu.memory_space<vmem>>, vector<16xi32>,
      } {sc.loop_unroll_factor = 4 : i64, sc.parallel_access}
      %mul3A_123 = arith.constant 16 : i32
      %mul3A_124 = arith.muli %rem3A_98, %mul3A_123 : i32
      %mul3A_125 = arith.constant 16 : i32
      %mul3A_126 = arith.muli %scan3A_97, %mul3A_125 : i32
      %add3A_127 = arith.addi %mul3A_2, %mul3A_126 : i32
      %dma_start3A_128 = arith.constant 0 : i32
      %dma_start3A_129 = tpu.memref_slice %arg8[%mul3A_124, %dma_start3A_128] : memref<32x256xi32, #tpu.memory_space<vmem>> -> memref<16x256xi32, #tpu.memory_space<vmem>>
      %dma_start3A_130 = arith.constant 0 : i32
      %dma_start3A_131 = tpu.memref_slice %arg4[%add3A_127, %dma_start3A_130] : memref<16384x256xi32, #tpu.memory_space<hbm>> -> memref<16x256xi32, #tpu.memory_space<hbm>>
      %dma_start3A_132 = arith.constant 0 : i32
      %dma_start3A_133 = tpu.memref_slice %arg4[%add3A_127, %dma_start3A_132] : memref<16384x256xi32, #tpu.memory_space<hbm>> -> memref<16x256xi32, #tpu.memory_space<hbm>>
      %dma_start3A_134 = arith.constant 0 : i32
      %dma_start3A_135 = tpu.memref_slice %arg8[%mul3A_124, %dma_start3A_134] : memref<32x256xi32, #tpu.memory_space<vmem>> -> memref<16x256xi32, #tpu.memory_space<vmem>>
      tpu.enqueue_dma source(%dma_start3A_135 : memref<16x256xi32, #tpu.memory_space<vmem>>) target(%dma_start3A_133 : memref<16x256xi32, #tpu.memory_space<hbm>>) target_semaphore(%arg11 : memref<!tpu.dma_semaphore, #tpu.memory_space<semaphore_mem>>)
      %mul3A_136 = arith.constant 16 : i32
      %mul3A_137 = arith.muli %rem3A_98, %mul3A_136 : i32
      %mul3A_138 = arith.constant 16 : i32
      %mul3A_139 = arith.muli %scan3A_97, %mul3A_138 : i32
      %add3A_140 = arith.addi %mul3A_2, %mul3A_139 : i32
      %dma_start3A_141 = arith.constant 0 : i32
      %dma_start3A_142 = tpu.memref_slice %arg9[%mul3A_137, %dma_start3A_141] : memref<32x256xf32, #tpu.memory_space<vmem>> -> memref<16x256xf32, #tpu.memory_space<vmem>>
      %dma_start3A_143 = arith.constant 0 : i32
      %dma_start3A_144 = tpu.memref_slice %arg5[%add3A_140, %dma_start3A_143] : memref<16384x256xf32, #tpu.memory_space<hbm>> -> memref<16x256xf32, #tpu.memory_space<hbm>>
      %dma_start3A_145 = arith.constant 0 : i32
      %dma_start3A_146 = tpu.memref_slice %arg5[%add3A_140, %dma_start3A_145] : memref<16384x256xf32, #tpu.memory_space<hbm>> -> memref<16x256xf32, #tpu.memory_space<hbm>>
      %dma_start3A_147 = arith.constant 0 : i32
      %dma_start3A_148 = tpu.memref_slice %arg9[%mul3A_137, %dma_start3A_147] : memref<32x256xf32, #tpu.memory_space<vmem>> -> memref<16x256xf32, #tpu.memory_space<vmem>>
      tpu.enqueue_dma source(%dma_start3A_148 : memref<16x256xf32, #tpu.memory_space<vmem>>) target(%dma_start3A_146 : memref<16x256xf32, #tpu.memory_space<hbm>>) target_semaphore(%arg11 : memref<!tpu.dma_semaphore, #tpu.memory_space<semaphore_mem>>)
    }
    %scan3A_49 = arith.constant 32 : i32
    %dma_wait3A = arith.constant 0 : i32
    %dma_wait3A_50 = arith.constant 0 : i32
    %dma_wait3A_51 = tpu.memref_slice %arg8[%dma_wait3A, %dma_wait3A_50] : memref<32x256xi32, #tpu.memory_space<vmem>> -> memref<16x256xi32, #tpu.memory_space<vmem>>
    %dma_wait3A_52 = arith.constant 0 : i32
    %dma_wait3A_53 = arith.constant 0 : i32
    %dma_wait3A_54 = tpu.memref_slice %arg4[%dma_wait3A_52, %dma_wait3A_53] : memref<16384x256xi32, #tpu.memory_space<hbm>> -> memref<16x256xi32, #tpu.memory_space<hbm>>
    %dma_wait3A_55 = arith.constant 0 : i32
    %dma_wait3A_56 = arith.constant 0 : i32
    %dma_wait3A_57 = tpu.memref_slice %arg4[%dma_wait3A_55, %dma_wait3A_56] : memref<16384x256xi32, #tpu.memory_space<hbm>> -> memref<16x256xi32, #tpu.memory_space<hbm>>
    %dma_wait3A_58 = arith.constant 0 : i32
    %dma_wait3A_59 = arith.constant 0 : i32
    %dma_wait3A_60 = tpu.memref_slice %arg8[%dma_wait3A_58, %dma_wait3A_59] : memref<32x256xi32, #tpu.memory_space<vmem>> -> memref<16x256xi32, #tpu.memory_space<vmem>>
    tpu.wait_dma2 semaphore(%arg11 : memref<!tpu.dma_semaphore, #tpu.memory_space<semaphore_mem>>) src(%dma_wait3A_60 : memref<16x256xi32, #tpu.memory_space<vmem>>) dst(%dma_wait3A_57 : memref<16x256xi32, #tpu.memory_space<hbm>>)
    %dma_wait3A_61 = arith.constant 0 : i32
    %dma_wait3A_62 = arith.constant 0 : i32
    %dma_wait3A_63 = tpu.memref_slice %arg9[%dma_wait3A_61, %dma_wait3A_62] : memref<32x256xf32, #tpu.memory_space<vmem>> -> memref<16x256xf32, #tpu.memory_space<vmem>>
    %dma_wait3A_64 = arith.constant 0 : i32
    %dma_wait3A_65 = arith.constant 0 : i32
    %dma_wait3A_66 = tpu.memref_slice %arg5[%dma_wait3A_64, %dma_wait3A_65] : memref<16384x256xf32, #tpu.memory_space<hbm>> -> memref<16x256xf32, #tpu.memory_space<hbm>>
    %dma_wait3A_67 = arith.constant 0 : i32
    %dma_wait3A_68 = arith.constant 0 : i32
    %dma_wait3A_69 = tpu.memref_slice %arg5[%dma_wait3A_67, %dma_wait3A_68] : memref<16384x256xf32, #tpu.memory_space<hbm>> -> memref<16x256xf32, #tpu.memory_space<hbm>>
    %dma_wait3A_70 = arith.constant 0 : i32
    %dma_wait3A_71 = arith.constant 0 : i32
    %dma_wait3A_72 = tpu.memref_slice %arg9[%dma_wait3A_70, %dma_wait3A_71] : memref<32x256xf32, #tpu.memory_space<vmem>> -> memref<16x256xf32, #tpu.memory_space<vmem>>
    tpu.wait_dma2 semaphore(%arg11 : memref<!tpu.dma_semaphore, #tpu.memory_space<semaphore_mem>>) src(%dma_wait3A_72 : memref<16x256xf32, #tpu.memory_space<vmem>>) dst(%dma_wait3A_69 : memref<16x256xf32, #tpu.memory_space<hbm>>)
    %dma_wait3A_73 = arith.constant 0 : i32
    %dma_wait3A_74 = arith.constant 0 : i32
    %dma_wait3A_75 = tpu.memref_slice %arg8[%dma_wait3A_73, %dma_wait3A_74] : memref<32x256xi32, #tpu.memory_space<vmem>> -> memref<16x256xi32, #tpu.memory_space<vmem>>
    %dma_wait3A_76 = arith.constant 0 : i32
    %dma_wait3A_77 = arith.constant 0 : i32
    %dma_wait3A_78 = tpu.memref_slice %arg4[%dma_wait3A_76, %dma_wait3A_77] : memref<16384x256xi32, #tpu.memory_space<hbm>> -> memref<16x256xi32, #tpu.memory_space<hbm>>
    %dma_wait3A_79 = arith.constant 0 : i32
    %dma_wait3A_80 = arith.constant 0 : i32
    %dma_wait3A_81 = tpu.memref_slice %arg4[%dma_wait3A_79, %dma_wait3A_80] : memref<16384x256xi32, #tpu.memory_space<hbm>> -> memref<16x256xi32, #tpu.memory_space<hbm>>
    %dma_wait3A_82 = arith.constant 0 : i32
    %dma_wait3A_83 = arith.constant 0 : i32
    %dma_wait3A_84 = tpu.memref_slice %arg8[%dma_wait3A_82, %dma_wait3A_83] : memref<32x256xi32, #tpu.memory_space<vmem>> -> memref<16x256xi32, #tpu.memory_space<vmem>>
    tpu.wait_dma2 semaphore(%arg11 : memref<!tpu.dma_semaphore, #tpu.memory_space<semaphore_mem>>) src(%dma_wait3A_84 : memref<16x256xi32, #tpu.memory_space<vmem>>) dst(%dma_wait3A_81 : memref<16x256xi32, #tpu.memory_space<hbm>>)
    %dma_wait3A_85 = arith.constant 0 : i32
    %dma_wait3A_86 = arith.constant 0 : i32
    %dma_wait3A_87 = tpu.memref_slice %arg9[%dma_wait3A_85, %dma_wait3A_86] : memref<32x256xf32, #tpu.memory_space<vmem>> -> memref<16x256xf32, #tpu.memory_space<vmem>>
    %dma_wait3A_88 = arith.constant 0 : i32
    %dma_wait3A_89 = arith.constant 0 : i32
    %dma_wait3A_90 = tpu.memref_slice %arg5[%dma_wait3A_88, %dma_wait3A_89] : memref<16384x256xf32, #tpu.memory_space<hbm>> -> memref<16x256xf32, #tpu.memory_space<hbm>>
    %dma_wait3A_91 = arith.constant 0 : i32
    %dma_wait3A_92 = arith.constant 0 : i32
    %dma_wait3A_93 = tpu.memref_slice %arg5[%dma_wait3A_91, %dma_wait3A_92] : memref<16384x256xf32, #tpu.memory_space<hbm>> -> memref<16x256xf32, #tpu.memory_space<hbm>>
    %dma_wait3A_94 = arith.constant 0 : i32
    %dma_wait3A_95 = arith.constant 0 : i32
    %dma_wait3A_96 = tpu.memref_slice %arg9[%dma_wait3A_94, %dma_wait3A_95] : memref<32x256xf32, #tpu.memory_space<vmem>> -> memref<16x256xf32, #tpu.memory_space<vmem>>
    tpu.wait_dma2 semaphore(%arg11 : memref<!tpu.dma_semaphore, #tpu.memory_space<semaphore_mem>>) src(%dma_wait3A_96 : memref<16x256xf32, #tpu.memory_space<vmem>>) dst(%dma_wait3A_93 : memref<16x256xf32, #tpu.memory_space<hbm>>)
    return
  }
}

</mosaic_0001>

<sc_bundles>
// kernel: _mapper.3.cloned.1.call-start
scs
__scs_entry_jumppad:
0x0: {  	(pc) =	sbr.rel $0x88, $3  }
0x1: {  	(tag) =	ssettag $0x0;
	lr =	simm.s32 $0x1  }
0x2: {  	[smem:$0x3F9F] =	sst lr;
	_ =	strace $0xD0000000  }
0x3: {  	_ = 	snop  }
0x4: {  	_ = 	snop  }
0x5: {  	_ = 	snop  }
0x6: {  	_ = 	snop  }
0x7: {  	_ = 	snop  }
__scs_overlays_trampoline_lowered:
0x8: {  	[smem:$0x3FAE] =	sst s0  }
0x9: {  	[smem:$0x3FAF] =	sst s1  }
0xa: {  	[smem:$0x3FB0] =	sst s2  }
0xb: {  	[smem:$0x3FB1] =	sst s3  }
0xc: {  	[smem:$0x3FB2] =	sst s4  }
0xd: {  	[smem:$0x3FB3] =	sst s5  }
0xe: {  	[smem:$0x3FB4] =	sst s6  }
0xf: {  	[smem:$0x3FB5] =	sst s7  }
0x10: {  	[smem:$0x3FB6] =	sst s8  }
0x11: {  	[smem:$0x3FB7] =	sst s9;
	s0 =	simm.s32 @!p0 $0x0  }
0x12: {  	s1 =	sld [smem:$0x3F9D];
	s0 =	simm.s32 @p0 $0x1  }
0x13: {  	[smem:$0x3FB8] =	sst s0;
	s0 =	simm.s32 @!p1 $0x0  }
0x14: {  	s2 =	sld [smem:$0x3F9C];
	s0 =	simm.s32 @p1 $0x1  }
0x15: {  	[smem:$0x3FB9] =	sst s0;
	s0 =	simm.s32 @!p2 $0x0  }
0x16: {  	s3 =	sld [smem:$0x3FDB];
	s0 =	simm.s32 @p2 $0x1  }
0x17: {  	s4 =	simm.s32 $0x1BF5;
	[smem:$0x3FBB] =	sst s0  }
0x18: {  	s0 =	sld [smem:$0x3F9E];
	_ =	swait.ge [sflag:s4], $0x0  }
0x19: {  	s7 =	sld [smem:$0x3F9F]  }
0x1a: {  	s8 =	sadd.s32 $0xFFFFE003, lr  }
0x1b: {  	s9 =	sadd.s32 $0xFFFFFEF7, lr;
	s5 =	simm.s32 $0xFFFFFFFF;
	p2 =	slt.u32 s8, $0xFFFFF086  }
0x1c: {  	p1 =	slt.u32 s9, $0xF7A;
	s5 =	simm.s32 @!p2 $0x0  }
0x1d: {  	s5 =	simm.s32 @p1 $0x1;
	p0 =	seq.s32 s7, s2  }
0x1e: {  	s7 =	smul.u32 @!p0 $0xF7A, s2;
	p2 =	seq.s32 @!p0 s5, $0x0  }
0x1f: {  	s9 =	smul.u32 $0xF7A, s1;
	s8 =	simm.s32 @!p0 $0x1BF5;
	p2 =	por !p2, p0  }
0x20: {  	[sflag:s8] =	ssyncset.s32 @!p0 $0xFFFFF086;
	s6 =	sadd.s32 @!p0 s3, s7;
	s7 =	simm.s32 @!p0 $0x108  }
0x21: {  	s3 =	sadd.s32 s3, s9;
	s6 =	sadd.s32 @!p0 $0x88, s6;
	s7 =	simm.s32 @p2 $0x1082  }
0x22: {  	[simem:s7], [sflag:s8] =	dma.local @!p0 [hbm:s6], $0xF7A  }
0x23: {  	s9 =	sor.u32 $0xD0000000, s2;
	s6 =	simm.s32 $0x108;
	_ =	swait.ge @!p0 [sflag:s8], $0x0  }
0x24: {  	s3 =	sadd.s32 $0x88, s3;
	s6 =	simm.s32 @!p1 $0x1082;
	[sflag:s4] =	ssyncset.s32 $0xFFFFF086  }
0x25: {  	[simem:s6], [sflag:s4] =	dma.local [hbm:s3], $0xF7A  }
0x26: {  	[smem:$0x3F9F] =	sst s1;
	(tag) =	ssettag s2;
	_ =	strace s9  }
0x27: {  	s1 =	sld [smem:$0x3FAF]  }
0x28: {  	s2 =	sld [smem:$0x3FB0]  }
0x29: {  	s4 =	sld [smem:$0x3FB2]  }
0x2a: {  	p0 =	seq.s32 s5, $0x0;
	s5 =	sld [smem:$0x3FB3]  }
0x2b: {  	s6 =	sld [smem:$0x3FB4]  }
0x2c: {  	s7 =	sld [smem:$0x3FB5]  }
0x2d: {  	s3 =	simm.s32 $0x108;
	s8 =	sld [smem:$0x3FB6]  }
0x2e: {  	s3 =	simm.s32 @!p0 $0x1082;
	s9 =	sld [smem:$0x3FB7]  }
0x2f: {  	lr =	sadd.s32 s0, s3;
	s0 =	sld [smem:$0x3FAE]  }
0x30: {  	s3 =	sld [smem:$0x3FB1]  }
0x31: {  	[smem:$0x3FBA] =	sst s10  }
0x32: {  	s10 =	sld [smem:$0x3FB8];
	_ =	sdelay $0x3  }
0x33: {  	p0 =	seq.s32 s10, $0x1;
	s10 =	sld [smem:$0x3FBA];
	_ =	sdelay $0x3  }
0x34: {  	[smem:$0x3FBA] =	sst s10  }
0x35: {  	s10 =	sld [smem:$0x3FB9];
	_ =	sdelay $0x3  }
0x36: {  	p1 =	seq.s32 s10, $0x1;
	s10 =	sld [smem:$0x3FBA];
	_ =	sdelay $0x3  }
0x37: {  	[smem:$0x3FBA] =	sst s10  }
0x38: {  	s10 =	sld [smem:$0x3FBB]  }
0x39: {  	_ = 	snop;
	(pc) =	sbr.ind lr, $3  }
0x3a: {  	_ = 	snop  }
0x3b: {  	_ = 	snop  }
0x3c: {  	p2 =	seq.s32 s10, $0x1;
	s10 =	sld [smem:$0x3FBA]  }
0x3d: {  	_ =	shalt  }
0x3e: {  	_ =	shalt  }
0x3f: {  	_ =	shalt  }
0x40: {  	_ =	shalt  }
0x41: {  	_ =	shalt  }
0x42: {  	_ =	shalt  }
0x43: {  	_ =	shalt  }
0x44: {  	_ =	shalt  }
0x45: {  	_ =	shalt  }
0x46: {  	_ =	shalt  }
0x47: {  	_ =	shalt  }
0x48: {  	_ =	shalt  }
0x49: {  	_ =	shalt  }
0x4a: {  	_ =	shalt  }
0x4b: {  	_ =	shalt  }
0x4c: {  	_ =	shalt  }
0x4d: {  	_ =	shalt  }
0x4e: {  	_ =	shalt  }
0x4f: {  	_ =	shalt  }
0x50: {  	_ =	shalt  }
0x51: {  	_ =	shalt  }
0x52: {  	_ =	shalt  }
0x53: {  	_ =	shalt  }
0x54: {  	_ =	shalt  }
0x55: {  	_ =	shalt  }
0x56: {  	_ =	shalt  }
0x57: {  	_ =	shalt  }
0x58: {  	_ =	shalt  }
0x59: {  	_ =	shalt  }
0x5a: {  	_ =	shalt  }
0x5b: {  	_ =	shalt  }
0x5c: {  	_ =	shalt  }
0x5d: {  	_ =	shalt  }
0x5e: {  	_ =	shalt  }
0x5f: {  	_ =	shalt  }
0x60: {  	_ =	shalt  }
0x61: {  	_ =	shalt  }
0x62: {  	_ =	shalt  }
0x63: {  	_ =	shalt  }
0x64: {  	_ =	shalt  }
0x65: {  	_ =	shalt  }
0x66: {  	_ =	shalt  }
0x67: {  	_ =	shalt  }
0x68: {  	_ =	shalt  }
0x69: {  	_ =	shalt  }
0x6a: {  	_ =	shalt  }
0x6b: {  	_ =	shalt  }
0x6c: {  	_ =	shalt  }
0x6d: {  	_ =	shalt  }
0x6e: {  	_ =	shalt  }
0x6f: {  	_ =	shalt  }
0x70: {  	_ =	shalt  }
0x71: {  	_ =	shalt  }
0x72: {  	_ =	shalt  }
0x73: {  	_ =	shalt  }
0x74: {  	_ =	shalt  }
0x75: {  	_ =	shalt  }
0x76: {  	_ =	shalt  }
0x77: {  	_ =	shalt  }
0x78: {  	_ =	shalt  }
0x79: {  	_ =	shalt  }
0x7a: {  	_ =	shalt  }
0x7b: {  	_ =	shalt  }
0x7c: {  	_ =	shalt  }
0x7d: {  	_ =	shalt  }
0x7e: {  	_ =	shalt  }
0x7f: {  	_ =	shalt  }
0x80: {  	_ =	shalt  }
0x81: {  	_ =	shalt  }
0x82: {  	_ =	shalt  }
0x83: {  	_ =	shalt  }
0x84: {  	_ =	shalt  }
0x85: {  	_ =	shalt  }
0x86: {  	_ =	shalt  }
0x87: {  	_ =	shalt  }
.Lfunc_end0:
.L_simem_size_0:
called_computation_lowered:
.L_overlay_start_0:
0x88: {  	s2 =	sld [smem:$0x3FD9]  }
0x89: {  	s3 =	sld [smem:$0x3FFE];
	_ =	sdelay $0x1  }
0x8a: {  	s1 =	srdreg.scid  }
0x8b: {  	s0 =	sand.u32 $0x1, s1  }
0x8c: {  	s15 =	sshll.u32 s0, $0xA;
	s2 =	sadd.s32 s3, s2  }
0x8d: {  	s2 =	sadd.s32 s2, s15  }
0x8e: {  	[smem:$0x3FC6] =	sst s2  }
0x8f: {  	_ = 	snop  }
0x90: {  	s2 =	sld [smem:$0x3FD0];
	_ =	sdelay $0x1  }
0x91: {  	s16 =	sld [smem:$0x3FC9]  }
0x92: {  	s5 =	simm.s32 $0xA;
	s6 =	simm.s32 $0x10;
	s4 =	sld [smem:$0x3FC8]  }
0x93: {  	[smem:s6], [sflag:s5] =	dma.local [hbm:s2], $0x1  }
0x94: {  	_ =	swait.eq [sflag:s5], $0x1  }
0x95: {  	[sflag:s5] =	ssyncset.done $0x0  }
0x96: {  	s17 =	sld [smem:$0x10];
	[sflag:s5] =	ssyncadd.s32 $0xFFFFFFFF  }
0x97: {  	s18 =	sld [smem:$0x11];
	(tm) =	ssettm $0x1  }
0x98: {  	s19 =	sld [smem:$0x3FFB];
	_ =	sdelay $0x3  }
0x99: {  	_ =	strace s19  }
0x9a: {  	s6 =	sld [smem:$0x3FFC];
	_ =	sdelay $0x3  }
0x9b: {  	_ =	strace s6  }
0x9c: {  	s6 =	sld [smem:$0x3FFD];
	_ =	sdelay $0x3  }
0x9d: {  	_ =	strace s6  }
0x9e: {  	_ =	strace $0x8FFFFFFF  }
0x9f: {  	s20 =	sld [smem:$0x3FDB];
	_ =	sdelay $0x1  }
0xa0: {  	s7 =	simm.s32 $_scs_section_size  }
0xa1: {  	s8 =	simm.s32 $_size__tile_overlayer_lowered;
	s9 =	simm.s32 $_tile_overlayer_lowered  }
0xa2: {  	s23 =	simm.s32 $0x1BFF;
	s22 =	sshll.u32 s9, $0x1;
	s6 =	sadd.s32 s7, s20  }
0xa3: {  	s10 =	simm.s32 $0x0;
	s21 =	sshll.u32 s8, $0x1;
	s8 =	sadd.s32 s22, s6  }
0xa4: {  	[timem:s10], [sflag:s23] =	dma.local [hbm:s8], s21  }
0xa5: {  	_ =	swait.ge [sflag:s23], s21  }
0xa6: {  	s7 =	ssub.s32 $0x0, s21;
	[sflag:s23] =	ssyncset.done $0x0  }
0xa7: {  	[sflag:s23] =	ssyncadd.s32 s7;
	_ =	sdelay $0x1  }
0xa8: {  	s24 =	simm.s32 $0x1B8B  }
0xa9: {  	_ =	swait.ge [sflag:s24], $0x1  }
0xaa: {  	[sflag:s24] =	ssyncset.done $0x0  }
0xab: {  	s25 =	simm.s32 $0x1B8E;
	[sflag:s24] =	ssyncadd.s32 $0xFFFFFFFF  }
0xac: {  	s26 =	simm.s32 $execute0_lowered;
	[smem:$0x3FD2] =	sst s25  }
0xad: {  	s7 =	sshll.u32 s26, $0x1;
	_ =	strace $0x80000046;
	[dreg:$0x1] =	wrdreg $0xFFFFFFFF  }
0xae: {  	s28 =	simm.s32 $_size_execute0_lowered;
	s6 =	sadd.s32 s6, s7;
	[dreg:$0x0] =	wrdreg $0x0  }
0xaf: {  	s7 =	sshll.u32 s28, $0x1;
	[dreg:$0x2] =	wrdreg s6  }
0xb0: {  	[dreg:$0x3] =	wrdreg s7  }
0xb1: {  	[dreg:$0x4] =	wrdreg $0xC0  }
0xb2: {  	_ =	task [dreg:s10], $0x5FFFF  }
0xb3: {  	[dreg:$0x1] =	wrdreg $0xFFFFFFFF  }
0xb4: {  	[dreg:$0x0] =	wrdreg $0x60  }
0xb5: {  	[dreg:$0x2] =	wrdreg s16  }
0xb6: {  	[dreg:$0x3] =	wrdreg s4  }
0xb7: {  	[dreg:$0x4] =	wrdreg s17  }
0xb8: {  	[dreg:$0x5] =	wrdreg s18  }
0xb9: {  	[dreg:$0x6] =	wrdreg $0x9  }
0xba: {  	_ =	task.clear_ibuf [dreg:s10], $0x7FFFF;
	_ =	strace $0x90000046  }
0xbb: {  	s29 =	simm.s32 $0x9;
	_ =	strace $0x80000048  }
0xbc: {  	_ =	swait.ge [sflag:s29], $0x1  }
0xbd: {  	[sflag:s29] =	ssyncadd.s32 $0xFFFFFFFF  }
0xbe: {  	_ =	strace $0x90000048  }
0xbf: {  	_ =	sfence  }
0xc0: {  	s30 =	sld [smem:$0x0];
	_ =	sdelay $0x2  }
0xc1: {  	s31 =	sshll.u32 s1, $0xD;
	s1 =	sshrl.u32 s1, $0x2  }
0xc2: {  	s3 =	sand.u32 $0x4000, s31;
	s1 =	sadd.s32 s1, s30  }
0xc3: {  	s0 =	sor.u32 s3, s0;
	s1 =	sshll.u32 s1, $0x11  }
0xc4: {  	s0 =	sor.u32 s1, s0  }
0xc5: {  	s0 =	sadd.s32 $0x8F2B, s0  }
0xc6: {  	[sflag:s0] =	ssyncadd.remote.s32 $0x1  }
0xc7: {  	_ =	sfence.sel $0xFFFF  }
0xc8: {  	[dreg:$0x0] =	wrdreg $0xFFFFFFFF;
	(pc) =	sbr.abs _section_cstart, $3  }
0xc9: {  	[dreg:$0x1] =	wrdreg $0xFFFFFFFF  }
0xca: {  	_ =	task.clear_ibuf [dreg:s10], $0x2FFFF;
	_ =	strace $0x9FFFFFFF  }
0xcb: {  	(tm) =	ssettm $0x7FFFFFFF  }
tec
execute0_lowered:
.L_overlay_start_1:
0x0: {  	(tag) =	ssettag $0x1  }
0x1: {  	s7 =	rddreg [dreg:$0x0]  }
0x2: {  	s1 =	rddreg [dreg:$0x1]  }
0x3: {  	s2 =	rddreg [dreg:$0x2]  }
0x4: {  	s4 =	rddreg [dreg:$0x3]  }
0x5: {  	s0 =	rddreg [dreg:$0x4];
	s6 =	srdreg.scid  }
0x6: {  	s5 =	simm.s32 $0x0;
	s3 =	stileid.u32;
	s11 =	simm.s32 $0x1  }
0x7: {  	s12 =	simm.s32 $0x2;
	s13 =	simm.s32 $0x0;
	s6 =	sand.u32 $0x1, s6  }
0x8: {  	s9 =	sshll.u32 s3, $0xF;
	[smem:$0x7FF] =	sst s5;
	s8 =	ssub.s32 $0x2, s6  }
0x9: {  	s6 =	sshll.u32 s6, $0xE;
	_ =	strace $0x80000047;
	s10 =	sshrl.u32 s8, $0x1  }
0xa: {  	s6 =	sor.u32 s6, s9;
	s9 =	simm.s32 $0x3;
	s8 =	ssub.s32 s8, s10  }
0xb: {  	s7 =	sadd.s32 s7, s6;
	s10 =	simm.s32 $0x100;
	s8 =	smax.u32 s8, $0x1  }
.LBB2_1:
0xc: {  	[tilespmem:s5], [sflag:$0x3] =	stream.linear.gather [hbm4b:s1+s5], $0x100, $0x38;
	[tilespmem:$0x6100] =	vst v63  }
0xd: {  	_ =	swait.ge [sflag:s9], $0x100  }
0xe: {  	[sflag:s9] =	ssyncset.done $0x0  }
0xf: {  	[sflag:s9] =	ssyncadd.s32 $0xFFFFFF00  }
0x10: {  	v0 =	vld [tilespmem:$0x0]  }
0x11: {  	v49 =	vld [tilespmem:$0x10]  }
0x12: {  	v50 =	vld [tilespmem:$0x20]  }
0x13: {  	v51 =	vld [tilespmem:$0x30]  }
0x14: {  	v52 =	vld [tilespmem:$0x40]  }
0x15: {  	v53 =	vld [tilespmem:$0x50]  }
0x16: {  	v54 =	vld [tilespmem:$0x60]  }
0x17: {  	v55 =	vld [tilespmem:$0x70]  }
0x18: {  	v56 =	vld [tilespmem:$0x80]  }
0x19: {  	v57 =	vld [tilespmem:$0x90]  }
0x1a: {  	v58 =	vld [tilespmem:$0xA0]  }
0x1b: {  	v59 =	vld [tilespmem:$0xB0]  }
0x1c: {  	v60 =	vld [tilespmem:$0xC0]  }
0x1d: {  	v61 =	vld [tilespmem:$0xD0]  }
0x1e: {  	v62 =	vld [tilespmem:$0xE0]  }
0x1f: {  	v63 =	vld [tilespmem:$0xF0];
	[tilespmem:s10], [sflag:$0x1] =	stream.linear.gather [hbm4b:s7+s5], $0x1000, $0x38  }
0x20: {  	[tilespmem:$0x1FF00] =	vst v0  }
0x21: {  	[tilespmem:$0x1FF10] =	vst v49  }
0x22: {  	[tilespmem:$0x1FF20] =	vst v50  }
0x23: {  	[tilespmem:$0x1FF30] =	vst v51  }
0x24: {  	[tilespmem:$0x1FF40] =	vst v52  }
0x25: {  	[tilespmem:$0x1FF50] =	vst v53  }
0x26: {  	[tilespmem:$0x1FF60] =	vst v54  }
0x27: {  	[tilespmem:$0x1FF70] =	vst v55  }
0x28: {  	[tilespmem:$0x1FF80] =	vst v56  }
0x29: {  	[tilespmem:$0x1FF90] =	vst v57  }
0x2a: {  	[tilespmem:$0x1FFA0] =	vst v58  }
0x2b: {  	[tilespmem:$0x1FFB0] =	vst v59  }
0x2c: {  	[tilespmem:$0x1FFC0] =	vst v60  }
0x2d: {  	[tilespmem:$0x1FFD0] =	vst v61  }
0x2e: {  	[tilespmem:$0x1FFE0] =	vst v62  }
0x2f: {  	s15 =	simm.s32 $0x0;
	[tilespmem:$0x1FFF0] =	vst v63  }
.LBB2_2:
0x30: {  	p0 =	seq.s32 s15, $0x1F  }
0x31: {  	p1 =	slt.u32 @!p0 s15, $0x2  }
0x32: {  	p1 =	por p0, !p1  }
.Ltmp0:
0x33: {  	_ =	swait.ge [sflag:s11], $0x1000;
	(pc) =	sbr.rel @!p1 .LBB2_4-.Ltmp0, $4  }
0x34: {  	s14 =	sadd.s32 $0x1, s15;
	[sflag:s11] =	ssyncset.done $0x0;
	s16 =	sshll.u32 @!p0 s15, $0xC  }
0x35: {  	s17 =	sshll.u32 @!p0 s14, $0x9;
	s19 =	simm.s32 @!p0 $0x0;
	s16 =	sand.u32 @!p0 $0x1000, s16  }
0x36: {  	[sflag:s11] =	ssyncadd.s32 $0xFFFFF000;
	s17 =	sadd.s32 @!p0 s17, s7;
	s18 =	sxor.u32 @!p0 $0x1100, s16  }
0x37: {  	[tilespmem:s18], [sflag:$0x1] =	stream.linear.gather @!p0 [hbm4b:s17+s19], $0x1000, $0x38;
	[tilespmem:$0x6100] =	vst v63  }
0x38: {  	_ =	swait.ge [sflag:s12], $0x1000  }
0x39: {  	[sflag:s12] =	ssyncset.done $0x0  }
0x3a: {  	[sflag:s12] =	ssyncadd.s32 $0xFFFFF000  }
0x3b: {  	_ =	swait.ge [sflag:s12], $0x1000  }
0x3c: {  	[sflag:s12] =	ssyncset.done $0x0  }
0x3d: {  	s16 =	simm.s32 @p0 $0x1000;
	[sflag:s12] =	ssyncadd.s32 $0xFFFFF000  }
.LBB2_4:
0x3e: {  	s17 =	simm.s32 $0xFFFFFFFC  }
0x3f: {  	s18 =	simm.s32 $0x0;
	p0 =	por $0x0, $0x0;
	s19 =	smov.u32 s16  }
.LBB2_5:
0x40: {  	v63 =	vld [tilespmem:$0x1FF00]  }
0x41: {  	v62 =	vld [tilespmem:$0x1FF10]  }
0x42: {  	v54 =	vld [tilespmem:$0x1FF20]  }
0x43: {  	v53 =	vld [tilespmem:$0x1FF30]  }
0x44: {  	v52 =	vld [tilespmem:$0x1FF40]  }
0x45: {  	v51 =	vld [tilespmem:$0x1FF50]  }
0x46: {  	v50 =	vld [tilespmem:$0x1FF60]  }
0x47: {  	v49 =	vld [tilespmem:$0x1FF70]  }
0x48: {  	v34 =	vld [tilespmem:$0x1FF80]  }
0x49: {  	v61 =	vld [tilespmem:$0x1FF90]  }
0x4a: {  	v60 =	vld [tilespmem:$0x1FFA0]  }
0x4b: {  	v59 =	vld [tilespmem:$0x1FFB0]  }
0x4c: {  	s20 =	sand.u32 $0x1800, s19;
	s21 =	sand.u32 $0x200, s18;
	v58 =	vld [tilespmem:$0x1FFC0]  }
0x4d: {  	v55 =	vld [tilespmem:$0x1FFD0];
	s20 =	sor.u32 s21, s20  }
0x4e: {  	v0 =	vld [tilespmem:s20+$0x100]  }
0x4f: {  	v1 =	vld [tilespmem:s20+$0x110]  }
0x50: {  	v56 =	vld [tilespmem:$0x1FFE0]  }
0x51: {  	v2 =	vld [tilespmem:s20+$0x120]  }
0x52: {  	v3 =	vld [tilespmem:s20+$0x130]  }
0x53: {  	s21 =	simm.s32 $0x1;
	v4 =	vld [tilespmem:s20+$0x140];
	(xrf1) =	vsort.dscd.msk.f32 $0xffff, v0, v63  }
0x54: {  	s21 =	simm.s32 @!p0 $0x0;
	v24 =	vld [tilespmem:s20+$0x150];
	(xrf1) =	vsort.ascd.msk.f32 $0xffff, v1, v62  }
0x55: {  	v25 =	vld [tilespmem:s20+$0x160];
	s21 =	sshll.u32 s21, $0x9  }
0x56: {  	v26 =	vld [tilespmem:s20+$0x170];
	s21 =	sadd.s32 s21, s19;
	(xrf1) =	vsort.dscd.msk.f32 $0xffff, v2, v54  }
0x57: {  	v57 =	vld [tilespmem:$0x1FFF0];
	s29 =	sor.u32 $0x400, s21;
	(xrf1) =	vsort.ascd.msk.f32 $0xffff, v3, v53  }
0x58: {  	s28 =	sor.u32 $0x410, s21;
	v27 =	vld [tilespmem:s29+$0x100];
	(xrf1) =	vsort.dscd.msk.f32 $0xffff, v4, v52  }
0x59: {  	s26 =	sor.u32 $0x420, s21;
	v5 =	vld [tilespmem:s28+$0x100];
	(xrf1) =	vsort.ascd.msk.f32 $0xffff, v24, v51  }
0x5a: {  	s25 =	sor.u32 $0x430, s21;
	v28 =	vld [tilespmem:s26+$0x100];
	(xrf1) =	vsort.dscd.msk.f32 $0xffff, v25, v50  }
0x5b: {  	s24 =	sor.u32 $0x440, s21;
	v29 =	vld [tilespmem:s25+$0x100];
	(xrf1) =	vsort.ascd.msk.f32 $0xffff, v26, v49  }
0x5c: {  	s23 =	sor.u32 $0x450, s21;
	v30 =	vld [tilespmem:s24+$0x100]  }
0x5d: {  	s22 =	sor.u32 $0x460, s21;
	v31 =	vld [tilespmem:s23+$0x100];
	(xrf1) =	vsort.dscd.msk.f32 $0xffff, v27, v34  }
0x5e: {  	s21 =	sor.u32 $0x470, s21;
	v35 =	vld [tilespmem:s22+$0x100];
	(xrf1) =	vsort.ascd.msk.f32 $0xffff, v5, v61  }
0x5f: {  	v36 =	vld [tilespmem:s21+$0x100];
	(xrf1) =	vsort.dscd.msk.f32 $0xffff, v28, v60  }
0x60: {  	(xrf1) =	vsort.ascd.msk.f32 $0xffff, v29, v59  }
0x61: {  	(xrf1) =	vsort.dscd.msk.f32 $0xffff, v30, v58;
	v37, v38, _ =	vpop (xrf1)  }
0x62: {  	(xrf1) =	vsort.ascd.msk.f32 $0xffff, v31, v55;
	v40, v39, _ =	vpop (xrf1)  }
0x63: {  	(xrf1) =	vsort.dscd.msk.f32 $0xffff, v35, v56;
	vm0 =	vlt.f32 v37, v40  }
0x64: {  	v41, v6, _ =	vpop (xrf1);
	(xrf1) =	vsort.ascd.msk.f32 $0xffff, v36, v57;
	v1 =	vsel vm0, v38, v39  }
0x65: {  	v8 =	vmax.f32 v37, v40;
	v0 =	vmin.f32 v37, v40;
	v42, v7, _ =	vpop (xrf1);
	v43 =	vsel vm0, v39, v38  }
0x66: {  	(xrf1) =	vsort.dscd.msk.f32 $0xffff, v8, v43;
	vm15 =	vgt.f32 v41, v42;
	v45, v44, _ =	vpop (xrf1);
	v3 =	vmax.f32 v41, v42  }
0x67: {  	v46 =	vmin.f32 v41, v42;
	(xrf1) =	vsort.dscd.msk.f32 $0xffff, v0, v1;
	v47 =	vsel vm15, v7, v6;
	v48, v9, _ =	vpop (xrf1)  }
0x68: {  	v10 =	vsel vm15, v6, v7;
	(xrf1) =	vsort.ascd.msk.f32 $0xffff, v46, v47;
	v0, v1, _ =	vpop (xrf1)  }
0x69: {  	vm4 =	vlt.f32 v45, v48;
	v11 =	vmax.f32 v45, v48;
	(xrf1) =	vsort.ascd.msk.f32 $0xffff, v3, v10;
	v3, v5, _ =	vpop (xrf1)  }
0x6a: {  	v2 =	vmin.f32 v45, v48;
	v12 =	vsel vm4, v9, v44;
	vm5 =	vgt.f32 v0, v3  }
0x6b: {  	v4 =	vsel vm4, v44, v9;
	v14 =	vsel vm5, v5, v1;
	v1 =	vsel vm5, v1, v5  }
0x6c: {  	(xrf1) =	vsort.dscd.msk.f32 $0xffff, v11, v12;
	v6, v7, _ =	vpop (xrf1);
	v13 =	vmin.f32 v0, v3;
	v0 =	vmax.f32 v0, v3  }
0x6d: {  	(xrf1) =	vsort.dscd.msk.f32 $0xffff, v2, v4;
	v15, v16, _ =	vpop (xrf1)  }
0x6e: {  	(xrf1) =	vsort.ascd.msk.f32 $0xffff, v13, v14;
	v18, v17, _ =	vpop (xrf1)  }
0x6f: {  	vm6 =	vlt.f32 v6, v15;
	v19 =	vmax.f32 v6, v15;
	(xrf1) =	vsort.ascd.msk.f32 $0xffff, v0, v1;
	v0, v1, _ =	vpop (xrf1)  }
0x70: {  	v20 =	vmin.f32 v6, v15;
	v21 =	vsel vm6, v16, v7;
	vm7 =	vgt.f32 v18, v0  }
0x71: {  	v7 =	vsel vm6, v7, v16;
	v23 =	vsel vm7, v1, v17;
	v1 =	vsel vm7, v17, v1  }
0x72: {  	(xrf1) =	vsort.dscd.msk.f32 $0xffff, v19, v21;
	v4, v6, _ =	vpop (xrf1);
	v22 =	vmin.f32 v18, v0;
	v0 =	vmax.f32 v18, v0  }
0x73: {  	(xrf1) =	vsort.dscd.msk.f32 $0xffff, v20, v7;
	v24, v25, _ =	vpop (xrf1)  }
0x74: {  	(xrf1) =	vsort.ascd.msk.f32 $0xffff, v22, v23;
	v26, v27, _ =	vpop (xrf1);
	vm8 =	vlt.f32 v4, v24;
	v28 =	vmax.f32 v4, v24  }
0x75: {  	v4 =	vmin.f32 v4, v24;
	(xrf1) =	vsort.ascd.msk.f32 $0xffff, v0, v1;
	v29 =	vsel vm8, v25, v6;
	v0, v1, _ =	vpop (xrf1)  }
0x76: {  	v6 =	vsel vm8, v6, v25;
	v30, v10, _ =	vpop (xrf1);
	(xrf1) =	vsort.dscd.msk.f32 $0xffff, v28, v29;
	vm9 =	vgt.f32 v26, v0  }
0x77: {  	v31 =	vmin.f32 v26, v0;
	v5, v7, _ =	vpop (xrf1);
	(xrf1) =	vsort.dscd.msk.f32 $0xffff, v4, v6;
	v32 =	vsel vm9, v1, v27  }
0x78: {  	v0 =	vmax.f32 v26, v0;
	v1 =	vsel vm9, v27, v1;
	v33, v11, _ =	vpop (xrf1);
	(xrf1) =	vsort.ascd.msk.f32 $0xffff, v31, v32  }
0x79: {  	(xrf1) =	vsort.ascd.msk.f32 $0xffff, v0, v1;
	vm10 =	vlt.f32 v30, v33;
	v35 =	vmax.f32 v30, v33;
	v37, v36, _ =	vpop (xrf1)  }
0x7a: {  	v38 =	vmin.f32 v30, v33;
	vm11 =	vlt.f32 v5, v37;
	v41 =	vmax.f32 v5, v37  }
0x7b: {  	v39 =	vsel vm10, v11, v10;
	v42 =	vsel vm11, v36, v7;
	vm12 =	vlt.f32 v35, v41  }
0x7c: {  	v40 =	vsel vm10, v10, v11;
	v1 =	vmin.f32 v5, v37;
	v4 =	vsel vm12, v39, v42  }
0x7d: {  	v43 =	vmax.f32 v35, v41;
	v0 =	vmin.f32 v35, v41;
	v44 =	vsel vm12, v42, v39  }
0x7e: {  	v45, v46, _ =	vpop (xrf1);
	v2 =	vsel vm11, v7, v36;
	vm13 =	vlt.f32 v38, v1;
	(xrf1) =	vsort.dscd.msk.f32 $0xffff, v43, v44  }
0x7f: {  	v47, v48, _ =	vpop (xrf1);
	v12 =	vmax.f32 v38, v1;
	v11 =	vsel vm13, v2, v40;
	(xrf1) =	vsort.dscd.msk.f32 $0xffff, v0, v4  }
0x80: {  	v1 =	vmin.f32 v38, v1;
	v2 =	vsel vm13, v40, v2;
	(xrf1) =	vsort.dscd.msk.f32 $0xffff, v12, v11;
	v0, v4, _ =	vpop (xrf1)  }
0x81: {  	(xrf1) =	vsort.dscd.msk.f32 $0xffff, v1, v2;
	vm14 =	vgt.f32 v45, v0;
	v13 =	vmin.f32 v45, v0;
	v15, v14, _ =	vpop (xrf1)  }
0x82: {  	v0 =	vmax.f32 v45, v0;
	vm15 =	vgt.f32 v47, v15;
	v17 =	vmin.f32 v47, v15  }
0x83: {  	v16 =	vsel vm14, v4, v46;
	v18 =	vsel vm15, v14, v48;
	vm4 =	vgt.f32 v13, v17  }
0x84: {  	v4 =	vsel vm14, v46, v4;
	v2 =	vmax.f32 v47, v15;
	v5 =	vsel vm4, v16, v18  }
0x85: {  	v19 =	vmin.f32 v13, v17;
	v1 =	vmax.f32 v13, v17;
	v20 =	vsel vm4, v18, v16  }
0x86: {  	v21, v22, _ =	vpop (xrf1);
	v3 =	vsel vm15, v48, v14;
	vm5 =	vgt.f32 v0, v2;
	(xrf1) =	vsort.ascd.msk.f32 $0xffff, v19, v20  }
0x87: {  	v23, v24, _ =	vpop (xrf1);
	v25 =	vmin.f32 v0, v2;
	v26 =	vsel vm5, v3, v4;
	(xrf1) =	vsort.ascd.msk.f32 $0xffff, v1, v5  }
0x88: {  	v0 =	vmax.f32 v0, v2;
	v27 =	vsel vm5, v4, v3;
	(xrf1) =	vsort.ascd.msk.f32 $0xffff, v25, v26;
	v1, v5, _ =	vpop (xrf1)  }
0x89: {  	(xrf1) =	vsort.ascd.msk.f32 $0xffff, v0, v27;
	vm6 =	vlt.f32 v21, v1;
	v28 =	vmax.f32 v21, v1  }
0x8a: {  	v29, v3, _ =	vpop (xrf1);
	v1 =	vmin.f32 v21, v1;
	v30 =	vsel vm6, v5, v22;
	v5 =	vsel vm6, v22, v5  }
0x8b: {  	vm7 =	vlt.f32 v23, v29;
	v31 =	vmax.f32 v23, v29;
	v2 =	vmin.f32 v23, v29  }
0x8c: {  	v32 =	vsel vm7, v3, v24;
	v3 =	vsel vm7, v24, v3;
	vm8 =	vlt.f32 v28, v31  }
0x8d: {  	v33 =	vmax.f32 v28, v31;
	v35 =	vsel vm8, v32, v30;
	v4 =	vsel vm8, v30, v32  }
0x8e: {  	v0 =	vmin.f32 v28, v31;
	vm9 =	vlt.f32 v1, v2;
	(xrf1) =	vsort.dscd.msk.f32 $0xffff, v33, v35  }
0x8f: {  	v36, v37, _ =	vpop (xrf1);
	v40 =	vmax.f32 v1, v2;
	v41 =	vsel vm9, v3, v5;
	(xrf1) =	vsort.dscd.msk.f32 $0xffff, v0, v4  }
0x90: {  	v38, v39, _ =	vpop (xrf1);
	v1 =	vmin.f32 v1, v2;
	v42 =	vsel vm9, v5, v3;
	(xrf1) =	vsort.dscd.msk.f32 $0xffff, v40, v41  }
0x91: {  	v0, v4, _ =	vpop (xrf1);
	(xrf1) =	vsort.dscd.msk.f32 $0xffff, v1, v42  }
0x92: {  	vm10 =	vgt.f32 v36, v0;
	v43 =	vmin.f32 v36, v0;
	v44, v3, _ =	vpop (xrf1);
	v0 =	vmax.f32 v36, v0  }
0x93: {  	v45 =	vsel vm10, v4, v37;
	v4 =	vsel vm10, v37, v4;
	vm11 =	vgt.f32 v38, v44  }
0x94: {  	v46 =	vmin.f32 v38, v44;
	v2 =	vmax.f32 v38, v44;
	v18 =	vsel vm11, v3, v39  }
0x95: {  	v48, v47, _ =	vpop (xrf1);
	v3 =	vsel vm11, v39, v3;
	vm12 =	vgt.f32 v43, v46;
	v12 =	vmin.f32 v43, v46  }
0x96: {  	v20, v19, _ =	vpop (xrf1);
	v1 =	vmax.f32 v43, v46;
	v21 =	vsel vm12, v18, v45;
	v5 =	vsel vm12, v45, v18  }
0x97: {  	vm13 =	vgt.f32 v0, v2;
	v24 =	vmin.f32 v0, v2;
	v13, v14, _ =	vpop (xrf1);
	(xrf1) =	vsort.ascd.msk.f32 $0xffff, v12, v21  }
0x98: {  	v0 =	vmax.f32 v0, v2;
	v15 =	vsel vm13, v3, v4;
	v23, v22, _ =	vpop (xrf1);
	(xrf1) =	vsort.ascd.msk.f32 $0xffff, v1, v5  }
0x99: {  	v25 =	vsel vm13, v4, v3;
	(xrf1) =	vsort.ascd.msk.f32 $0xffff, v24, v15  }
0x9a: {  	v1, v5, _ =	vpop (xrf1);
	(xrf1) =	vsort.ascd.msk.f32 $0xffff, v0, v25  }
0x9b: {  	vm14 =	vlt.f32 v48, v1;
	v0, v2, _ =	vpop (xrf1);
	v26 =	vmax.f32 v48, v1;
	v1 =	vmin.f32 v48, v1  }
0x9c: {  	v27 =	vsel vm14, v5, v47;
	v5 =	vsel vm14, v47, v5;
	vm15 =	vlt.f32 v20, v0  }
0x9d: {  	v28 =	vmax.f32 v20, v0;
	v30, v29, _ =	vpop (xrf1);
	v0 =	vmin.f32 v20, v0;
	v31 =	vsel vm15, v2, v19  }
0x9e: {  	v2 =	vsel vm15, v19, v2;
	vm4 =	vlt.f32 v13, v30;
	v16 =	vmax.f32 v13, v30  }
0x9f: {  	v33, v32, _ =	vpop (xrf1);
	v9 =	vmin.f32 v13, v30;
	v35 =	vsel vm4, v29, v14;
	v12 =	vsel vm4, v14, v29  }
0xa0: {  	vm5 =	vlt.f32 v23, v33;
	v36 =	vmax.f32 v23, v33;
	v8 =	vmin.f32 v23, v33  }
0xa1: {  	vm6 =	vlt.f32 v26, v16;
	v38 =	vmax.f32 v26, v16;
	v3 =	vmin.f32 v26, v16  }
0xa2: {  	vm8 =	vlt.f32 v1, v9;
	v42 =	vmax.f32 v1, v9;
	v1 =	vmin.f32 v1, v9  }
0xa3: {  	v37 =	vsel vm5, v32, v22;
	v10 =	vsel vm5, v22, v32;
	v39 =	vsel vm6, v35, v27  }
0xa4: {  	v4 =	vsel vm6, v27, v35;
	vm7 =	vlt.f32 v28, v36;
	v40 =	vmax.f32 v28, v36  }
0xa5: {  	v6 =	vmin.f32 v28, v36;
	v43 =	vsel vm8, v12, v5;
	v5 =	vsel vm8, v5, v12  }
0xa6: {  	vm9 =	vlt.f32 v0, v8;
	v44 =	vmax.f32 v0, v8;
	v0 =	vmin.f32 v0, v8  }
0xa7: {  	v41 =	vsel vm7, v37, v31;
	v7 =	vsel vm7, v31, v37;
	v45 =	vsel vm9, v10, v2  }
0xa8: {  	v2 =	vsel vm9, v2, v10;
	vm10 =	vlt.f32 v38, v40;
	v46 =	vmax.f32 v38, v40  }
0xa9: {  	v13 =	vmin.f32 v38, v40;
	vm11 =	vlt.f32 v3, v6;
	v48 =	vmax.f32 v3, v6  }
0xaa: {  	v47 =	vsel vm10, v41, v39;
	v17 =	vsel vm11, v7, v4;
	v4 =	vsel vm11, v4, v7  }
0xab: {  	v3 =	vmin.f32 v3, v6;
	v14 =	vsel vm10, v39, v41;
	(xrf1) =	vsort.dscd.msk.f32 $0xffff, v46, v47  }
0xac: {  	v19, v18, _ =	vpop (xrf1);
	vm12 =	vlt.f32 v42, v44;
	v11 =	vmin.f32 v42, v44;
	(xrf1) =	vsort.dscd.msk.f32 $0xffff, v13, v14  }
0xad: {  	v22, v21, _ =	vpop (xrf1);
	v20 =	vmax.f32 v42, v44;
	v8 =	vsel vm12, v43, v45;
	(xrf1) =	vsort.dscd.msk.f32 $0xffff, v48, v17  }
0xae: {  	vm13 =	vlt.f32 v1, v0;
	v23 =	vsel vm12, v45, v43;
	(xrf1) =	vsort.dscd.msk.f32 $0xffff, v3, v4;
	v3, v4, _ =	vpop (xrf1)  }
0xaf: {  	v26 =	vmax.f32 v1, v0;
	v0 =	vmin.f32 v1, v0;
	(xrf1) =	vsort.dscd.msk.f32 $0xffff, v20, v23;
	v24, v25, _ =	vpop (xrf1)  }
0xb0: {  	v27 =	vsel vm13, v2, v5;
	(xrf1) =	vsort.dscd.msk.f32 $0xffff, v11, v8;
	v8, v11, _ =	vpop (xrf1)  }
0xb1: {  	v28 =	vsel vm13, v5, v2;
	(xrf1) =	vsort.dscd.msk.f32 $0xffff, v26, v27;
	vm14 =	vgt.f32 v19, v8  }
0xb2: {  	v29 =	vmin.f32 v19, v8;
	v30 =	vmax.f32 v19, v8;
	(xrf1) =	vsort.dscd.msk.f32 $0xffff, v0, v28;
	v0, v1, _ =	vpop (xrf1)  }
0xb3: {  	v31 =	vsel vm14, v11, v18;
	v32 =	vsel vm14, v18, v11;
	vm15 =	vgt.f32 v22, v0  }
0xb4: {  	v33 =	vmin.f32 v22, v0;
	v36, v35, _ =	vpop (xrf1);
	v0 =	vmax.f32 v22, v0;
	v37 =	vsel vm15, v1, v21  }
0xb5: {  	v1 =	vsel vm15, v21, v1;
	vm4 =	vgt.f32 v3, v36;
	v40 =	vmin.f32 v3, v36  }
0xb6: {  	v39, v38, _ =	vpop (xrf1);
	v3 =	vmax.f32 v3, v36;
	v41 =	vsel vm4, v35, v4;
	v4 =	vsel vm4, v4, v35  }
0xb7: {  	vm5 =	vgt.f32 v24, v39;
	v42 =	vmin.f32 v24, v39;
	v9 =	vmax.f32 v24, v39  }
0xb8: {  	vm6 =	vgt.f32 v29, v40;
	v44 =	vmin.f32 v29, v40;
	v2 =	vmax.f32 v29, v40  }
0xb9: {  	vm1 =	vgt.f32 v30, v3;
	v18 =	vmin.f32 v30, v3;
	v43 =	vsel vm5, v38, v25  }
0xba: {  	v12 =	vsel vm5, v25, v38;
	vm7 =	vgt.f32 v33, v42;
	v46 =	vmin.f32 v33, v42  }
0xbb: {  	v45 =	vsel vm6, v41, v31;
	v47 =	vsel vm7, v43, v37;
	vm8 =	vgt.f32 v44, v46  }
0xbc: {  	v7 =	vsel vm6, v31, v41;
	v48 =	vmin.f32 v44, v46;
	v17 =	vsel vm8, v47, v45  }
0xbd: {  	v10 =	vmax.f32 v33, v42;
	v6 =	vsel vm7, v37, v43;
	(xrf1) =	vsort.ascd.msk.f32 $0xffff, v48, v17  }
0xbe: {  	v11 =	vmax.f32 v44, v46;
	vm2 =	vgt.f32 v2, v10;
	v13 =	vsel vm8, v45, v47  }
0xbf: {  	v24 =	vsel vm2, v6, v7;
	v6 =	vsel vm2, v7, v6;
	(xrf1) =	vsort.ascd.msk.f32 $0xffff, v11, v13  }
0xc0: {  	v21 =	vsel vm1, v4, v32;
	v23 =	vmin.f32 v2, v10;
	v2 =	vmax.f32 v2, v10  }
0xc1: {  	vm9 =	vgt.f32 v0, v9;
	v22 =	vmin.f32 v0, v9;
	(xrf1) =	vsort.ascd.msk.f32 $0xffff, v23, v24  }
0xc2: {  	v25 =	vsel vm9, v12, v1;
	vm10 =	vgt.f32 v18, v22;
	(xrf1) =	vsort.ascd.msk.f32 $0xffff, v2, v6  }
0xc3: {  	v3 =	vmax.f32 v30, v3;
	v26 =	vmin.f32 v18, v22;
	v27 =	vsel vm10, v25, v21;
	v2, v6, _ =	vpop (xrf1)  }
0xc4: {  	v0 =	vmax.f32 v0, v9;
	v5 =	vsel vm10, v21, v25;
	v13, v14, _ =	vpop (xrf1);
	(xrf1) =	vsort.ascd.msk.f32 $0xffff, v26, v27  }
0xc5: {  	v4 =	vsel vm1, v32, v4;
	v1 =	vsel vm9, v1, v12;
	vm11 =	vgt.f32 v3, v0;
	v29, v28, _ =	vpop (xrf1)  }
0xc6: {  	v30 =	vmax.f32 v18, v22;
	v35 =	vsel vm11, v1, v4;
	v1 =	vsel vm11, v4, v1;
	v32, v31, _ =	vpop (xrf1)  }
0xc7: {  	v33 =	vmin.f32 v3, v0;
	v0 =	vmax.f32 v3, v0;
	(xrf1) =	vsort.ascd.msk.f32 $0xffff, v30, v5;
	v5, v10, _ =	vpop (xrf1)  }
0xc8: {  	v12, v15, _ =	vpop (xrf1)  }
0xc9: {  	(xrf1) =	vsort.ascd.msk.f32 $0xffff, v33, v35;
	v36, v37, _ =	vpop (xrf1)  }
0xca: {  	(xrf1) =	vsort.ascd.msk.f32 $0xffff, v0, v1;
	v0, v1, _ =	vpop (xrf1)  }
0xcb: {  	v38, v17, _ =	vpop (xrf1)  }
0xcc: {  	vm12 =	vlt.f32 v2, v38  }
0xcd: {  	v39, v19, _ =	vpop (xrf1);
	v20 =	vmax.f32 v2, v38;
	v2 =	vmin.f32 v2, v38;
	v40 =	vsel vm12, v17, v6  }
0xce: {  	v6 =	vsel vm12, v6, v17;
	vm13 =	vlt.f32 v13, v39;
	v17 =	vmax.f32 v13, v39  }
0xcf: {  	v21, v22, _ =	vpop (xrf1);
	v13 =	vmin.f32 v13, v39;
	v18 =	vsel vm13, v19, v14;
	v14 =	vsel vm13, v14, v19  }
0xd0: {  	v41, v23, _ =	vpop (xrf1);
	vm14 =	vlt.f32 v29, v21;
	v24 =	vmax.f32 v29, v21;
	v8 =	vmin.f32 v29, v21  }
0xd1: {  	v21 =	vsel vm14, v22, v28;
	v9 =	vsel vm14, v28, v22;
	vm15 =	vlt.f32 v32, v41  }
0xd2: {  	v42, v25, _ =	vpop (xrf1);
	v26 =	vmax.f32 v32, v41;
	v7 =	vmin.f32 v32, v41;
	v19 =	vsel vm15, v23, v31  }
0xd3: {  	v11 =	vsel vm15, v31, v23;
	vm4 =	vlt.f32 v5, v42;
	v43 =	vmax.f32 v5, v42  }
0xd4: {  	v5 =	vmin.f32 v5, v42;
	v44 =	vsel vm4, v25, v10;
	v10 =	vsel vm4, v10, v25  }
0xd5: {  	v27, v28, _ =	vpop (xrf1);
	vm8 =	vlt.f32 v20, v43;
	v38 =	vmax.f32 v20, v43;
	v20 =	vmin.f32 v20, v43  }
0xd6: {  	vm12 =	vlt.f32 v2, v5;
	vm5 =	vlt.f32 v12, v27;
	v30 =	vmax.f32 v12, v27  }
0xd7: {  	v45, v29, _ =	vpop (xrf1);
	v12 =	vmin.f32 v12, v27;
	v39 =	vsel vm8, v44, v40;
	v16 =	vsel vm8, v40, v44  }
0xd8: {  	v46 =	vsel vm5, v28, v15;
	v15 =	vsel vm5, v15, v28;
	vm6 =	vlt.f32 v36, v45  }
0xd9: {  	v32 =	vmax.f32 v36, v45;
	v3 =	vmin.f32 v36, v45;
	vm9 =	vlt.f32 v17, v30  }
0xda: {  	v40 =	vmax.f32 v17, v30;
	v17 =	vmin.f32 v17, v30;
	v28 =	vmax.f32 v2, v5  }
0xdb: {  	v2 =	vmin.f32 v2, v5;
	v45 =	vsel vm12, v10, v6;
	v6 =	vsel vm12, v6, v10  }
0xdc: {  	vm13 =	vlt.f32 v13, v12;
	v10 =	vmax.f32 v13, v12;
	v12 =	vmin.f32 v13, v12  }
0xdd: {  	v48 =	vsel vm6, v29, v37;
	v4 =	vsel vm6, v37, v29;
	v30 =	vsel vm9, v46, v18  }
0xde: {  	v18 =	vsel vm9, v18, v46;
	vm10 =	vlt.f32 v24, v32;
	v41 =	vmax.f32 v24, v32  }
0xdf: {  	v24 =	vmin.f32 v24, v32;
	v13 =	vsel vm13, v15, v14;
	v14 =	vsel vm13, v14, v15  }
0xe0: {  	v47, v31, _ =	vpop (xrf1);
	vm14 =	vlt.f32 v8, v3;
	v46 =	vmax.f32 v8, v3;
	v3 =	vmin.f32 v8, v3  }
0xe1: {  	vm7 =	vlt.f32 v0, v47;
	v36 =	vmax.f32 v0, v47;
	v0 =	vmin.f32 v0, v47  }
0xe2: {  	v42 =	vsel vm10, v48, v21;
	v21 =	vsel vm10, v21, v48;
	v47 =	vsel vm14, v4, v9  }
0xe3: {  	v4 =	vsel vm14, v9, v4;
	vm4 =	vlt.f32 v38, v41;
	v27 =	vmin.f32 v38, v41  }
0xe4: {  	vm6 =	vlt.f32 v20, v24;
	vm8 =	vlt.f32 v28, v46;
	v15 =	vmin.f32 v28, v46  }
0xe5: {  	vm10 =	vlt.f32 v2, v3;
	v37 =	vsel vm7, v31, v1;
	v1 =	vsel vm7, v1, v31  }
0xe6: {  	vm11 =	vlt.f32 v26, v36;
	v43 =	vmax.f32 v26, v36;
	v26 =	vmin.f32 v26, v36  }
0xe7: {  	vm15 =	vlt.f32 v7, v0;
	v48 =	vmax.f32 v7, v0;
	v0 =	vmin.f32 v7, v0  }
0xe8: {  	v23 =	vsel vm4, v39, v42;
	v5 =	vsel vm8, v45, v47;
	v44 =	vsel vm11, v37, v19  }
0xe9: {  	v19 =	vsel vm11, v19, v37;
	v36 =	vsel vm15, v1, v11;
	v1 =	vsel vm15, v11, v1  }
0xea: {  	v37 =	vmax.f32 v38, v41;
	v38 =	vsel vm4, v42, v39;
	vm5 =	vlt.f32 v40, v43  }
0xeb: {  	v39 =	vmax.f32 v40, v43;
	v22 =	vmin.f32 v40, v43;
	v41 =	vmax.f32 v20, v24  }
0xec: {  	v20 =	vmin.f32 v20, v24;
	v42 =	vsel vm6, v21, v16;
	v16 =	vsel vm6, v16, v21  }
0xed: {  	vm7 =	vlt.f32 v17, v26;
	v43 =	vmax.f32 v17, v26;
	v17 =	vmin.f32 v17, v26  }
0xee: {  	vm9 =	vlt.f32 v10, v48;
	v9 =	vmin.f32 v10, v48;
	vm11 =	vlt.f32 v12, v0  }
0xef: {  	v40 =	vsel vm5, v44, v30;
	v29 =	vsel vm5, v30, v44;
	v44 =	vsel vm7, v19, v18  }
0xf0: {  	v18 =	vsel vm7, v18, v19;
	v19 =	vmax.f32 v28, v46;
	v28 =	vsel vm8, v47, v45  }
0xf1: {  	v45 =	vmax.f32 v10, v48;
	v46 =	vsel vm9, v36, v13;
	v7 =	vsel vm9, v13, v36  }
0xf2: {  	v13 =	vmax.f32 v2, v3;
	v2 =	vmin.f32 v2, v3;
	v3 =	vsel vm10, v4, v6  }
0xf3: {  	v4 =	vsel vm10, v6, v4;
	v6 =	vmax.f32 v12, v0;
	v0 =	vmin.f32 v12, v0  }
0xf4: {  	v12 =	vsel vm11, v1, v14;
	v1 =	vsel vm11, v14, v1;
	vm12 =	vlt.f32 v37, v39  }
0xf5: {  	v47 =	vmax.f32 v37, v39;
	v11 =	vmin.f32 v37, v39;
	vm13 =	vlt.f32 v27, v22  }
0xf6: {  	v36 =	vmax.f32 v27, v22;
	v22 =	vmin.f32 v27, v22;
	vm14 =	vlt.f32 v41, v43  }
0xf7: {  	v39 =	vmin.f32 v41, v43;
	vm15 =	vlt.f32 v20, v17;
	v48 =	vsel vm12, v40, v38  }
0xf8: {  	vm5 =	vlt.f32 v15, v9;
	v25 =	vsel vm12, v38, v40;
	(xrf1) =	vsort.dscd.msk.f32 $0xffff, v47, v48  }
0xf9: {  	v37 =	vsel vm13, v29, v23;
	v23 =	vsel vm13, v23, v29;
	(xrf1) =	vsort.dscd.msk.f32 $0xffff, v11, v25  }
0xfa: {  	v38 =	vmax.f32 v41, v43;
	v40 =	vsel vm14, v44, v42;
	(xrf1) =	vsort.dscd.msk.f32 $0xffff, v36, v37  }
0xfb: {  	v41 =	vsel vm14, v42, v44;
	v42 =	vmax.f32 v20, v17;
	(xrf1) =	vsort.dscd.msk.f32 $0xffff, v22, v23  }
0xfc: {  	v17 =	vmin.f32 v20, v17;
	v43 =	vsel vm15, v18, v16;
	(xrf1) =	vsort.dscd.msk.f32 $0xffff, v38, v40  }
0xfd: {  	v16 =	vsel vm15, v16, v18;
	vm4 =	vlt.f32 v19, v45;
	(xrf1) =	vsort.dscd.msk.f32 $0xffff, v39, v41  }
0xfe: {  	v44 =	vmax.f32 v19, v45;
	v8 =	vmin.f32 v19, v45;
	(xrf1) =	vsort.dscd.msk.f32 $0xffff, v42, v43  }
0xff: {  	vm6 =	vlt.f32 v13, v6;
	v45 =	vsel vm4, v46, v28;
	(xrf1) =	vsort.dscd.msk.f32 $0xffff, v17, v16  }
0x100: {  	vm7 =	vlt.f32 v2, v0;
	v10 =	vsel vm4, v28, v46;
	(xrf1) =	vsort.dscd.msk.f32 $0xffff, v44, v45  }
0x101: {  	v46 =	vmax.f32 v15, v9;
	v47 =	vsel vm5, v7, v5;
	(xrf1) =	vsort.dscd.msk.f32 $0xffff, v8, v10  }
0x102: {  	v9 =	vmin.f32 v15, v9;
	v5 =	vsel vm5, v5, v7;
	(xrf1) =	vsort.dscd.msk.f32 $0xffff, v46, v47  }
0x103: {  	v48 =	vmax.f32 v13, v6;
	v14 =	vsel vm6, v12, v3;
	v15 =	vld [tilespmem:s20+$0x180];
	(xrf1) =	vsort.dscd.msk.f32 $0xffff, v9, v5  }
0x104: {  	v6 =	vmin.f32 v13, v6;
	v3 =	vsel vm6, v3, v12;
	v16 =	vld [tilespmem:s20+$0x190];
	(xrf1) =	vsort.dscd.msk.f32 $0xffff, v48, v14  }
0x105: {  	v19 =	vld [tilespmem:s20+$0x1A0];
	v18 =	vsel vm7, v1, v4;
	v17 =	vmax.f32 v2, v0;
	(xrf1) =	vsort.dscd.msk.f32 $0xffff, v6, v3  }
0x106: {  	v33 =	vld [tilespmem:s20+$0x1B0];
	v1 =	vsel vm7, v4, v1;
	v0 =	vmin.f32 v2, v0;
	v31, v30, _ =	vpop (xrf1);
	(xrf1) =	vsort.dscd.msk.f32 $0xffff, v17, v18  }
0x107: {  	v35 =	vld [tilespmem:s20+$0x1C0];
	v29, v28, _ =	vpop (xrf1);
	(xrf1) =	vsort.dscd.msk.f32 $0xffff, v0, v1  }
0x108: {  	v36 =	vld [tilespmem:s20+$0x1D0];
	v27, v26, _ =	vpop (xrf1);
	(xrf1) =	vsort.dscd.msk.f32 $0xffff, v15, v63  }
0x109: {  	v25, v24, _ =	vpop (xrf1);
	(xrf1) =	vsort.ascd.msk.f32 $0xffff, v16, v62  }
0x10a: {  	v37 =	vld [tilespmem:s20+$0x1E0];
	v23, v22, _ =	vpop (xrf1);
	(xrf1) =	vsort.dscd.msk.f32 $0xffff, v19, v54  }
0x10b: {  	v38 =	vld [tilespmem:s20+$0x1F0];
	v21, v20, _ =	vpop (xrf1);
	(xrf1) =	vsort.ascd.msk.f32 $0xffff, v33, v53  }
0x10c: {  	v39 =	vld [tilespmem:s20+$0x580];
	v19, v18, _ =	vpop (xrf1);
	(xrf1) =	vsort.dscd.msk.f32 $0xffff, v35, v52  }
0x10d: {  	v40 =	vld [tilespmem:s20+$0x590];
	v17, v16, _ =	vpop (xrf1);
	(xrf1) =	vsort.ascd.msk.f32 $0xffff, v36, v51  }
0x10e: {  	v41 =	vld [tilespmem:s20+$0x5A0];
	v15, v12, _ =	vpop (xrf1)  }
0x10f: {  	v42 =	vld [tilespmem:s20+$0x5B0];
	(xrf1) =	vsort.dscd.msk.f32 $0xffff, v37, v50;
	v14, v10, _ =	vpop (xrf1)  }
0x110: {  	v43 =	vld [tilespmem:s20+$0x5C0];
	v13, v8, _ =	vpop (xrf1);
	(xrf1) =	vsort.ascd.msk.f32 $0xffff, v38, v49  }
0x111: {  	v33 =	vld [tilespmem:s20+$0x5D0];
	v11, v6, _ =	vpop (xrf1);
	(xrf1) =	vsort.dscd.msk.f32 $0xffff, v39, v34  }
0x112: {  	v44 =	vld [tilespmem:s20+$0x5E0];
	v9, v4, _ =	vpop (xrf1);
	(xrf1) =	vsort.ascd.msk.f32 $0xffff, v40, v61  }
0x113: {  	v35 =	vld [tilespmem:s20+$0x5F0];
	v7, v3, _ =	vpop (xrf1);
	(xrf1) =	vsort.dscd.msk.f32 $0xffff, v41, v60  }
0x114: {  	v5, v2, _ =	vpop (xrf1);
	(xrf1) =	vsort.ascd.msk.f32 $0xffff, v42, v59  }
0x115: {  	v1, v0, _ =	vpop (xrf1);
	(xrf1) =	vsort.dscd.msk.f32 $0xffff, v43, v58  }
0x116: {  	v45, v36, _ =	vpop (xrf1);
	(xrf1) =	vsort.ascd.msk.f32 $0xffff, v33, v55  }
0x117: {  	v46, v37, _ =	vpop (xrf1);
	(xrf1) =	vsort.dscd.msk.f32 $0xffff, v44, v56  }
0x118: {  	v48 =	vmov v34;
	v34, v38, _ =	vpop (xrf1);
	(xrf1) =	vsort.ascd.msk.f32 $0xffff, v35, v57;
	vm8 =	vlt.f32 v45, v46;
	v40 =	vmax.f32 v45, v46  }
0x119: {  	v32 =	vmin.f32 v45, v46;
	v47, v39, _ =	vpop (xrf1);
	v43 =	vsel vm8, v37, v36;
	v36 =	vsel vm8, v36, v37  }
0x11a: {  	(xrf1) =	vsort.dscd.msk.f32 $0xffff, v40, v43;
	vm9 =	vgt.f32 v34, v47;
	v33, v37, _ =	vpop (xrf1);
	v44 =	vmin.f32 v34, v47  }
0x11b: {  	v34 =	vmax.f32 v34, v47;
	(xrf1) =	vsort.dscd.msk.f32 $0xffff, v32, v36;
	v45 =	vsel vm9, v39, v38;
	v46, v41, _ =	vpop (xrf1)  }
0x11c: {  	v47 =	vsel vm9, v38, v39;
	(xrf1) =	vsort.ascd.msk.f32 $0xffff, v44, v45;
	vm10 =	vlt.f32 v33, v46  }
0x11d: {  	v42 =	vmax.f32 v33, v46;
	v32, v36, _ =	vpop (xrf1);
	(xrf1) =	vsort.ascd.msk.f32 $0xffff, v34, v47;
	v43 =	vsel vm10, v41, v37  }
0x11e: {  	v33 =	vmin.f32 v33, v46;
	v37 =	vsel vm10, v37, v41;
	v34, v35, _ =	vpop (xrf1);
	(xrf1) =	vsort.dscd.msk.f32 $0xffff, v42, v43  }
0x11f: {  	vm11 =	vgt.f32 v32, v34;
	v38, v39, _ =	vpop (xrf1);
	(xrf1) =	vsort.dscd.msk.f32 $0xffff, v33, v37  }
0x120: {  	v44 =	vmin.f32 v32, v34;
	v32 =	vmax.f32 v32, v34;
	v45 =	vsel vm11, v35, v36;
	v46, v47, _ =	vpop (xrf1)  }
0x121: {  	v36 =	vsel vm11, v36, v35;
	(xrf1) =	vsort.ascd.msk.f32 $0xffff, v44, v45;
	vm12 =	vlt.f32 v38, v46  }
0x122: {  	v33, v35, _ =	vpop (xrf1);
	v42 =	vmax.f32 v38, v46;
	(xrf1) =	vsort.ascd.msk.f32 $0xffff, v32, v36;
	v44 =	vsel vm12, v47, v39  }
0x123: {  	v43 =	vmin.f32 v38, v46;
	v32, v34, _ =	vpop (xrf1);
	v39 =	vsel vm12, v39, v47;
	(xrf1) =	vsort.dscd.msk.f32 $0xffff, v42, v44  }
0x124: {  	vm13 =	vgt.f32 v33, v32;
	v36, v38, _ =	vpop (xrf1);
	v37 =	vmin.f32 v33, v32;
	v32 =	vmax.f32 v33, v32  }
0x125: {  	(xrf1) =	vsort.dscd.msk.f32 $0xffff, v43, v39;
	v45 =	vsel vm13, v34, v35;
	v46, v47, _ =	vpop (xrf1)  }
0x126: {  	v44 =	vsel vm13, v35, v34;
	(xrf1) =	vsort.ascd.msk.f32 $0xffff, v37, v45;
	v34, v35, _ =	vpop (xrf1);
	vm14 =	vlt.f32 v36, v46  }
0x127: {  	v45 =	vmax.f32 v36, v46;
	v36 =	vmin.f32 v36, v46;
	(xrf1) =	vsort.ascd.msk.f32 $0xffff, v32, v44;
	v32, v33, _ =	vpop (xrf1)  }
0x128: {  	v46 =	vsel vm14, v47, v38;
	v38 =	vsel vm14, v38, v47;
	v47 =	vmin.f32 v34, v32  }
0x129: {  	(xrf1) =	vsort.dscd.msk.f32 $0xffff, v45, v46;
	vm15 =	vgt.f32 v34, v32;
	v40, v42, _ =	vpop (xrf1)  }
0x12a: {  	(xrf1) =	vsort.dscd.msk.f32 $0xffff, v36, v38;
	v45 =	vsel vm15, v33, v35;
	v37, v39, _ =	vpop (xrf1)  }
0x12b: {  	v32 =	vmax.f32 v34, v32;
	v33 =	vsel vm15, v35, v33;
	(xrf1) =	vsort.ascd.msk.f32 $0xffff, v47, v45;
	v46, v43, _ =	vpop (xrf1)  }
0x12c: {  	(xrf1) =	vsort.ascd.msk.f32 $0xffff, v32, v33;
	vm4 =	vlt.f32 v40, v46;
	v32 =	vmax.f32 v40, v46;
	v44, v47, _ =	vpop (xrf1)  }
0x12d: {  	v36 =	vsel vm4, v43, v42;
	vm5 =	vlt.f32 v37, v44;
	v45 =	vmax.f32 v37, v44  }
0x12e: {  	v33 =	vmin.f32 v37, v44;
	v37 =	vsel vm5, v47, v39;
	vm6 =	vlt.f32 v32, v45  }
0x12f: {  	v34 =	vsel vm5, v39, v47;
	v47 =	vsel vm6, v37, v36;
	v36 =	vsel vm6, v36, v37  }
0x130: {  	v35 =	vmin.f32 v40, v46;
	v46 =	vmax.f32 v32, v45;
	v32 =	vmin.f32 v32, v45  }
0x131: {  	v38 =	vsel vm4, v42, v43;
	vm7 =	vlt.f32 v35, v33;
	v41, v45, _ =	vpop (xrf1)  }
0x132: {  	v43 =	vsel vm7, v34, v38;
	(xrf1) =	vsort.dscd.msk.f32 $0xffff, v46, v47;
	v37, v39, _ =	vpop (xrf1)  }
0x133: {  	v34 =	vsel vm7, v38, v34;
	v46 =	vmax.f32 v35, v33;
	(xrf1) =	vsort.dscd.msk.f32 $0xffff, v32, v36;
	v32, v36, _ =	vpop (xrf1)  }
0x134: {  	v33 =	vmin.f32 v35, v33;
	(xrf1) =	vsort.dscd.msk.f32 $0xffff, v46, v43;
	vm8 =	vgt.f32 v41, v32  }
0x135: {  	(xrf1) =	vsort.dscd.msk.f32 $0xffff, v33, v34;
	v33 =	vmin.f32 v41, v32;
	v44, v47, _ =	vpop (xrf1);
	v38 =	vsel vm8, v36, v45  }
0x136: {  	v36 =	vsel vm8, v45, v36;
	vm9 =	vgt.f32 v37, v44;
	v45 =	vmin.f32 v37, v44  }
0x137: {  	v46 =	vsel vm9, v47, v39;
	vm10 =	vgt.f32 v33, v45  }
0x138: {  	v34 =	vmax.f32 v37, v44;
	v37 =	vsel vm10, v38, v46  }
0x139: {  	v35 =	vsel vm9, v39, v47;
	v47 =	vmin.f32 v33, v45;
	v33 =	vmax.f32 v33, v45  }
0x13a: {  	v32 =	vmax.f32 v41, v32;
	v41, v42, _ =	vpop (xrf1);
	v45 =	vsel vm10, v46, v38  }
0x13b: {  	vm11 =	vgt.f32 v32, v34;
	v46 =	vmin.f32 v32, v34;
	(xrf1) =	vsort.ascd.msk.f32 $0xffff, v47, v45;
	v38, v39, _ =	vpop (xrf1)  }
0x13c: {  	v32 =	vmax.f32 v32, v34;
	v47 =	vsel vm11, v35, v36;
	(xrf1) =	vsort.ascd.msk.f32 $0xffff, v33, v37;
	v33, v37, _ =	vpop (xrf1)  }
0x13d: {  	v36 =	vsel vm11, v36, v35;
	(xrf1) =	vsort.ascd.msk.f32 $0xffff, v46, v47;
	vm12 =	vlt.f32 v41, v33  }
0x13e: {  	(xrf1) =	vsort.ascd.msk.f32 $0xffff, v32, v36;
	v44 =	vmax.f32 v41, v33;
	v45, v35, _ =	vpop (xrf1);
	v36 =	vsel vm12, v37, v42  }
0x13f: {  	vm13 =	vlt.f32 v38, v45;
	v46 =	vmax.f32 v38, v45;
	v34 =	vmin.f32 v38, v45  }
0x140: {  	v47 =	vsel vm13, v35, v39;
	vm14 =	vlt.f32 v44, v46;
	v45 =	vmax.f32 v44, v46  }
0x141: {  	v32 =	vmin.f32 v44, v46;
	v46 =	vsel vm14, v47, v36;
	v36 =	vsel vm14, v36, v47  }
0x142: {  	v33 =	vmin.f32 v41, v33;
	v37 =	vsel vm12, v42, v37  }
0x143: {  	v41, v42, _ =	vpop (xrf1);
	v35 =	vsel vm13, v39, v35;
	vm15 =	vlt.f32 v33, v34;
	(xrf1) =	vsort.dscd.msk.f32 $0xffff, v45, v46  }
0x144: {  	v38, v39, _ =	vpop (xrf1);
	v47 =	vmax.f32 v33, v34;
	v45 =	vsel vm15, v35, v37;
	(xrf1) =	vsort.dscd.msk.f32 $0xffff, v32, v36  }
0x145: {  	v33 =	vmin.f32 v33, v34;
	v46 =	vsel vm15, v37, v35;
	(xrf1) =	vsort.dscd.msk.f32 $0xffff, v47, v45;
	v32, v36, _ =	vpop (xrf1)  }
0x146: {  	[tilespmem:s20+$0x4100] =	vst v31;
	(xrf1) =	vsort.dscd.msk.f32 $0xffff, v33, v46;
	vm4 =	vgt.f32 v41, v32;
	v33 =	vmin.f32 v41, v32  }
0x147: {  	[tilespmem:s20+$0x2100] =	vst v30;
	v47, v35, _ =	vpop (xrf1);
	v32 =	vmax.f32 v41, v32;
	v37 =	vsel vm4, v36, v42;
	v36 =	vsel vm4, v42, v36  }
0x148: {  	[tilespmem:s20+$0x4110] =	vst v29;
	vm5 =	vgt.f32 v38, v47;
	v40 =	vmin.f32 v38, v47;
	v34 =	vmax.f32 v38, v47  }
0x149: {  	[tilespmem:s20+$0x2110] =	vst v28;
	v42 =	vsel vm5, v35, v39;
	vm6 =	vgt.f32 v33, v40;
	v44 =	vmin.f32 v33, v40  }
0x14a: {  	[tilespmem:s20+$0x4120] =	vst v27;
	v38, v41, _ =	vpop (xrf1);
	v33 =	vmax.f32 v33, v40;
	v40 =	vsel vm6, v42, v37;
	v37 =	vsel vm6, v37, v42  }
0x14b: {  	[tilespmem:s20+$0x2120] =	vst v26;
	v35 =	vsel vm5, v39, v35;
	v39, v43, _ =	vpop (xrf1);
	vm7 =	vgt.f32 v32, v34;
	(xrf1) =	vsort.ascd.msk.f32 $0xffff, v44, v40  }
0x14c: {  	[tilespmem:s20+$0x4130] =	vst v25;
	v45, v46, _ =	vpop (xrf1);
	v47 =	vsel vm7, v35, v36;
	v44 =	vmin.f32 v32, v34;
	(xrf1) =	vsort.ascd.msk.f32 $0xffff, v33, v37  }
0x14d: {  	[tilespmem:s20+$0x2130] =	vst v24;
	v36 =	vsel vm7, v36, v35;
	v32 =	vmax.f32 v32, v34;
	v40, v42, _ =	vpop (xrf1);
	(xrf1) =	vsort.ascd.msk.f32 $0xffff, v44, v47  }
0x14e: {  	[tilespmem:s20+$0x4140] =	vst v23;
	v33, v37, _ =	vpop (xrf1);
	(xrf1) =	vsort.ascd.msk.f32 $0xffff, v32, v36  }
0x14f: {  	[tilespmem:s20+$0x2140] =	vst v22;
	vm8 =	vlt.f32 v38, v33;
	v32 =	vmax.f32 v38, v33;
	v44, v35, _ =	vpop (xrf1);
	v33 =	vmin.f32 v38, v33  }
0x150: {  	[tilespmem:s20+$0x4150] =	vst v21;
	v36 =	vsel vm8, v37, v41;
	v37 =	vsel vm8, v41, v37;
	vm9 =	vlt.f32 v39, v44  }
0x151: {  	[tilespmem:s20+$0x2150] =	vst v20;
	v47, v38, _ =	vpop (xrf1);
	v41 =	vmax.f32 v39, v44;
	v34 =	vmin.f32 v39, v44;
	v30 =	vsel vm9, v35, v43  }
0x152: {  	[tilespmem:s20+$0x4160] =	vst v19;
	v35 =	vsel vm9, v43, v35;
	vm10 =	vlt.f32 v45, v47;
	v43 =	vmax.f32 v45, v47  }
0x153: {  	[tilespmem:s20+$0x2160] =	vst v18;
	v29, v39, _ =	vpop (xrf1);
	v31 =	vmin.f32 v45, v47;
	v44 =	vsel vm10, v38, v46;
	v28 =	vsel vm10, v46, v38  }
0x154: {  	[tilespmem:s20+$0x4170] =	vst v17;
	vm11 =	vlt.f32 v40, v29;
	v47 =	vmax.f32 v40, v29;
	v27 =	vmin.f32 v40, v29  }
0x155: {  	[tilespmem:s20+$0x2170] =	vst v16;
	vm12 =	vlt.f32 v32, v43;
	v45 =	vmax.f32 v32, v43;
	v32 =	vmin.f32 v32, v43  }
0x156: {  	[tilespmem:s29+$0x4100] =	vst v15;
	vm14 =	vlt.f32 v33, v31;
	v29 =	vsel vm11, v39, v42;
	v39 =	vsel vm11, v42, v39  }
0x157: {  	[tilespmem:s29+$0x2100] =	vst v12;
	v25 =	vsel vm12, v44, v36;
	v36 =	vsel vm12, v36, v44;
	vm13 =	vlt.f32 v41, v47  }
0x158: {  	[tilespmem:s28+$0x4100] =	vst v14;
	v46 =	vmax.f32 v41, v47;
	v38 =	vmin.f32 v41, v47;
	v22 =	vsel vm14, v28, v37  }
0x159: {  	[tilespmem:s28+$0x2100] =	vst v10;
	vm15 =	vlt.f32 v34, v27;
	v47 =	vsel vm13, v29, v30;
	v23 =	vsel vm13, v30, v29  }
0x15a: {  	[tilespmem:s26+$0x4100] =	vst v13;
	v29 =	vmax.f32 v33, v31;
	v30 =	vmax.f32 v34, v27;
	v21 =	vsel vm15, v39, v35  }
0x15b: {  	[tilespmem:s26+$0x2100] =	vst v8;
	vm4 =	vlt.f32 v45, v46;
	v44 =	vmax.f32 v45, v46;
	v45 =	vmin.f32 v45, v46  }
0x15c: {  	[tilespmem:s25+$0x4100] =	vst v11;
	vm5 =	vlt.f32 v32, v38;
	v46 =	vsel vm4, v47, v25;
	v25 =	vsel vm4, v25, v47  }
0x15d: {  	[tilespmem:s25+$0x2100] =	vst v6;
	v47 =	vmax.f32 v32, v38;
	v32 =	vmin.f32 v32, v38;
	v38 =	vsel vm5, v23, v36  }
0x15e: {  	[tilespmem:s24+$0x4100] =	vst v9;
	v40 =	vsel vm5, v36, v23;
	vm6 =	vlt.f32 v29, v30;
	v41 =	vmax.f32 v29, v30  }
0x15f: {  	[tilespmem:s24+$0x2100] =	vst v4;
	v43 =	vmin.f32 v29, v30;
	v36 =	vmin.f32 v34, v27;
	(xrf1) =	vsort.dscd.msk.f32 $0xffff, v44, v46  }
0x160: {  	[tilespmem:s23+$0x4100] =	vst v7;
	v42 =	vsel vm6, v21, v22;
	v44 =	vsel vm6, v22, v21;
	(xrf1) =	vsort.dscd.msk.f32 $0xffff, v45, v25;
	v45, v14, _ =	vpop (xrf1)  }
0x161: {  	[tilespmem:s23+$0x2100] =	vst v3;
	(xrf1) =	vsort.dscd.msk.f32 $0xffff, v47, v38;
	v10, v15, _ =	vpop (xrf1);
	v47 =	vmin.f32 v33, v31;
	v38 =	vsel vm14, v37, v28  }
0x162: {  	[tilespmem:s22+$0x4100] =	vst v5;
	(xrf1) =	vsort.dscd.msk.f32 $0xffff, v32, v40;
	v13, v16, _ =	vpop (xrf1);
	v40 =	vsel vm15, v35, v39;
	vm7 =	vlt.f32 v47, v36  }
0x163: {  	[tilespmem:s22+$0x2100] =	vst v2;
	v2 =	vmin.f32 v47, v36;
	(xrf1) =	vsort.dscd.msk.f32 $0xffff, v41, v42;
	v8, v17, _ =	vpop (xrf1);
	v41 =	vmax.f32 v47, v36  }
0x164: {  	[tilespmem:s21+$0x4100] =	vst v1;
	v42 =	vsel vm7, v40, v38;
	v1 =	vsel vm7, v38, v40;
	(xrf1) =	vsort.dscd.msk.f32 $0xffff, v43, v44;
	v46, v18, _ =	vpop (xrf1)  }
0x165: {  	v6, v19, _ =	vpop (xrf1);
	vm8 =	vgt.f32 v45, v46;
	v43 =	vmin.f32 v45, v46;
	v44 =	vmax.f32 v45, v46  }
0x166: {  	v9, v20, _ =	vpop (xrf1);
	(xrf1) =	vsort.dscd.msk.f32 $0xffff, v41, v42;
	v45 =	vsel vm8, v18, v14;
	v11 =	vsel vm8, v14, v18  }
0x167: {  	vm9 =	vgt.f32 v10, v6;
	v46 =	vmin.f32 v10, v6;
	v6 =	vmax.f32 v10, v6  }
0x168: {  	(xrf1) =	vsort.dscd.msk.f32 $0xffff, v2, v1;
	v47 =	vsel vm9, v19, v15;
	v14 =	vsel vm9, v15, v19  }
0x169: {  	v4, v21, _ =	vpop (xrf1);
	vm10 =	vgt.f32 v13, v9;
	v25 =	vmin.f32 v13, v9;
	v9 =	vmax.f32 v13, v9  }
0x16a: {  	v28 =	vsel vm10, v20, v16;
	v16 =	vsel vm10, v16, v20;
	vm11 =	vgt.f32 v8, v4  }
0x16b: {  	v31 =	vmin.f32 v8, v4;
	v4 =	vmax.f32 v8, v4;
	vm12 =	vgt.f32 v43, v25  }
0x16c: {  	[tilespmem:s21+$0x2100] =	vst v0;
	v35 =	vmin.f32 v43, v25;
	v0 =	vmax.f32 v43, v25;
	vm15 =	vgt.f32 v44, v9  }
0x16d: {  	v41 =	vmin.f32 v44, v9;
	v1 =	vmax.f32 v44, v9;
	v34 =	vsel vm11, v21, v17  }
0x16e: {  	v17 =	vsel vm11, v17, v21;
	vm13 =	vgt.f32 v46, v31;
	v37 =	vmin.f32 v46, v31  }
0x16f: {  	v36 =	vsel vm12, v28, v45;
	v38 =	vsel vm13, v34, v47;
	vm14 =	vgt.f32 v35, v37  }
0x170: {  	v2 =	vsel vm12, v45, v28;
	v39 =	vmin.f32 v35, v37;
	v40 =	vsel vm14, v38, v36  }
0x171: {  	v12 =	vmax.f32 v46, v31;
	v8 =	vsel vm13, v47, v34;
	(xrf1) =	vsort.ascd.msk.f32 $0xffff, v39, v40  }
0x172: {  	v43 =	vmax.f32 v35, v37;
	vm5 =	vgt.f32 v0, v12;
	v44 =	vsel vm14, v36, v38  }
0x173: {  	v46 =	vmin.f32 v0, v12;
	v47 =	vsel vm5, v8, v2;
	(xrf1) =	vsort.ascd.msk.f32 $0xffff, v43, v44  }
0x174: {  	v42 =	vsel vm15, v16, v11;
	vm4 =	vgt.f32 v6, v4;
	v7, v22, _ =	vpop (xrf1);
	(xrf1) =	vsort.ascd.msk.f32 $0xffff, v46, v47  }
0x175: {  	v45 =	vmin.f32 v6, v4;
	v0 =	vmax.f32 v0, v12;
	v2 =	vsel vm5, v2, v8  }
0x176: {  	v18 =	vsel vm4, v17, v14;
	vm6 =	vgt.f32 v41, v45;
	v3, v23, _ =	vpop (xrf1);
	(xrf1) =	vsort.ascd.msk.f32 $0xffff, v0, v2  }
0x177: {  	v19 =	vsel vm15, v11, v16;
	v20 =	vmin.f32 v41, v45;
	v25 =	vsel vm6, v18, v42  }
0x178: {  	v31 =	vmax.f32 v41, v45;
	v8 =	vsel vm6, v42, v18;
	v5, v24, _ =	vpop (xrf1);
	(xrf1) =	vsort.ascd.msk.f32 $0xffff, v20, v25  }
0x179: {  	v4 =	vmax.f32 v6, v4;
	v28 =	vsel vm4, v14, v17;
	v26, v27, _ =	vpop (xrf1);
	(xrf1) =	vsort.ascd.msk.f32 $0xffff, v31, v8  }
0x17a: {  	vm7 =	vgt.f32 v1, v4;
	v34 =	vmin.f32 v1, v4;
	v1 =	vmax.f32 v1, v4  }
0x17b: {  	v35 =	vsel vm7, v28, v19;
	v0 =	vsel vm7, v19, v28;
	v29, v30, _ =	vpop (xrf1)  }
0x17c: {  	v32, v33, _ =	vpop (xrf1);
	(xrf1) =	vsort.ascd.msk.f32 $0xffff, v34, v35  }
0x17d: {  	v2, v4, _ =	vpop (xrf1)  }
0x17e: {  	(xrf1) =	vsort.ascd.msk.f32 $0xffff, v1, v0;
	v0, v1, _ =	vpop (xrf1)  }
0x17f: {  	v37, v36, _ =	vpop (xrf1)  }
0x180: {  	vm8 =	vlt.f32 v7, v37;
	v11 =	vmax.f32 v7, v37  }
0x181: {  	v9, v10, _ =	vpop (xrf1);
	v6 =	vmin.f32 v7, v37;
	v7 =	vsel vm8, v36, v22;
	v8 =	vsel vm8, v22, v36  }
0x182: {  	vm9 =	vlt.f32 v3, v9;
	v12 =	vmax.f32 v3, v9;
	v13, v38, _ =	vpop (xrf1);
	v3 =	vmin.f32 v3, v9  }
0x183: {  	v9 =	vsel vm9, v10, v23;
	v10 =	vsel vm9, v23, v10;
	vm10 =	vlt.f32 v5, v13  }
0x184: {  	v39, v40, _ =	vpop (xrf1);
	v17 =	vmax.f32 v5, v13;
	v5 =	vmin.f32 v5, v13;
	v13 =	vsel vm10, v38, v24  }
0x185: {  	v14 =	vsel vm10, v24, v38;
	vm11 =	vlt.f32 v26, v39;
	v20 =	vmax.f32 v26, v39  }
0x186: {  	v42, v41, _ =	vpop (xrf1);
	v15 =	vmin.f32 v26, v39;
	v21 =	vsel vm11, v40, v27;
	v16 =	vsel vm11, v27, v40  }
0x187: {  	vm12 =	vlt.f32 v29, v42;
	v22 =	vmax.f32 v29, v42;
	v43, v44, _ =	vpop (xrf1);
	v18 =	vmin.f32 v29, v42  }
0x188: {  	v25 =	vsel vm12, v41, v30;
	v19 =	vsel vm12, v30, v41;
	vm13 =	vlt.f32 v32, v43  }
0x189: {  	v47 =	vmax.f32 v32, v43;
	v23 =	vmin.f32 v32, v43;
	vm4 =	vlt.f32 v11, v22  }
0x18a: {  	v45, v46, _ =	vpop (xrf1);
	v43 =	vmax.f32 v11, v22;
	v11 =	vmin.f32 v11, v22;
	vm8 =	vlt.f32 v6, v18  }
0x18b: {  	v36 =	vsel vm13, v44, v33;
	v24 =	vsel vm13, v33, v44;
	vm14 =	vlt.f32 v2, v45  }
0x18c: {  	v39 =	vmax.f32 v2, v45;
	v2 =	vmin.f32 v2, v45;
	v44 =	vsel vm4, v25, v7  }
0x18d: {  	v7 =	vsel vm4, v7, v25;
	vm5 =	vlt.f32 v12, v47;
	v25 =	vmax.f32 v12, v47  }
0x18e: {  	v38, v37, _ =	vpop (xrf1);
	v12 =	vmin.f32 v12, v47;
	vm9 =	vlt.f32 v3, v23;
	v40 =	vsel vm14, v46, v4  }
0x18f: {  	v4 =	vsel vm14, v4, v46;
	vm15 =	vlt.f32 v0, v38;
	v41 =	vmax.f32 v0, v38  }
0x190: {  	v0 =	vmin.f32 v0, v38;
	v28 =	vsel vm5, v36, v9;
	v9 =	vsel vm5, v9, v36  }
0x191: {  	vm6 =	vlt.f32 v17, v39;
	v45 =	vmax.f32 v17, v39;
	v17 =	vmin.f32 v17, v39  }
0x192: {  	vm10 =	vlt.f32 v5, v2;
	v38 =	vmax.f32 v5, v2;
	v2 =	vmin.f32 v5, v2  }
0x193: {  	v42 =	vsel vm15, v37, v1;
	v1 =	vsel vm15, v1, v37;
	v46 =	vsel vm6, v40, v13  }
0x194: {  	v13 =	vsel vm6, v13, v40;
	vm7 =	vlt.f32 v20, v41;
	v47 =	vmax.f32 v20, v41  }
0x195: {  	v20 =	vmin.f32 v20, v41;
	v37 =	vmax.f32 v6, v18;
	v6 =	vmin.f32 v6, v18  }
0x196: {  	v18 =	vsel vm8, v19, v8;
	v8 =	vsel vm8, v8, v19;
	v19 =	vmax.f32 v3, v23  }
0x197: {  	v3 =	vmin.f32 v3, v23;
	v23 =	vsel vm9, v24, v10;
	v10 =	vsel vm9, v10, v24  }
0x198: {  	v39 =	vsel vm10, v4, v14;
	v4 =	vsel vm10, v14, v4;
	vm11 =	vlt.f32 v15, v0  }
0x199: {  	v40 =	vmax.f32 v15, v0;
	v0 =	vmin.f32 v15, v0;
	vm12 =	vlt.f32 v43, v45  }
0x19a: {  	v29 =	vmin.f32 v43, v45;
	vm14 =	vlt.f32 v11, v17;
	v36 =	vsel vm7, v42, v21  }
0x19b: {  	v21 =	vsel vm7, v21, v42;
	v41 =	vsel vm11, v1, v16;
	v1 =	vsel vm11, v16, v1  }
0x19c: {  	v42 =	vmax.f32 v43, v45;
	v43 =	vsel vm12, v46, v44;
	v22 =	vsel vm12, v44, v46  }
0x19d: {  	vm13 =	vlt.f32 v25, v47;
	v44 =	vmax.f32 v25, v47;
	v25 =	vmin.f32 v25, v47  }
0x19e: {  	v46 =	vmax.f32 v11, v17;
	v11 =	vmin.f32 v11, v17;
	v17 =	vsel vm14, v13, v7  }
0x19f: {  	v7 =	vsel vm14, v7, v13;
	vm15 =	vlt.f32 v12, v20;
	v47 =	vmax.f32 v12, v20  }
0x1a0: {  	v12 =	vmin.f32 v12, v20;
	vm4 =	vlt.f32 v37, v38;
	v24 =	vmin.f32 v37, v38  }
0x1a1: {  	vm5 =	vlt.f32 v19, v40;
	v14 =	vmin.f32 v19, v40;
	vm6 =	vlt.f32 v6, v2  }
0x1a2: {  	vm7 =	vlt.f32 v3, v0;
	v45 =	vsel vm13, v36, v28;
	v27 =	vsel vm13, v28, v36  }
0x1a3: {  	v20 =	vsel vm15, v21, v9;
	v9 =	vsel vm15, v9, v21;
	v36 =	vmax.f32 v37, v38  }
0x1a4: {  	v37 =	vsel vm4, v39, v18;
	v5 =	vsel vm4, v18, v39;
	v38 =	vmax.f32 v19, v40  }
0x1a5: {  	v39 =	vsel vm5, v41, v23;
	v15 =	vsel vm5, v23, v41;
	v23 =	vmax.f32 v6, v2  }
0x1a6: {  	v2 =	vmin.f32 v6, v2;
	v6 =	vsel vm6, v4, v8;
	v4 =	vsel vm6, v8, v4  }
0x1a7: {  	v40 =	vmax.f32 v3, v0;
	v0 =	vmin.f32 v3, v0;
	v3 =	vsel vm7, v1, v10  }
0x1a8: {  	v1 =	vsel vm7, v10, v1;
	vm8 =	vlt.f32 v42, v44;
	v41 =	vmax.f32 v42, v44  }
0x1a9: {  	v16 =	vmin.f32 v42, v44;
	vm9 =	vlt.f32 v29, v25;
	vm10 =	vlt.f32 v46, v47  }
0x1aa: {  	vm11 =	vlt.f32 v11, v12;
	vm13 =	vlt.f32 v24, v14;
	v42 =	vsel vm8, v45, v43  }
0x1ab: {  	v26 =	vsel vm8, v43, v45;
	v43 =	vmax.f32 v29, v25;
	(xrf1) =	vsort.dscd.msk.f32 $0xffff, v41, v42  }
0x1ac: {  	v25 =	vmin.f32 v29, v25;
	v44 =	vsel vm9, v27, v22;
	(xrf1) =	vsort.dscd.msk.f32 $0xffff, v16, v26  }
0x1ad: {  	v22 =	vsel vm9, v22, v27;
	v45 =	vmax.f32 v46, v47;
	v46 =	vmin.f32 v46, v47  }
0x1ae: {  	v47 =	vsel vm10, v20, v17;
	v28 =	vsel vm10, v17, v20;
	(xrf1) =	vsort.dscd.msk.f32 $0xffff, v43, v44  }
0x1af: {  	v29 =	vmax.f32 v11, v12;
	v11 =	vmin.f32 v11, v12;
	v31 =	vsel vm11, v9, v7  }
0x1b0: {  	v7 =	vsel vm11, v7, v9;
	vm12 =	vlt.f32 v36, v38;
	(xrf1) =	vsort.dscd.msk.f32 $0xffff, v25, v22  }
0x1b1: {  	v32 =	vmax.f32 v36, v38;
	v33 =	vmin.f32 v36, v38;
	(xrf1) =	vsort.dscd.msk.f32 $0xffff, v45, v47  }
0x1b2: {  	v36 =	vmax.f32 v24, v14;
	v38 =	vsel vm13, v15, v5;
	(xrf1) =	vsort.dscd.msk.f32 $0xffff, v46, v28  }
0x1b3: {  	v5 =	vsel vm13, v5, v15;
	vm14 =	vlt.f32 v23, v40;
	(xrf1) =	vsort.dscd.msk.f32 $0xffff, v29, v31  }
0x1b4: {  	vm15 =	vlt.f32 v2, v0;
	v34 =	vsel vm12, v39, v37;
	(xrf1) =	vsort.dscd.msk.f32 $0xffff, v11, v7  }
0x1b5: {  	v12 =	vmax.f32 v2, v0;
	v35 =	vsel vm12, v37, v39;
	(xrf1) =	vsort.dscd.msk.f32 $0xffff, v32, v34  }
0x1b6: {  	v0 =	vmin.f32 v2, v0;
	v37 =	vmin.f32 v24, v14;
	(xrf1) =	vsort.dscd.msk.f32 $0xffff, v33, v35  }
0x1b7: {  	v39 =	vmax.f32 v23, v40;
	v40 =	vmin.f32 v23, v40;
	(xrf1) =	vsort.dscd.msk.f32 $0xffff, v36, v38  }
0x1b8: {  	v41 =	vsel vm14, v3, v6;
	v3 =	vsel vm14, v6, v3;
	(xrf1) =	vsort.dscd.msk.f32 $0xffff, v37, v5  }
0x1b9: {  	v13 =	vsel vm15, v1, v4;
	v1 =	vsel vm15, v4, v1;
	(xrf1) =	vsort.dscd.msk.f32 $0xffff, v39, v41;
	v47, v15, _ =	vpop (xrf1)  }
0x1ba: {  	(xrf1) =	vsort.dscd.msk.f32 $0xffff, v40, v3;
	[tilespmem:$0x1FD00] =	vst v15;
	v17, v18, _ =	vpop (xrf1)  }
0x1bb: {  	(xrf1) =	vsort.dscd.msk.f32 $0xffff, v12, v13;
	[tilespmem:$0x1FD10] =	vst v17  }
0x1bc: {  	(xrf1) =	vsort.dscd.msk.f32 $0xffff, v0, v1;
	[tilespmem:$0x1FD20] =	vst v18;
	v1, v0, _ =	vpop (xrf1)  }
0x1bd: {  	v42 =	vld [tilespmem:s20+$0x200];
	[tilespmem:$0x1FD30] =	vst v1  }
0x1be: {  	v43 =	vld [tilespmem:s20+$0x210];
	[tilespmem:$0x1FD40] =	vst v0;
	v22, v23, _ =	vpop (xrf1)  }
0x1bf: {  	v14 =	vld [tilespmem:s20+$0x220];
	[tilespmem:$0x1FD50] =	vst v22  }
0x1c0: {  	v16 =	vld [tilespmem:s20+$0x230];
	[tilespmem:$0x1FD60] =	vst v23;
	v25, v26, _ =	vpop (xrf1)  }
0x1c1: {  	[tilespmem:$0x1FD70] =	vst v25  }
0x1c2: {  	v19 =	vld [tilespmem:s20+$0x240];
	(xrf1) =	vsort.dscd.msk.f32 $0xffff, v42, v63;
	[tilespmem:$0x1FD80] =	vst v26;
	v28, v29, _ =	vpop (xrf1)  }
0x1c3: {  	v24 =	vld [tilespmem:s20+$0x250];
	(xrf1) =	vsort.ascd.msk.f32 $0xffff, v43, v62;
	[tilespmem:$0x1FD90] =	vst v28  }
0x1c4: {  	v27 =	vld [tilespmem:s20+$0x260];
	(xrf1) =	vsort.dscd.msk.f32 $0xffff, v14, v54;
	[tilespmem:$0x1FDA0] =	vst v29  }
0x1c5: {  	v30 =	vld [tilespmem:s20+$0x270];
	(xrf1) =	vsort.ascd.msk.f32 $0xffff, v16, v53  }
0x1c6: {  	v31, v2, _ =	vpop (xrf1)  }
0x1c7: {  	v32 =	vld [tilespmem:s20+$0x600];
	(xrf1) =	vsort.dscd.msk.f32 $0xffff, v19, v52;
	v33, v34, _ =	vpop (xrf1)  }
0x1c8: {  	v35 =	vld [tilespmem:s20+$0x610];
	(xrf1) =	vsort.ascd.msk.f32 $0xffff, v24, v51;
	v37, v39, _ =	vpop (xrf1)  }
0x1c9: {  	v40 =	vld [tilespmem:s20+$0x620];
	(xrf1) =	vsort.dscd.msk.f32 $0xffff, v27, v50;
	v41, v42, _ =	vpop (xrf1)  }
0x1ca: {  	v43 =	vld [tilespmem:s20+$0x630];
	v45, v46, _ =	vpop (xrf1);
	(xrf1) =	vsort.ascd.msk.f32 $0xffff, v30, v49  }
0x1cb: {  	v21 =	vmov v52;
	v20 =	vmov v51;
	v19 =	vmov v50;
	v50 =	vld [tilespmem:s20+$0x640];
	v51, v52, _ =	vpop (xrf1)  }
0x1cc: {  	v38 =	vmov v62;
	v23 =	vmov v54;
	v22 =	vmov v53;
	v53 =	vld [tilespmem:s20+$0x650];
	(xrf1) =	vsort.dscd.msk.f32 $0xffff, v32, v48;
	v54, v62, _ =	vpop (xrf1)  }
0x1cd: {  	v36 =	vmov v63;
	v63 =	vld [tilespmem:s20+$0x660];
	(xrf1) =	vsort.ascd.msk.f32 $0xffff, v35, v61;
	v9, v10, _ =	vpop (xrf1)  }
0x1ce: {  	v11 =	vld [tilespmem:s20+$0x670];
	[tilespmem:$0x1FDB0] =	vst v31;
	(xrf1) =	vsort.dscd.msk.f32 $0xffff, v40, v60;
	v12, v13, _ =	vpop (xrf1)  }
0x1cf: {  	[tilespmem:$0x1FDC0] =	vst v2;
	(xrf1) =	vsort.ascd.msk.f32 $0xffff, v43, v59;
	v15, v14, _ =	vpop (xrf1)  }
0x1d0: {  	[tilespmem:$0x1FDD0] =	vst v33;
	(xrf1) =	vsort.dscd.msk.f32 $0xffff, v50, v58;
	v30, v16, _ =	vpop (xrf1)  }
0x1d1: {  	[tilespmem:$0x1FDE0] =	vst v34;
	(xrf1) =	vsort.ascd.msk.f32 $0xffff, v53, v55;
	v32, v31, _ =	vpop (xrf1)  }
0x1d2: {  	[tilespmem:$0x1FDF0] =	vst v37;
	(xrf1) =	vsort.dscd.msk.f32 $0xffff, v63, v56;
	vm4 =	vlt.f32 v30, v32  }
0x1d3: {  	v17 =	vmov v48;
	[tilespmem:$0x1FE00] =	vst v39;
	v34, v33, _ =	vpop (xrf1);
	(xrf1) =	vsort.ascd.msk.f32 $0xffff, v11, v57;
	v1 =	vsel vm4, v16, v31  }
0x1d4: {  	[tilespmem:$0x1FE10] =	vst v41;
	v39 =	vmax.f32 v30, v32;
	v0 =	vmin.f32 v30, v32;
	v37, v35, _ =	vpop (xrf1);
	v40 =	vsel vm4, v31, v16  }
0x1d5: {  	[tilespmem:$0x1FE20] =	vst v42;
	(xrf1) =	vsort.dscd.msk.f32 $0xffff, v39, v40;
	vm5 =	vgt.f32 v34, v37;
	v42, v41, _ =	vpop (xrf1);
	v2 =	vmax.f32 v34, v37  }
0x1d6: {  	[tilespmem:$0x1FE30] =	vst v45;
	v43 =	vmin.f32 v34, v37;
	(xrf1) =	vsort.dscd.msk.f32 $0xffff, v0, v1;
	v44 =	vsel vm5, v35, v33;
	v48, v45, _ =	vpop (xrf1)  }
0x1d7: {  	v18 =	vmov v49;
	v49 =	vsel vm5, v33, v35;
	(xrf1) =	vsort.ascd.msk.f32 $0xffff, v43, v44;
	v0, v1, _ =	vpop (xrf1)  }
0x1d8: {  	v25 =	vmov v56;
	vm6 =	vlt.f32 v42, v48;
	v50 =	vmax.f32 v42, v48;
	(xrf1) =	vsort.ascd.msk.f32 $0xffff, v2, v49;
	v2, v5, _ =	vpop (xrf1)  }
0x1d9: {  	[tilespmem:$0x1FE50] =	vst v51;
	v3 =	vmin.f32 v42, v48;
	v51 =	vsel vm6, v45, v41;
	vm7 =	vgt.f32 v0, v2  }
0x1da: {  	v26 =	vmovc v57;
	v4 =	vsel vm6, v41, v45;
	v53 =	vsel vm7, v5, v1;
	v1 =	vsel vm7, v1, v5  }
0x1db: {  	[tilespmem:$0x1FE60] =	vst v52;
	(xrf1) =	vsort.dscd.msk.f32 $0xffff, v50, v51;
	v6, v7, _ =	vpop (xrf1);
	v52 =	vmin.f32 v0, v2;
	v0 =	vmax.f32 v0, v2  }
0x1dc: {  	v29 =	vmov v60;
	v24 =	vmov v55;
	[tilespmem:$0x1FE70] =	vst v54;
	(xrf1) =	vsort.dscd.msk.f32 $0xffff, v3, v4;
	v54, v55, _ =	vpop (xrf1)  }
0x1dd: {  	v28 =	vmov v59;
	v27 =	vmov v58;
	[tilespmem:$0x1FE40] =	vst v46;
	(xrf1) =	vsort.ascd.msk.f32 $0xffff, v52, v53;
	v56, v57, _ =	vpop (xrf1)  }
0x1de: {  	v46 =	vmov v61;
	vm8 =	vlt.f32 v6, v54;
	v58 =	vmax.f32 v6, v54;
	(xrf1) =	vsort.ascd.msk.f32 $0xffff, v0, v1;
	v0, v1, _ =	vpop (xrf1)  }
0x1df: {  	[tilespmem:$0x1FE80] =	vst v62;
	v59 =	vmin.f32 v6, v54;
	v60 =	vsel vm8, v55, v7;
	vm9 =	vgt.f32 v56, v0  }
0x1e0: {  	[tilespmem:$0x1FEB0] =	vst v12;
	v7 =	vsel vm8, v7, v55;
	v62 =	vsel vm9, v1, v57;
	v1 =	vsel vm9, v57, v1  }
0x1e1: {  	[tilespmem:$0x1FEC0] =	vst v13;
	(xrf1) =	vsort.dscd.msk.f32 $0xffff, v58, v60;
	v4, v6, _ =	vpop (xrf1);
	v61 =	vmin.f32 v56, v0;
	v0 =	vmax.f32 v56, v0  }
0x1e2: {  	[tilespmem:$0x1FED0] =	vst v15;
	(xrf1) =	vsort.dscd.msk.f32 $0xffff, v59, v7;
	v63, v12, _ =	vpop (xrf1)  }
0x1e3: {  	[tilespmem:$0x1FEE0] =	vst v14;
	(xrf1) =	vsort.ascd.msk.f32 $0xffff, v61, v62;
	v13, v14, _ =	vpop (xrf1);
	vm10 =	vlt.f32 v4, v63;
	v15 =	vmax.f32 v4, v63  }
0x1e4: {  	v4 =	vmin.f32 v4, v63;
	(xrf1) =	vsort.ascd.msk.f32 $0xffff, v0, v1;
	v16 =	vsel vm10, v12, v6;
	v0, v1, _ =	vpop (xrf1)  }
0x1e5: {  	v6 =	vsel vm10, v6, v12;
	(xrf1) =	vsort.dscd.msk.f32 $0xffff, v15, v16;
	v31, v30, _ =	vpop (xrf1);
	vm11 =	vgt.f32 v13, v0  }
0x1e6: {  	(xrf1) =	vsort.dscd.msk.f32 $0xffff, v4, v6;
	v32 =	vmin.f32 v13, v0;
	v5, v7, _ =	vpop (xrf1);
	v33 =	vsel vm11, v1, v14  }
0x1e7: {  	v0 =	vmax.f32 v13, v0;
	v1 =	vsel vm11, v14, v1;
	v35, v34, _ =	vpop (xrf1);
	(xrf1) =	vsort.ascd.msk.f32 $0xffff, v32, v33  }
0x1e8: {  	(xrf1) =	vsort.ascd.msk.f32 $0xffff, v0, v1;
	vm12 =	vlt.f32 v31, v35;
	v37 =	vmax.f32 v31, v35;
	v40, v39, _ =	vpop (xrf1)  }
0x1e9: {  	v41 =	vmin.f32 v31, v35;
	vm13 =	vlt.f32 v5, v40;
	v44 =	vmax.f32 v5, v40  }
0x1ea: {  	v42 =	vsel vm12, v34, v30;
	v45 =	vsel vm13, v39, v7;
	vm14 =	vlt.f32 v37, v44  }
0x1eb: {  	v43 =	vsel vm12, v30, v34;
	v1 =	vmin.f32 v5, v40;
	v4 =	vsel vm14, v42, v45  }
0x1ec: {  	v48 =	vmax.f32 v37, v44;
	v0 =	vmin.f32 v37, v44;
	v49 =	vsel vm14, v45, v42  }
0x1ed: {  	v50, v51, _ =	vpop (xrf1);
	v2 =	vsel vm13, v7, v39;
	vm15 =	vlt.f32 v41, v1;
	(xrf1) =	vsort.dscd.msk.f32 $0xffff, v48, v49  }
0x1ee: {  	v52, v53, _ =	vpop (xrf1);
	v54 =	vmax.f32 v41, v1;
	v11 =	vsel vm15, v2, v43;
	(xrf1) =	vsort.dscd.msk.f32 $0xffff, v0, v4  }
0x1ef: {  	v1 =	vmin.f32 v41, v1;
	v2 =	vsel vm15, v43, v2;
	(xrf1) =	vsort.dscd.msk.f32 $0xffff, v54, v11;
	v0, v4, _ =	vpop (xrf1)  }
0x1f0: {  	(xrf1) =	vsort.dscd.msk.f32 $0xffff, v1, v2;
	vm4 =	vgt.f32 v50, v0;
	v55 =	vmin.f32 v50, v0;
	v57, v56, _ =	vpop (xrf1)  }
0x1f1: {  	v0 =	vmax.f32 v50, v0;
	vm5 =	vgt.f32 v52, v57;
	v59 =	vmin.f32 v52, v57  }
0x1f2: {  	v58 =	vsel vm4, v4, v51;
	v60 =	vsel vm5, v56, v53;
	vm6 =	vgt.f32 v55, v59  }
0x1f3: {  	v4 =	vsel vm4, v51, v4;
	v2 =	vmax.f32 v52, v57;
	v5 =	vsel vm6, v58, v60  }
0x1f4: {  	v61 =	vmin.f32 v55, v59;
	v1 =	vmax.f32 v55, v59;
	v62 =	vsel vm6, v60, v58  }
0x1f5: {  	v63, v12, _ =	vpop (xrf1);
	v3 =	vsel vm5, v53, v56;
	vm7 =	vgt.f32 v0, v2;
	(xrf1) =	vsort.ascd.msk.f32 $0xffff, v61, v62  }
0x1f6: {  	v13, v14, _ =	vpop (xrf1);
	v15 =	vmin.f32 v0, v2;
	v16 =	vsel vm7, v3, v4;
	(xrf1) =	vsort.ascd.msk.f32 $0xffff, v1, v5  }
0x1f7: {  	v0 =	vmax.f32 v0, v2;
	v30 =	vsel vm7, v4, v3;
	(xrf1) =	vsort.ascd.msk.f32 $0xffff, v15, v16;
	v1, v5, _ =	vpop (xrf1)  }
0x1f8: {  	(xrf1) =	vsort.ascd.msk.f32 $0xffff, v0, v30;
	vm8 =	vlt.f32 v63, v1;
	v31 =	vmax.f32 v63, v1  }
0x1f9: {  	v32, v3, _ =	vpop (xrf1);
	v1 =	vmin.f32 v63, v1;
	v33 =	vsel vm8, v5, v12;
	v5 =	vsel vm8, v12, v5  }
0x1fa: {  	vm9 =	vlt.f32 v13, v32;
	v34 =	vmax.f32 v13, v32;
	v2 =	vmin.f32 v13, v32  }
0x1fb: {  	v35 =	vsel vm9, v3, v14;
	v3 =	vsel vm9, v14, v3;
	vm10 =	vlt.f32 v31, v34  }
0x1fc: {  	v37 =	vmax.f32 v31, v34;
	v39 =	vsel vm10, v35, v33;
	v4 =	vsel vm10, v33, v35  }
0x1fd: {  	v0 =	vmin.f32 v31, v34;
	vm11 =	vlt.f32 v1, v2;
	(xrf1) =	vsort.dscd.msk.f32 $0xffff, v37, v39  }
0x1fe: {  	v40, v41, _ =	vpop (xrf1);
	v44 =	vmax.f32 v1, v2;
	v45 =	vsel vm11, v3, v5;
	(xrf1) =	vsort.dscd.msk.f32 $0xffff, v0, v4  }
0x1ff: {  	v42, v43, _ =	vpop (xrf1);
	v1 =	vmin.f32 v1, v2;
	v48 =	vsel vm11, v5, v3;
	(xrf1) =	vsort.dscd.msk.f32 $0xffff, v44, v45  }
0x200: {  	v0, v4, _ =	vpop (xrf1);
	(xrf1) =	vsort.dscd.msk.f32 $0xffff, v1, v48  }
0x201: {  	vm12 =	vgt.f32 v40, v0;
	v49 =	vmin.f32 v40, v0;
	v50, v3, _ =	vpop (xrf1);
	v0 =	vmax.f32 v40, v0  }
0x202: {  	v51 =	vsel vm12, v4, v41;
	v4 =	vsel vm12, v41, v4;
	vm13 =	vgt.f32 v42, v50  }
0x203: {  	v52 =	vmin.f32 v42, v50;
	v2 =	vmax.f32 v42, v50;
	v55 =	vsel vm13, v3, v43  }
0x204: {  	v3 =	vsel vm13, v43, v3;
	vm14 =	vgt.f32 v49, v52;
	v58 =	vmin.f32 v49, v52  }
0x205: {  	v54, v53, _ =	vpop (xrf1);
	v1 =	vmax.f32 v49, v52;
	v59 =	vsel vm14, v55, v51;
	v5 =	vsel vm14, v51, v55  }
0x206: {  	v57, v56, _ =	vpop (xrf1);
	vm15 =	vgt.f32 v0, v2;
	v30 =	vmin.f32 v0, v2;
	(xrf1) =	vsort.ascd.msk.f32 $0xffff, v58, v59  }
0x207: {  	v0 =	vmax.f32 v0, v2;
	v61, v60, _ =	vpop (xrf1);
	v31 =	vsel vm15, v3, v4;
	(xrf1) =	vsort.ascd.msk.f32 $0xffff, v1, v5  }
0x208: {  	v32 =	vsel vm15, v4, v3;
	v63, v62, _ =	vpop (xrf1);
	(xrf1) =	vsort.ascd.msk.f32 $0xffff, v30, v31  }
0x209: {  	v1, v5, _ =	vpop (xrf1);
	(xrf1) =	vsort.ascd.msk.f32 $0xffff, v0, v32  }
0x20a: {  	vm4 =	vlt.f32 v54, v1;
	v0, v2, _ =	vpop (xrf1);
	v33 =	vmax.f32 v54, v1;
	v1 =	vmin.f32 v54, v1  }
0x20b: {  	v34 =	vsel vm4, v5, v53;
	v5 =	vsel vm4, v53, v5;
	vm5 =	vlt.f32 v57, v0  }
0x20c: {  	v35 =	vmax.f32 v57, v0;
	v39, v37, _ =	vpop (xrf1);
	v0 =	vmin.f32 v57, v0;
	v40 =	vsel vm5, v2, v56  }
0x20d: {  	v2 =	vsel vm5, v56, v2;
	vm6 =	vlt.f32 v61, v39;
	v43 =	vmax.f32 v61, v39  }
0x20e: {  	[tilespmem:$0x1FE90] =	vst v9;
	v42, v41, _ =	vpop (xrf1);
	v9 =	vmin.f32 v61, v39;
	v44 =	vsel vm6, v37, v60;
	v12 =	vsel vm6, v60, v37  }
0x20f: {  	vm7 =	vlt.f32 v63, v42;
	v45 =	vmax.f32 v63, v42;
	v8 =	vmin.f32 v63, v42  }
0x210: {  	vm8 =	vlt.f32 v33, v43;
	v53 =	vmax.f32 v33, v43;
	v3 =	vmin.f32 v33, v43  }
0x211: {  	vm10 =	vlt.f32 v1, v9;
	v57 =	vmax.f32 v1, v9;
	v1 =	vmin.f32 v1, v9  }
0x212: {  	[tilespmem:$0x1FEA0] =	vst v10;
	v52 =	vsel vm7, v41, v62;
	v10 =	vsel vm7, v62, v41;
	v54 =	vsel vm8, v44, v34  }
0x213: {  	v4 =	vsel vm8, v34, v44;
	vm9 =	vlt.f32 v35, v45;
	v55 =	vmax.f32 v35, v45  }
0x214: {  	v6 =	vmin.f32 v35, v45;
	v58 =	vsel vm10, v12, v5;
	v5 =	vsel vm10, v5, v12  }
0x215: {  	vm11 =	vlt.f32 v0, v8;
	v59 =	vmax.f32 v0, v8;
	v0 =	vmin.f32 v0, v8  }
0x216: {  	v56 =	vsel vm9, v52, v40;
	v7 =	vsel vm9, v40, v52;
	v60 =	vsel vm11, v10, v2  }
0x217: {  	v2 =	vsel vm11, v2, v10;
	vm12 =	vlt.f32 v53, v55;
	v61 =	vmax.f32 v53, v55  }
0x218: {  	v13 =	vmin.f32 v53, v55;
	vm13 =	vlt.f32 v3, v6;
	v63 =	vmax.f32 v3, v6  }
0x219: {  	v62 =	vsel vm12, v56, v54;
	v16 =	vsel vm13, v7, v4;
	v4 =	vsel vm13, v4, v7  }
0x21a: {  	v3 =	vmin.f32 v3, v6;
	v14 =	vsel vm12, v54, v56;
	(xrf1) =	vsort.dscd.msk.f32 $0xffff, v61, v62  }
0x21b: {  	v31, v30, _ =	vpop (xrf1);
	vm14 =	vlt.f32 v57, v59;
	v11 =	vmin.f32 v57, v59;
	(xrf1) =	vsort.dscd.msk.f32 $0xffff, v13, v14  }
0x21c: {  	v34, v33, _ =	vpop (xrf1);
	v32 =	vmax.f32 v57, v59;
	v8 =	vsel vm14, v58, v60;
	(xrf1) =	vsort.dscd.msk.f32 $0xffff, v63, v16  }
0x21d: {  	vm15 =	vlt.f32 v1, v0;
	v35 =	vsel vm14, v60, v58;
	(xrf1) =	vsort.dscd.msk.f32 $0xffff, v3, v4;
	v3, v4, _ =	vpop (xrf1)  }
0x21e: {  	v40 =	vmax.f32 v1, v0;
	v0 =	vmin.f32 v1, v0;
	(xrf1) =	vsort.dscd.msk.f32 $0xffff, v32, v35;
	v37, v39, _ =	vpop (xrf1)  }
0x21f: {  	v41 =	vsel vm15, v2, v5;
	(xrf1) =	vsort.dscd.msk.f32 $0xffff, v11, v8;
	v8, v11, _ =	vpop (xrf1)  }
0x220: {  	v42 =	vsel vm15, v5, v2;
	(xrf1) =	vsort.dscd.msk.f32 $0xffff, v40, v41;
	vm4 =	vgt.f32 v31, v8  }
0x221: {  	v43 =	vmin.f32 v31, v8;
	v44 =	vmax.f32 v31, v8;
	(xrf1) =	vsort.dscd.msk.f32 $0xffff, v0, v42;
	v0, v1, _ =	vpop (xrf1)  }
0x222: {  	v45 =	vsel vm4, v11, v30;
	v52 =	vsel vm4, v30, v11;
	vm5 =	vgt.f32 v34, v0  }
0x223: {  	v53 =	vmin.f32 v34, v0;
	v55, v54, _ =	vpop (xrf1);
	v0 =	vmax.f32 v34, v0;
	v56 =	vsel vm5, v1, v33  }
0x224: {  	v1 =	vsel vm5, v33, v1;
	vm6 =	vgt.f32 v3, v55;
	v59 =	vmin.f32 v3, v55  }
0x225: {  	v58, v57, _ =	vpop (xrf1);
	v3 =	vmax.f32 v3, v55;
	v60 =	vsel vm6, v54, v4;
	v4 =	vsel vm6, v4, v54  }
0x226: {  	vm7 =	vgt.f32 v37, v58;
	v61 =	vmin.f32 v37, v58;
	v9 =	vmax.f32 v37, v58  }
0x227: {  	vm8 =	vgt.f32 v43, v59;
	v63 =	vmin.f32 v43, v59;
	v2 =	vmax.f32 v43, v59  }
0x228: {  	vm11 =	vgt.f32 v44, v3;
	v34 =	vmin.f32 v44, v3;
	v62 =	vsel vm7, v57, v39  }
0x229: {  	v12 =	vsel vm7, v39, v57;
	vm9 =	vgt.f32 v53, v61;
	v30 =	vmin.f32 v53, v61  }
0x22a: {  	v16 =	vsel vm8, v60, v45;
	v31 =	vsel vm9, v62, v56;
	vm10 =	vgt.f32 v63, v30  }
0x22b: {  	v7 =	vsel vm8, v45, v60;
	v32 =	vmin.f32 v63, v30;
	v33 =	vsel vm10, v31, v16  }
0x22c: {  	v10 =	vmax.f32 v53, v61;
	v6 =	vsel vm9, v56, v62;
	(xrf1) =	vsort.ascd.msk.f32 $0xffff, v32, v33  }
0x22d: {  	v11 =	vmax.f32 v63, v30;
	vm13 =	vgt.f32 v2, v10;
	v13 =	vsel vm10, v16, v31  }
0x22e: {  	v40 =	vsel vm13, v6, v7;
	v6 =	vsel vm13, v7, v6;
	(xrf1) =	vsort.ascd.msk.f32 $0xffff, v11, v13  }
0x22f: {  	v35 =	vsel vm11, v4, v52;
	v39 =	vmin.f32 v2, v10;
	v2 =	vmax.f32 v2, v10  }
0x230: {  	vm12 =	vgt.f32 v0, v9;
	v37 =	vmin.f32 v0, v9;
	(xrf1) =	vsort.ascd.msk.f32 $0xffff, v39, v40  }
0x231: {  	v41 =	vsel vm12, v12, v1;
	vm14 =	vgt.f32 v34, v37;
	(xrf1) =	vsort.ascd.msk.f32 $0xffff, v2, v6  }
0x232: {  	v42 =	vmin.f32 v34, v37;
	v43 =	vsel vm14, v41, v35;
	v2, v6, _ =	vpop (xrf1)  }
0x233: {  	v3 =	vmax.f32 v44, v3;
	v5 =	vsel vm14, v35, v41;
	v13, v14, _ =	vpop (xrf1);
	(xrf1) =	vsort.ascd.msk.f32 $0xffff, v42, v43  }
0x234: {  	v4 =	vsel vm11, v52, v4;
	v0 =	vmax.f32 v0, v9;
	v59 =	vmax.f32 v34, v37;
	v45, v44, _ =	vpop (xrf1)  }
0x235: {  	v1 =	vsel vm12, v1, v12;
	vm15 =	vgt.f32 v3, v0;
	(xrf1) =	vsort.ascd.msk.f32 $0xffff, v59, v5;
	v61, v60, _ =	vpop (xrf1)  }
0x236: {  	v63 =	vsel vm15, v1, v4;
	v1 =	vsel vm15, v4, v1;
	v5, v10, _ =	vpop (xrf1)  }
0x237: {  	v62 =	vmin.f32 v3, v0;
	v12, v15, _ =	vpop (xrf1)  }
0x238: {  	v0 =	vmax.f32 v3, v0;
	(xrf1) =	vsort.ascd.msk.f32 $0xffff, v62, v63;
	v3, v4, _ =	vpop (xrf1)  }
0x239: {  	(xrf1) =	vsort.ascd.msk.f32 $0xffff, v0, v1;
	v1, v16, _ =	vpop (xrf1)  }
0x23a: {  	v30, v49, _ =	vpop (xrf1)  }
0x23b: {  	vm4 =	vlt.f32 v2, v30  }
0x23c: {  	v32, v31, _ =	vpop (xrf1);
	v52 =	vmax.f32 v2, v30;
	v2 =	vmin.f32 v2, v30;
	v48 =	vsel vm4, v49, v6  }
0x23d: {  	v6 =	vsel vm4, v6, v49;
	vm5 =	vlt.f32 v13, v32;
	v49 =	vmax.f32 v13, v32  }
0x23e: {  	v53, v33, _ =	vpop (xrf1);
	v13 =	vmin.f32 v13, v32;
	v50 =	vsel vm5, v31, v14;
	v14 =	vsel vm5, v14, v31  }
0x23f: {  	v35, v34, _ =	vpop (xrf1);
	vm6 =	vlt.f32 v45, v53;
	v56 =	vmax.f32 v45, v53;
	v8 =	vmin.f32 v45, v53  }
0x240: {  	v53 =	vsel vm6, v33, v44;
	v9 =	vsel vm6, v44, v33;
	vm7 =	vlt.f32 v61, v35  }
0x241: {  	v39, v37, _ =	vpop (xrf1);
	v58 =	vmax.f32 v61, v35;
	v7 =	vmin.f32 v61, v35;
	v51 =	vsel vm7, v34, v60  }
0x242: {  	v11 =	vsel vm7, v60, v34;
	vm8 =	vlt.f32 v5, v39;
	v55 =	vmax.f32 v5, v39  }
0x243: {  	v41, v40, _ =	vpop (xrf1);
	v5 =	vmin.f32 v5, v39;
	v42 =	vsel vm8, v37, v10;
	v10 =	vsel vm8, v10, v37  }
0x244: {  	vm9 =	vlt.f32 v12, v41;
	v45 =	vmax.f32 v12, v41;
	v12 =	vmin.f32 v12, v41  }
0x245: {  	vm12 =	vlt.f32 v52, v55;
	v39 =	vmax.f32 v52, v55;
	v52 =	vmin.f32 v52, v55  }
0x246: {  	vm4 =	vlt.f32 v2, v5;
	v57 =	vmax.f32 v2, v5;
	v2 =	vmin.f32 v2, v5  }
0x247: {  	v30 =	vsel vm9, v40, v15;
	v15 =	vsel vm9, v15, v40;
	v40 =	vsel vm12, v42, v48  }
0x248: {  	v48 =	vsel vm12, v48, v42;
	vm13 =	vlt.f32 v49, v45;
	v41 =	vmax.f32 v49, v45  }
0x249: {  	v44, v43, _ =	vpop (xrf1);
	v49 =	vmin.f32 v49, v45;
	v5 =	vsel vm4, v10, v6;
	v6 =	vsel vm4, v6, v10  }
0x24a: {  	vm5 =	vlt.f32 v13, v12;
	vm10 =	vlt.f32 v3, v44;
	v31 =	vmax.f32 v3, v44  }
0x24b: {  	v3 =	vmin.f32 v3, v44;
	v62 =	vsel vm13, v30, v50;
	v50 =	vsel vm13, v50, v30  }
0x24c: {  	v30 =	vmax.f32 v13, v12;
	v12 =	vmin.f32 v13, v12;
	v34 =	vsel vm10, v43, v4  }
0x24d: {  	v4 =	vsel vm10, v4, v43;
	vm14 =	vlt.f32 v56, v31;
	v42 =	vmax.f32 v56, v31  }
0x24e: {  	v33, v32, _ =	vpop (xrf1);
	v56 =	vmin.f32 v56, v31;
	v31 =	vsel vm5, v15, v14;
	v14 =	vsel vm5, v14, v15  }
0x24f: {  	vm6 =	vlt.f32 v8, v3;
	vm11 =	vlt.f32 v1, v33;
	v35 =	vmax.f32 v1, v33  }
0x250: {  	v1 =	vmin.f32 v1, v33;
	v43 =	vsel vm14, v34, v53;
	v0 =	vsel vm14, v53, v34  }
0x251: {  	v33 =	vsel vm6, v4, v9;
	v4 =	vsel vm6, v9, v4;
	vm8 =	vlt.f32 v39, v42  }
0x252: {  	v59 =	vmin.f32 v39, v42;
	vm10 =	vlt.f32 v52, v56;
	v37 =	vsel vm11, v32, v16  }
0x253: {  	v16 =	vsel vm11, v16, v32;
	vm15 =	vlt.f32 v58, v35;
	v44 =	vmax.f32 v58, v35  }
0x254: {  	v58 =	vmin.f32 v58, v35;
	v32 =	vmax.f32 v8, v3;
	v3 =	vmin.f32 v8, v3  }
0x255: {  	vm7 =	vlt.f32 v7, v1;
	v34 =	vmax.f32 v7, v1;
	v1 =	vmin.f32 v7, v1  }
0x256: {  	v55 =	vsel vm8, v40, v43;
	v45 =	vsel vm15, v37, v51;
	v51 =	vsel vm15, v51, v37  }
0x257: {  	v35 =	vsel vm7, v16, v11;
	v11 =	vsel vm7, v11, v16;
	v37 =	vmax.f32 v39, v42  }
0x258: {  	v39 =	vsel vm8, v43, v40;
	vm9 =	vlt.f32 v41, v44;
	v40 =	vmax.f32 v41, v44  }
0x259: {  	v53 =	vmin.f32 v41, v44;
	v42 =	vmax.f32 v52, v56;
	v52 =	vmin.f32 v52, v56  }
0x25a: {  	v43 =	vsel vm10, v0, v48;
	v0 =	vsel vm10, v48, v0;
	vm11 =	vlt.f32 v49, v58  }
0x25b: {  	v44 =	vmax.f32 v49, v58;
	v49 =	vmin.f32 v49, v58;
	vm12 =	vlt.f32 v57, v32  }
0x25c: {  	v15 =	vmin.f32 v57, v32;
	vm13 =	vlt.f32 v30, v34;
	v8 =	vmax.f32 v30, v34  }
0x25d: {  	v9 =	vmin.f32 v30, v34;
	vm14 =	vlt.f32 v2, v3;
	vm15 =	vlt.f32 v12, v1  }
0x25e: {  	v41 =	vsel vm9, v45, v62;
	v61 =	vsel vm9, v62, v45;
	v45 =	vsel vm11, v51, v50  }
0x25f: {  	v50 =	vsel vm11, v50, v51;
	v51 =	vmax.f32 v57, v32;
	v57 =	vsel vm12, v33, v5  }
0x260: {  	v5 =	vsel vm12, v5, v33;
	v30 =	vsel vm13, v35, v31;
	v7 =	vsel vm13, v31, v35  }
0x261: {  	v31 =	vmax.f32 v2, v3;
	v2 =	vmin.f32 v2, v3;
	v32 =	vsel vm14, v4, v6  }
0x262: {  	v4 =	vsel vm14, v6, v4;
	v33 =	vmax.f32 v12, v1;
	v1 =	vmin.f32 v12, v1  }
0x263: {  	v34 =	vsel vm15, v11, v14;
	v11 =	vsel vm15, v14, v11;
	vm4 =	vlt.f32 v37, v40  }
0x264: {  	v35 =	vmax.f32 v37, v40;
	v16 =	vmin.f32 v37, v40;
	vm5 =	vlt.f32 v59, v53  }
0x265: {  	vm6 =	vlt.f32 v42, v44;
	v48 =	vmin.f32 v42, v44;
	vm7 =	vlt.f32 v52, v49  }
0x266: {  	vm9 =	vlt.f32 v15, v9;
	v37 =	vsel vm4, v41, v39;
	v54 =	vsel vm4, v39, v41  }
0x267: {  	v39 =	vmax.f32 v59, v53;
	v53 =	vmin.f32 v59, v53;
	(xrf1) =	vsort.dscd.msk.f32 $0xffff, v35, v37  }
0x268: {  	v40 =	vsel vm5, v61, v55;
	v55 =	vsel vm5, v55, v61;
	(xrf1) =	vsort.dscd.msk.f32 $0xffff, v16, v54  }
0x269: {  	v41 =	vmax.f32 v42, v44;
	v42 =	vsel vm6, v45, v43;
	(xrf1) =	vsort.dscd.msk.f32 $0xffff, v39, v40  }
0x26a: {  	v43 =	vsel vm6, v43, v45;
	v44 =	vmax.f32 v52, v49;
	(xrf1) =	vsort.dscd.msk.f32 $0xffff, v53, v55  }
0x26b: {  	v49 =	vmin.f32 v52, v49;
	v45 =	vsel vm7, v50, v0;
	(xrf1) =	vsort.dscd.msk.f32 $0xffff, v41, v42  }
0x26c: {  	v0 =	vsel vm7, v0, v50;
	vm8 =	vlt.f32 v51, v8;
	(xrf1) =	vsort.dscd.msk.f32 $0xffff, v48, v43  }
0x26d: {  	v50 =	vmax.f32 v51, v8;
	v8 =	vmin.f32 v51, v8;
	(xrf1) =	vsort.dscd.msk.f32 $0xffff, v44, v45  }
0x26e: {  	v52 =	vmax.f32 v15, v9;
	v51 =	vsel vm8, v30, v57;
	(xrf1) =	vsort.dscd.msk.f32 $0xffff, v49, v0  }
0x26f: {  	v9 =	vmin.f32 v15, v9;
	v10 =	vsel vm8, v57, v30;
	(xrf1) =	vsort.dscd.msk.f32 $0xffff, v50, v51  }
0x270: {  	vm10 =	vlt.f32 v31, v33;
	v53 =	vsel vm9, v7, v5;
	(xrf1) =	vsort.dscd.msk.f32 $0xffff, v8, v10  }
0x271: {  	vm11 =	vlt.f32 v2, v1;
	v5 =	vsel vm9, v5, v7;
	(xrf1) =	vsort.dscd.msk.f32 $0xffff, v52, v53  }
0x272: {  	v56 =	vsel vm10, v34, v32;
	v57 =	vld [tilespmem:s20+$0x280];
	v54 =	vmax.f32 v31, v33;
	(xrf1) =	vsort.dscd.msk.f32 $0xffff, v9, v5  }
0x273: {  	v58 =	vld [tilespmem:s20+$0x290];
	v3 =	vsel vm10, v32, v34;
	v55 =	vmin.f32 v31, v33;
	(xrf1) =	vsort.dscd.msk.f32 $0xffff, v54, v56  }
0x274: {  	v59 =	vmax.f32 v2, v1;
	v60 =	vsel vm11, v11, v4;
	(xrf1) =	vsort.dscd.msk.f32 $0xffff, v55, v3  }
0x275: {  	v63 =	vld [tilespmem:s20+$0x2A0];
	v61 =	vmin.f32 v2, v1;
	v62 =	vsel vm11, v4, v11;
	v30, v31, _ =	vpop (xrf1);
	(xrf1) =	vsort.dscd.msk.f32 $0xffff, v59, v60  }
0x276: {  	v4 =	vld [tilespmem:s20+$0x2B0];
	v32, v33, _ =	vpop (xrf1);
	(xrf1) =	vsort.dscd.msk.f32 $0xffff, v61, v62  }
0x277: {  	v7 =	vld [tilespmem:s20+$0x2C0];
	v34, v35, _ =	vpop (xrf1);
	(xrf1) =	vsort.dscd.msk.f32 $0xffff, v57, v36  }
0x278: {  	v8 =	vld [tilespmem:s20+$0x2D0];
	v36, v37, _ =	vpop (xrf1);
	(xrf1) =	vsort.ascd.msk.f32 $0xffff, v58, v38  }
0x279: {  	v38, v39, _ =	vpop (xrf1)  }
0x27a: {  	v9 =	vld [tilespmem:s20+$0x2E0];
	v40, v41, _ =	vpop (xrf1);
	(xrf1) =	vsort.dscd.msk.f32 $0xffff, v63, v23  }
0x27b: {  	v10 =	vld [tilespmem:s20+$0x2F0];
	v42, v43, _ =	vpop (xrf1);
	(xrf1) =	vsort.ascd.msk.f32 $0xffff, v4, v22  }
0x27c: {  	v11 =	vld [tilespmem:s20+$0x680];
	v44, v45, _ =	vpop (xrf1);
	(xrf1) =	vsort.dscd.msk.f32 $0xffff, v7, v21  }
0x27d: {  	v12 =	vld [tilespmem:s20+$0x690];
	v63, v62, _ =	vpop (xrf1);
	(xrf1) =	vsort.ascd.msk.f32 $0xffff, v8, v20  }
0x27e: {  	v13 =	vld [tilespmem:s20+$0x6A0];
	v61, v60, _ =	vpop (xrf1)  }
0x27f: {  	v14 =	vld [tilespmem:s20+$0x6B0];
	(xrf1) =	vsort.dscd.msk.f32 $0xffff, v9, v19;
	v59, v58, _ =	vpop (xrf1)  }
0x280: {  	v15 =	vld [tilespmem:s20+$0x6C0];
	(xrf1) =	vsort.ascd.msk.f32 $0xffff, v10, v18;
	v57, v56, _ =	vpop (xrf1)  }
0x281: {  	v18 =	vld [tilespmem:s20+$0x6D0];
	(xrf1) =	vsort.dscd.msk.f32 $0xffff, v11, v17;
	v55, v53, _ =	vpop (xrf1)  }
0x282: {  	(xrf1) =	vsort.ascd.msk.f32 $0xffff, v12, v46;
	v54, v51, _ =	vpop (xrf1)  }
0x283: {  	v19 =	vld [tilespmem:s20+$0x6E0];
	(xrf1) =	vsort.dscd.msk.f32 $0xffff, v13, v29;
	v52, v50, _ =	vpop (xrf1)  }
0x284: {  	v20 =	vld [tilespmem:s20+$0x6F0];
	(xrf1) =	vsort.ascd.msk.f32 $0xffff, v14, v28;
	v48, v1, _ =	vpop (xrf1)  }
0x285: {  	(xrf1) =	vsort.dscd.msk.f32 $0xffff, v15, v27;
	v22, v21, _ =	vpop (xrf1)  }
0x286: {  	(xrf1) =	vsort.ascd.msk.f32 $0xffff, v18, v24;
	v24, v23, _ =	vpop (xrf1)  }
0x287: {  	vm12 =	vlt.f32 v22, v24  }
0x288: {  	[tilespmem:$0x1FEF0] =	vst v1;
	(xrf1) =	vsort.dscd.msk.f32 $0xffff, v19, v25;
	v29, v46, _ =	vpop (xrf1);
	v1 =	vsel vm12, v21, v23  }
0x289: {  	(xrf1) =	vsort.ascd.msk.f32 $0xffff, v20, v26;
	v27 =	vmax.f32 v22, v24;
	v28 =	vsel vm12, v23, v21;
	v5, v6, _ =	vpop (xrf1)  }
0x28a: {  	v3 =	vmin.f32 v22, v24;
	(xrf1) =	vsort.dscd.msk.f32 $0xffff, v27, v28;
	vm13 =	vgt.f32 v29, v5;
	v9, v49, _ =	vpop (xrf1)  }
0x28b: {  	(xrf1) =	vsort.dscd.msk.f32 $0xffff, v3, v1;
	v1, v2, _ =	vpop (xrf1);
	v4 =	vsel vm13, v46, v6  }
0x28c: {  	v7 =	vmin.f32 v29, v5;
	v0 =	vmax.f32 v29, v5;
	vm14 =	vlt.f32 v9, v1  }
0x28d: {  	v8 =	vsel vm13, v6, v46;
	v11 =	vsel vm14, v2, v49;
	v2 =	vsel vm14, v49, v2  }
0x28e: {  	(xrf1) =	vsort.ascd.msk.f32 $0xffff, v7, v8;
	v10 =	vmax.f32 v9, v1;
	v12, v13, _ =	vpop (xrf1);
	v1 =	vmin.f32 v9, v1  }
0x28f: {  	(xrf1) =	vsort.ascd.msk.f32 $0xffff, v0, v4;
	v0, v4, _ =	vpop (xrf1)  }
0x290: {  	(xrf1) =	vsort.dscd.msk.f32 $0xffff, v10, v11;
	vm15 =	vgt.f32 v12, v0;
	v16, v17, _ =	vpop (xrf1)  }
0x291: {  	(xrf1) =	vsort.dscd.msk.f32 $0xffff, v1, v2;
	v15 =	vsel vm15, v4, v13;
	v1, v2, _ =	vpop (xrf1);
	v4 =	vsel vm15, v13, v4  }
0x292: {  	v14 =	vmin.f32 v12, v0;
	v0 =	vmax.f32 v12, v0;
	vm4 =	vlt.f32 v16, v1  }
0x293: {  	(xrf1) =	vsort.ascd.msk.f32 $0xffff, v14, v15;
	v19 =	vsel vm4, v2, v17;
	v2 =	vsel vm4, v17, v2  }
0x294: {  	v18 =	vmax.f32 v16, v1;
	v20, v21, _ =	vpop (xrf1);
	v1 =	vmin.f32 v16, v1;
	(xrf1) =	vsort.ascd.msk.f32 $0xffff, v0, v4  }
0x295: {  	(xrf1) =	vsort.dscd.msk.f32 $0xffff, v18, v19;
	v0, v4, _ =	vpop (xrf1)  }
0x296: {  	(xrf1) =	vsort.dscd.msk.f32 $0xffff, v1, v2;
	vm5 =	vgt.f32 v20, v0;
	v24, v25, _ =	vpop (xrf1)  }
0x297: {  	v22 =	vmin.f32 v20, v0;
	v23 =	vsel vm5, v4, v21;
	v1, v2, _ =	vpop (xrf1);
	v4 =	vsel vm5, v21, v4  }
0x298: {  	v0 =	vmax.f32 v20, v0;
	(xrf1) =	vsort.ascd.msk.f32 $0xffff, v22, v23;
	vm6 =	vlt.f32 v24, v1;
	v29, v28, _ =	vpop (xrf1)  }
0x299: {  	v26 =	vmax.f32 v24, v1;
	(xrf1) =	vsort.ascd.msk.f32 $0xffff, v0, v4;
	v27 =	vsel vm6, v2, v25;
	v14, v46, _ =	vpop (xrf1)  }
0x29a: {  	v1 =	vmin.f32 v24, v1;
	v2 =	vsel vm6, v25, v2;
	(xrf1) =	vsort.dscd.msk.f32 $0xffff, v26, v27;
	v4, v49, _ =	vpop (xrf1)  }
0x29b: {  	vm7 =	vgt.f32 v29, v14;
	v15 =	vmin.f32 v29, v14;
	v21 =	vmax.f32 v29, v14;
	v18, v17, _ =	vpop (xrf1)  }
0x29c: {  	(xrf1) =	vsort.dscd.msk.f32 $0xffff, v1, v2;
	v16 =	vsel vm7, v46, v28;
	v22 =	vsel vm7, v28, v46;
	v20, v19, _ =	vpop (xrf1)  }
0x29d: {  	(xrf1) =	vsort.ascd.msk.f32 $0xffff, v15, v16;
	vm8 =	vlt.f32 v4, v20;
	v24, v23, _ =	vpop (xrf1);
	v25 =	vmax.f32 v4, v20  }
0x29e: {  	(xrf1) =	vsort.ascd.msk.f32 $0xffff, v21, v22;
	v2 =	vmin.f32 v4, v20;
	vm9 =	vlt.f32 v18, v24  }
0x29f: {  	v26 =	vmax.f32 v18, v24;
	v27 =	vsel vm8, v19, v49;
	v49 =	vsel vm8, v49, v19  }
0x2a0: {  	v3 =	vmin.f32 v18, v24;
	vm10 =	vlt.f32 v25, v26;
	v28 =	vsel vm9, v23, v17  }
0x2a1: {  	v29 =	vmax.f32 v25, v26;
	v12 =	vsel vm9, v17, v23;
	v0 =	vmin.f32 v25, v26  }
0x2a2: {  	v6, v7, _ =	vpop (xrf1);
	vm11 =	vlt.f32 v2, v3;
	v14 =	vmax.f32 v2, v3;
	v46 =	vsel vm10, v28, v27  }
0x2a3: {  	v17, v16, _ =	vpop (xrf1);
	v2 =	vmin.f32 v2, v3;
	v13 =	vsel vm10, v27, v28;
	(xrf1) =	vsort.dscd.msk.f32 $0xffff, v29, v46  }
0x2a4: {  	v15 =	vsel vm11, v12, v49;
	v18 =	vsel vm11, v49, v12;
	(xrf1) =	vsort.dscd.msk.f32 $0xffff, v0, v13;
	v0, v1, _ =	vpop (xrf1)  }
0x2a5: {  	(xrf1) =	vsort.dscd.msk.f32 $0xffff, v14, v15;
	vm12 =	vgt.f32 v6, v0;
	v4, v5, _ =	vpop (xrf1);
	v19 =	vmin.f32 v6, v0  }
0x2a6: {  	v0 =	vmax.f32 v6, v0;
	vm13 =	vgt.f32 v17, v4;
	v20 =	vmin.f32 v17, v4  }
0x2a7: {  	v21 =	vsel vm12, v1, v7;
	(xrf1) =	vsort.dscd.msk.f32 $0xffff, v2, v18;
	v1 =	vsel vm12, v7, v1  }
0x2a8: {  	v25 =	vmax.f32 v17, v4;
	vm14 =	vgt.f32 v19, v20;
	v22 =	vsel vm13, v5, v16  }
0x2a9: {  	v29, v46, _ =	vpop (xrf1);
	v23 =	vmin.f32 v19, v20;
	v26 =	vsel vm13, v16, v5;
	v27 =	vmax.f32 v19, v20  }
0x2aa: {  	vm15 =	vgt.f32 v0, v25;
	v14 =	vmin.f32 v0, v25;
	v16, v17, _ =	vpop (xrf1);
	v0 =	vmax.f32 v0, v25  }
0x2ab: {  	v24 =	vsel vm14, v22, v21;
	v28 =	vsel vm14, v21, v22;
	v15 =	vsel vm15, v26, v1;
	v4, v5, _ =	vpop (xrf1)  }
0x2ac: {  	v1 =	vsel vm15, v1, v26;
	(xrf1) =	vsort.ascd.msk.f32 $0xffff, v23, v24;
	vm4 =	vlt.f32 v29, v4  }
0x2ad: {  	v18, v19, _ =	vpop (xrf1);
	v20 =	vmax.f32 v29, v4;
	v26 =	vmin.f32 v29, v4;
	(xrf1) =	vsort.ascd.msk.f32 $0xffff, v27, v28  }
0x2ae: {  	vm5 =	vlt.f32 v16, v18;
	v21 =	vmax.f32 v16, v18;
	v22 =	vsel vm4, v5, v46  }
0x2af: {  	v27 =	vsel vm4, v46, v5;
	v2 =	vmin.f32 v16, v18;
	(xrf1) =	vsort.ascd.msk.f32 $0xffff, v14, v15  }
0x2b0: {  	vm6 =	vlt.f32 v20, v21;
	v23 =	vsel vm5, v19, v17;
	v3 =	vsel vm5, v17, v19  }
0x2b1: {  	v46, v7, _ =	vpop (xrf1);
	v24 =	vmax.f32 v20, v21;
	v28 =	vmin.f32 v20, v21;
	vm7 =	vlt.f32 v26, v2  }
0x2b2: {  	v19 =	vmax.f32 v26, v2;
	v8, v9, _ =	vpop (xrf1);
	(xrf1) =	vsort.ascd.msk.f32 $0xffff, v0, v1;
	v25 =	vsel vm6, v23, v22  }
0x2b3: {  	v29 =	vsel vm6, v22, v23;
	v20 =	vsel vm7, v3, v27;
	v4, v5, _ =	vpop (xrf1);
	v0 =	vmin.f32 v26, v2  }
0x2b4: {  	v1 =	vsel vm7, v27, v3;
	(xrf1) =	vsort.dscd.msk.f32 $0xffff, v24, v25;
	vm8 =	vgt.f32 v46, v4;
	v2, v3, _ =	vpop (xrf1)  }
0x2b5: {  	v10 =	vmin.f32 v46, v4;
	vm9 =	vgt.f32 v8, v2;
	v21 =	vmin.f32 v8, v2  }
0x2b6: {  	v22 =	vsel vm8, v5, v7;
	vm10 =	vgt.f32 v10, v21;
	v23 =	vsel vm9, v3, v9  }
0x2b7: {  	(xrf1) =	vsort.dscd.msk.f32 $0xffff, v28, v29;
	v26 =	vsel vm10, v23, v22  }
0x2b8: {  	(xrf1) =	vsort.dscd.msk.f32 $0xffff, v19, v20;
	v25 =	vmin.f32 v10, v21  }
0x2b9: {  	v46 =	vmax.f32 v46, v4;
	v5 =	vsel vm8, v7, v5;
	(xrf1) =	vsort.dscd.msk.f32 $0xffff, v0, v1;
	v19, v28, _ =	vpop (xrf1)  }
0x2ba: {  	v2 =	vmax.f32 v8, v2;
	v3 =	vsel vm9, v9, v3;
	v18, v27, _ =	vpop (xrf1);
	v22 =	vsel vm10, v22, v23  }
0x2bb: {  	v21 =	vmax.f32 v10, v21;
	vm11 =	vgt.f32 v46, v2;
	(xrf1) =	vsort.ascd.msk.f32 $0xffff, v25, v26;
	v17, v26, _ =	vpop (xrf1)  }
0x2bc: {  	v23 =	vmin.f32 v46, v2;
	v24 =	vsel vm11, v3, v5;
	(xrf1) =	vsort.ascd.msk.f32 $0xffff, v21, v22;
	v16, v25, _ =	vpop (xrf1)  }
0x2bd: {  	v29 =	vmax.f32 v46, v2;
	v46 =	vsel vm11, v5, v3;
	v14, v49, _ =	vpop (xrf1);
	(xrf1) =	vsort.ascd.msk.f32 $0xffff, v23, v24  }
0x2be: {  	v15, v22, _ =	vpop (xrf1);
	vm12 =	vlt.f32 v19, v14;
	v4 =	vmax.f32 v19, v14;
	(xrf1) =	vsort.ascd.msk.f32 $0xffff, v29, v46  }
0x2bf: {  	v13, v21, _ =	vpop (xrf1);
	vm13 =	vlt.f32 v18, v15;
	v5 =	vmax.f32 v18, v15;
	v10 =	vsel vm12, v49, v28  }
0x2c0: {  	vm14 =	vlt.f32 v17, v13;
	v12, v20, _ =	vpop (xrf1);
	v2 =	vmax.f32 v17, v13;
	v11 =	vsel vm13, v22, v27  }
0x2c1: {  	v3 =	vmax.f32 v16, v12;
	vm3 =	vlt.f32 v16, v12;
	vm4 =	vlt.f32 v4, v2  }
0x2c2: {  	v8 =	vsel vm14, v21, v26;
	v1 =	vmax.f32 v4, v2;
	v2 =	vmin.f32 v4, v2  }
0x2c3: {  	vm5 =	vlt.f32 v5, v3;
	v9 =	vsel vm3, v20, v25;
	v0 =	vmax.f32 v5, v3  }
0x2c4: {  	v7 =	vsel vm4, v8, v10;
	v4 =	vsel vm4, v10, v8;
	v3 =	vmin.f32 v5, v3  }
0x2c5: {  	vm6 =	vlt.f32 v1, v0;
	v6 =	vsel vm5, v9, v11;
	v29 =	vmax.f32 v1, v0  }
0x2c6: {  	v5 =	vsel vm5, v11, v9;
	v0 =	vmin.f32 v1, v0;
	vm15 =	vlt.f32 v2, v3  }
0x2c7: {  	v23 =	vmax.f32 v2, v3;
	v1 =	vsel vm12, v28, v49;
	v28 =	vsel vm13, v27, v22  }
0x2c8: {  	v49 =	vmin.f32 v16, v12;
	v2 =	vmin.f32 v2, v3;
	v46 =	vsel vm6, v6, v7  }
0x2c9: {  	v11 =	vsel vm6, v7, v6;
	v24 =	vsel vm15, v5, v4;
	v6 =	vmin.f32 v18, v15  }
0x2ca: {  	v18 =	vsel vm3, v25, v20;
	(xrf1) =	vsort.dscd.msk.f32 $0xffff, v29, v46;
	v29 =	vmin.f32 v17, v13  }
0x2cb: {  	v46 =	vsel vm14, v26, v21;
	vm6 =	vlt.f32 v6, v49;
	v21 =	vmax.f32 v6, v49  }
0x2cc: {  	v6 =	vmin.f32 v6, v49;
	(xrf1) =	vsort.dscd.msk.f32 $0xffff, v0, v11;
	v0 =	vmin.f32 v19, v14  }
0x2cd: {  	v19 =	vsel vm15, v4, v5;
	v7 =	vsel vm6, v28, v18;
	(xrf1) =	vsort.dscd.msk.f32 $0xffff, v23, v24  }
0x2ce: {  	vm5 =	vlt.f32 v0, v29;
	v20 =	vmax.f32 v0, v29;
	v23 =	vsel vm6, v18, v28  }
0x2cf: {  	v14, v15, _ =	vpop (xrf1);
	v0 =	vmin.f32 v0, v29;
	vm7 =	vlt.f32 v20, v21;
	v22 =	vsel vm5, v46, v1  }
0x2d0: {  	(xrf1) =	vsort.dscd.msk.f32 $0xffff, v2, v19;
	v24 =	vmax.f32 v20, v21;
	v2, v3, _ =	vpop (xrf1);
	v1 =	vsel vm5, v1, v46  }
0x2d1: {  	v4 =	vmin.f32 v20, v21;
	vm8 =	vlt.f32 v0, v6;
	v25 =	vsel vm7, v23, v22;
	v8, v9, _ =	vpop (xrf1)  }
0x2d2: {  	v27 =	vmax.f32 v0, v6;
	v26 =	vsel vm7, v22, v23;
	(xrf1) =	vsort.dscd.msk.f32 $0xffff, v24, v25;
	v10, v11, _ =	vpop (xrf1)  }
0x2d3: {  	v0 =	vmin.f32 v0, v6;
	v28 =	vsel vm8, v7, v1;
	(xrf1) =	vsort.dscd.msk.f32 $0xffff, v4, v26;
	v12, v13, _ =	vpop (xrf1)  }
0x2d4: {  	v1 =	vsel vm8, v1, v7;
	(xrf1) =	vsort.dscd.msk.f32 $0xffff, v27, v28;
	v4, v5, _ =	vpop (xrf1);
	vm3 =	vgt.f32 v14, v12  }
0x2d5: {  	v16 =	vmin.f32 v14, v12;
	v12 =	vmax.f32 v14, v12;
	vm9 =	vgt.f32 v2, v4  }
0x2d6: {  	v6, v7, _ =	vpop (xrf1);
	v19 =	vmin.f32 v2, v4;
	v22 =	vsel vm3, v13, v15;
	(xrf1) =	vsort.dscd.msk.f32 $0xffff, v0, v1  }
0x2d7: {  	v13 =	vsel vm3, v15, v13;
	v2 =	vmax.f32 v2, v4;
	vm10 =	vgt.f32 v8, v6  }
0x2d8: {  	v17, v18, _ =	vpop (xrf1);
	v20 =	vmin.f32 v8, v6;
	v23 =	vsel vm9, v5, v3;
	v3 =	vsel vm9, v3, v5  }
0x2d9: {  	v21 =	vmin.f32 v10, v17;
	vm11 =	vgt.f32 v10, v17;
	vm12 =	vgt.f32 v16, v20  }
0x2da: {  	v24 =	vsel vm10, v7, v9;
	v26 =	vmin.f32 v16, v20;
	v16 =	vmax.f32 v16, v20  }
0x2db: {  	vm13 =	vgt.f32 v19, v21;
	v25 =	vsel vm11, v18, v11;
	v27 =	vmin.f32 v19, v21  }
0x2dc: {  	v28 =	vsel vm12, v24, v22;
	v0 =	vsel vm12, v22, v24;
	v19 =	vmax.f32 v19, v21  }
0x2dd: {  	vm14 =	vgt.f32 v26, v27;
	v49 =	vsel vm13, v25, v23;
	v29 =	vmin.f32 v26, v27  }
0x2de: {  	v1 =	vsel vm13, v23, v25;
	vm15 =	vgt.f32 v16, v19;
	v24 =	vmin.f32 v16, v19  }
0x2df: {  	[tilespmem:s20+$0x4180] =	vst v47;
	v14 =	vmax.f32 v16, v19;
	v46 =	vsel vm14, v49, v28;
	v47 =	vsel vm14, v28, v49;
	v49 =	vld [tilespmem:$0x1FD10]  }
0x2e0: {  	v15 =	vld [tilespmem:$0x1FD60];
	v25 =	vsel vm15, v1, v0;
	v28 =	vmax.f32 v8, v6;
	v0 =	vsel vm15, v0, v1  }
0x2e1: {  	(xrf1) =	vsort.ascd.msk.f32 $0xffff, v29, v46;
	v46 =	vmax.f32 v26, v27;
	v27 =	vld [tilespmem:$0x1FD30];
	vm4 =	vgt.f32 v12, v28  }
0x2e2: {  	[tilespmem:s20+$0x4200] =	vst v30;
	v26 =	vld [tilespmem:$0x1FD20];
	v16 =	vmin.f32 v12, v28;
	(xrf1) =	vsort.ascd.msk.f32 $0xffff, v46, v47;
	v47 =	vmax.f32 v10, v17  }
0x2e3: {  	[tilespmem:s20+$0x2200] =	vst v31;
	v29 =	vld [tilespmem:$0x1FD00];
	v46 =	vsel vm10, v9, v7;
	(xrf1) =	vsort.ascd.msk.f32 $0xffff, v24, v25;
	vm5 =	vgt.f32 v2, v47  }
0x2e4: {  	v17 =	vmin.f32 v2, v47;
	v19 =	vsel vm4, v46, v13;
	v24 =	vmax.f32 v12, v28;
	[tilespmem:s20+$0x4190] =	vst v49;
	v49 =	vld [tilespmem:$0x1FD50]  }
0x2e5: {  	[tilespmem:s20+$0x21B0] =	vst v15;
	v25 =	vsel vm4, v13, v46;
	v2 =	vmax.f32 v2, v47;
	vm6 =	vgt.f32 v16, v17  }
0x2e6: {  	v20 =	vld [tilespmem:$0x1FD80];
	(xrf1) =	vsort.ascd.msk.f32 $0xffff, v14, v0;
	v21 =	vmin.f32 v16, v17;
	[tilespmem:s20+$0x41A0] =	vst v27;
	v27 =	vsel vm11, v11, v18  }
0x2e7: {  	v15 =	vld [tilespmem:$0x1FDC0];
	v1 =	vmax.f32 v16, v17;
	vm7 =	vgt.f32 v24, v2;
	[tilespmem:s20+$0x2190] =	vst v26;
	v28, v26, _ =	vpop (xrf1);
	v11 =	vsel vm5, v27, v3  }
0x2e8: {  	[tilespmem:s20+$0x2180] =	vst v29;
	v29 =	vld [tilespmem:$0x1FD40];
	v6, v9, _ =	vpop (xrf1);
	v3 =	vsel vm5, v3, v27;
	v22 =	vsel vm6, v11, v19;
	v10 =	vsel vm6, v19, v11  }
0x2e9: {  	v18 =	vld [tilespmem:$0x1FD70];
	v13 =	vsel vm7, v3, v25;
	v3 =	vsel vm7, v25, v3;
	(xrf1) =	vsort.ascd.msk.f32 $0xffff, v21, v22;
	[tilespmem:s20+$0x41B0] =	vst v49;
	v49, v47, _ =	vpop (xrf1)  }
0x2ea: {  	[tilespmem:s20+$0x4210] =	vst v32;
	v23 =	vld [tilespmem:$0x1FD90];
	v0 =	vmax.f32 v24, v2;
	(xrf1) =	vsort.ascd.msk.f32 $0xffff, v1, v10;
	v1, v7, _ =	vpop (xrf1)  }
0x2eb: {  	[tilespmem:s20+$0x21C0] =	vst v20;
	v46 =	vld [tilespmem:$0x1FDB0];
	v16 =	vmin.f32 v24, v2;
	v2, v14, _ =	vpop (xrf1)  }
0x2ec: {  	[tilespmem:s20+$0x21E0] =	vst v15;
	v19 =	vld [tilespmem:$0x1FDF0];
	(xrf1) =	vsort.ascd.msk.f32 $0xffff, v16, v13;
	v4, v10, _ =	vpop (xrf1)  }
0x2ed: {  	[tilespmem:s20+$0x21A0] =	vst v29;
	v29 =	vld [tilespmem:$0x1FDA0];
	(xrf1) =	vsort.ascd.msk.f32 $0xffff, v0, v3;
	v0, v3, _ =	vpop (xrf1)  }
0x2ee: {  	[tilespmem:s20+$0x41C0] =	vst v18;
	v18 =	vld [tilespmem:$0x1FDE0];
	v13, v15, _ =	vpop (xrf1)  }
0x2ef: {  	[tilespmem:s20+$0x41D0] =	vst v23;
	v17 =	vld [tilespmem:$0x1FDD0];
	v22, v21, _ =	vpop (xrf1)  }
0x2f0: {  	[tilespmem:s20+$0x41E0] =	vst v46;
	v46 =	vld [tilespmem:$0x1FE60];
	vm8 =	vlt.f32 v28, v22  }
0x2f1: {  	[tilespmem:s20+$0x4580] =	vst v19;
	v19 =	vsel vm8, v21, v26;
	v8 =	vsel vm8, v26, v21;
	v26 =	vld [tilespmem:$0x1FE40]  }
0x2f2: {  	v24 =	vld [tilespmem:$0x1FE20];
	[tilespmem:s20+$0x21D0] =	vst v29  }
0x2f3: {  	v20 =	vld [tilespmem:$0x1FE00];
	[tilespmem:s20+$0x21F0] =	vst v18;
	v18 =	vmax.f32 v28, v22;
	v29 =	vmin.f32 v28, v22;
	v5, v16, _ =	vpop (xrf1)  }
0x2f4: {  	v27 =	vld [tilespmem:$0x1FE50];
	[tilespmem:s20+$0x41F0] =	vst v17;
	vm9 =	vlt.f32 v6, v5;
	v17 =	vmax.f32 v6, v5;
	v28 =	vmin.f32 v6, v5;
	v5, v6, _ =	vpop (xrf1)  }
0x2f5: {  	v23 =	vld [tilespmem:$0x1FE10];
	[tilespmem:s20+$0x25B0] =	vst v46;
	vm10 =	vlt.f32 v49, v5;
	v21 =	vmax.f32 v49, v5  }
0x2f6: {  	v46 =	vld [tilespmem:$0x1FE80];
	[tilespmem:s20+$0x25A0] =	vst v26;
	v26 =	vmin.f32 v49, v5;
	v5 =	vsel vm10, v6, v47;
	v6 =	vsel vm10, v47, v6;
	v47, v49, _ =	vpop (xrf1)  }
0x2f7: {  	[tilespmem:s20+$0x2590] =	vst v24;
	vm11 =	vlt.f32 v1, v47;
	v12 =	vmax.f32 v1, v47;
	v24 =	vmin.f32 v1, v47;
	v47 =	vld [tilespmem:$0x1FE90]  }
0x2f8: {  	[tilespmem:s20+$0x2580] =	vst v20;
	v25 =	vld [tilespmem:$0x1FE30]  }
0x2f9: {  	[tilespmem:s20+$0x45B0] =	vst v27;
	v27 =	vld [tilespmem:$0x1FE70]  }
0x2fa: {  	[tilespmem:s20+$0x4590] =	vst v23  }
0x2fb: {  	[tilespmem:s20+$0x25C0] =	vst v46;
	v46 =	vld [tilespmem:$0x1FEA0]  }
0x2fc: {  	v20 =	vsel vm9, v16, v9;
	v16 =	vsel vm9, v9, v16;
	v1, v9, _ =	vpop (xrf1);
	[tilespmem:s20+$0x45D0] =	vst v47;
	v47 =	vld [tilespmem:$0x1FEB0]  }
0x2fd: {  	[tilespmem:s20+$0x45A0] =	vst v25;
	v22 =	vsel vm11, v49, v7;
	v11 =	vsel vm11, v7, v49;
	vm12 =	vlt.f32 v2, v1  }
0x2fe: {  	[tilespmem:s20+$0x45C0] =	vst v27;
	v25 =	vmax.f32 v2, v1;
	v23 =	vmin.f32 v2, v1;
	v49, v27, _ =	vpop (xrf1);
	v2 =	vsel vm12, v9, v14  }
0x2ff: {  	[tilespmem:s20+$0x2210] =	vst v33;
	v9 =	vsel vm12, v14, v9;
	vm13 =	vlt.f32 v4, v49;
	v14 =	vmax.f32 v4, v49  }
0x300: {  	[tilespmem:s20+$0x25D0] =	vst v46;
	v4 =	vmin.f32 v4, v49;
	v7 =	vsel vm13, v27, v10;
	v10 =	vsel vm13, v10, v27;
	v27, v46, _ =	vpop (xrf1)  }
0x301: {  	vm14 =	vlt.f32 v0, v27;
	v1 =	vmin.f32 v0, v27;
	[tilespmem:s20+$0x45E0] =	vst v47;
	v47 =	vmax.f32 v0, v27;
	v0 =	vld [tilespmem:$0x1FED0]  }
0x302: {  	[tilespmem:s20+$0x4250] =	vst v40;
	vm4 =	vlt.f32 v18, v25;
	v30 =	vmax.f32 v18, v25;
	vm8 =	vlt.f32 v29, v23  }
0x303: {  	[tilespmem:s20+$0x2250] =	vst v41;
	v49 =	vld [tilespmem:$0x1FEC0];
	v40 =	vmax.f32 v29, v23;
	v41 =	vmin.f32 v29, v23;
	v31 =	vsel vm4, v2, v19  }
0x304: {  	[tilespmem:s20+$0x2220] =	vst v35;
	v2 =	vsel vm4, v19, v2;
	vm5 =	vlt.f32 v17, v14;
	v19 =	vmax.f32 v17, v14  }
0x305: {  	[tilespmem:s20+$0x4260] =	vst v42;
	vm9 =	vlt.f32 v28, v4;
	v14 =	vmin.f32 v17, v14;
	v42 =	vmax.f32 v28, v4  }
0x306: {  	v4 =	vmin.f32 v28, v4;
	[tilespmem:s20+$0x45F0] =	vst v0;
	v0 =	vsel vm14, v46, v3;
	v3 =	vsel vm14, v3, v46;
	v46 =	vld [tilespmem:$0x1FEE0]  }
0x307: {  	[tilespmem:s20+$0x2260] =	vst v43;
	v32 =	vsel vm5, v7, v20;
	v20 =	vsel vm5, v20, v7;
	v35 =	vsel vm9, v10, v16  }
0x308: {  	vm10 =	vlt.f32 v26, v1;
	v43 =	vmax.f32 v26, v1;
	v1 =	vmin.f32 v26, v1;
	[tilespmem:s20+$0x25E0] =	vst v49;
	v27, v49, _ =	vpop (xrf1)  }
0x309: {  	[tilespmem:s20+$0x2620] =	vst v58;
	v58 =	vmin.f32 v40, v43;
	vm15 =	vlt.f32 v13, v27;
	v33 =	vmax.f32 v21, v47  }
0x30a: {  	vm6 =	vlt.f32 v21, v47;
	v17 =	vmin.f32 v21, v47;
	vm11 =	vlt.f32 v30, v33  }
0x30b: {  	v7 =	vsel vm10, v6, v3;
	[tilespmem:s20+$0x25F0] =	vst v46;
	v46 =	vmax.f32 v13, v27;
	v13 =	vmin.f32 v13, v27  }
0x30c: {  	v27 =	vsel vm15, v49, v15;
	v15 =	vsel vm15, v15, v49;
	v49 =	vsel vm6, v0, v5  }
0x30d: {  	v0 =	vsel vm6, v5, v0;
	vm7 =	vlt.f32 v12, v46;
	v5 =	vmax.f32 v12, v46  }
0x30e: {  	[tilespmem:s20+$0x4220] =	vst v34;
	vm14 =	vlt.f32 v24, v13;
	v12 =	vmin.f32 v12, v46;
	v46 =	vmin.f32 v30, v33  }
0x30f: {  	[tilespmem:s20+$0x4270] =	vst v44;
	v47 =	vsel vm11, v31, v49;
	v44 =	vmax.f32 v24, v13;
	v34 =	vsel vm7, v27, v22  }
0x310: {  	[tilespmem:s20+$0x4230] =	vst v36;
	v22 =	vsel vm7, v22, v27;
	v27 =	vsel vm8, v9, v8;
	v9 =	vsel vm8, v8, v9  }
0x311: {  	[tilespmem:s20+$0x2230] =	vst v37;
	v8 =	vsel vm9, v16, v10;
	v10 =	vsel vm10, v3, v6;
	v3 =	vmax.f32 v30, v33  }
0x312: {  	[tilespmem:s20+$0x4240] =	vst v38;
	vm12 =	vlt.f32 v19, v5;
	v6 =	vmax.f32 v19, v5;
	v16 =	vsel vm11, v49, v31  }
0x313: {  	[tilespmem:s20+$0x2240] =	vst v39;
	v39 =	vsel vm14, v15, v11;
	v36 =	vsel vm12, v34, v32;
	vm13 =	vlt.f32 v3, v6  }
0x314: {  	[tilespmem:s20+$0x2270] =	vst v45;
	v11 =	vsel vm14, v11, v15;
	v37 =	vmax.f32 v3, v6;
	v38 =	vsel vm13, v36, v16  }
0x315: {  	[tilespmem:s20+$0x4600] =	vst v63;
	v15 =	vmin.f32 v18, v25;
	v5 =	vmin.f32 v19, v5;
	(xrf1) =	vsort.dscd.msk.f32 $0xffff, v37, v38  }
0x316: {  	[tilespmem:s20+$0x2600] =	vst v62;
	vm5 =	vlt.f32 v14, v12;
	v3 =	vmin.f32 v3, v6;
	v16 =	vsel vm13, v16, v36  }
0x317: {  	[tilespmem:s20+$0x4610] =	vst v61;
	v49 =	vsel vm12, v32, v34;
	vm4 =	vlt.f32 v46, v5;
	(xrf1) =	vsort.dscd.msk.f32 $0xffff, v3, v16  }
0x318: {  	[tilespmem:s20+$0x2610] =	vst v60;
	v33 =	vmax.f32 v14, v12;
	v25 =	vmax.f32 v46, v5;
	v30 =	vsel vm4, v49, v47  }
0x319: {  	[tilespmem:s20+$0x4620] =	vst v59;
	vm15 =	vlt.f32 v15, v17;
	v31 =	vmax.f32 v15, v17;
	(xrf1) =	vsort.dscd.msk.f32 $0xffff, v25, v30  }
0x31a: {  	[tilespmem:s20+$0x4630] =	vst v57;
	v5 =	vmin.f32 v46, v5;
	v32 =	vsel vm15, v0, v2;
	v34 =	vsel vm4, v47, v49  }
0x31b: {  	[tilespmem:s20+$0x2630] =	vst v56;
	v36 =	vsel vm5, v22, v20;
	vm6 =	vlt.f32 v31, v33;
	(xrf1) =	vsort.dscd.msk.f32 $0xffff, v5, v34  }
0x31c: {  	[tilespmem:s20+$0x4640] =	vst v55;
	v12 =	vmin.f32 v14, v12;
	v37 =	vmax.f32 v31, v33;
	v38 =	vsel vm6, v36, v32  }
0x31d: {  	[tilespmem:s20+$0x2640] =	vst v53;
	vm7 =	vlt.f32 v40, v43;
	v45 =	vmin.f32 v15, v17;
	(xrf1) =	vsort.dscd.msk.f32 $0xffff, v37, v38  }
0x31e: {  	[tilespmem:s20+$0x4650] =	vst v54;
	v54 =	vld [tilespmem:$0x1FEF0];
	v46 =	vsel vm5, v20, v22;
	v6 =	vsel vm6, v32, v36;
	v3 =	vmin.f32 v31, v33  }
0x31f: {  	[tilespmem:s20+$0x2650] =	vst v51;
	v0 =	vsel vm15, v2, v0;
	vm8 =	vlt.f32 v45, v12;
	(xrf1) =	vsort.dscd.msk.f32 $0xffff, v3, v6  }
0x320: {  	[tilespmem:s20+$0x4660] =	vst v52;
	vm9 =	vlt.f32 v42, v44;
	v49 =	vmax.f32 v45, v12;
	v51 =	vsel vm8, v46, v0  }
0x321: {  	[tilespmem:s20+$0x2660] =	vst v50;
	v53 =	vmax.f32 v42, v44;
	v52 =	vsel vm7, v10, v27;
	(xrf1) =	vsort.dscd.msk.f32 $0xffff, v49, v51  }
0x322: {  	[tilespmem:s20+$0x4670] =	vst v48;
	v47 =	vmax.f32 v40, v43;
	v2 =	vmin.f32 v45, v12;
	v0 =	vsel vm8, v0, v46  }
0x323: {  	[tilespmem:s20+$0x2670] =	vst v54;
	v55 =	vsel vm9, v39, v35;
	vm10 =	vlt.f32 v47, v53;
	v57, v56, _ =	vpop (xrf1);
	(xrf1) =	vsort.dscd.msk.f32 $0xffff, v2, v0  }
0x324: {  	v13 =	vmin.f32 v24, v13;
	v59 =	vmax.f32 v47, v53;
	v60 =	vsel vm10, v55, v52;
	[tilespmem:s20+$0x4280] =	vst v57  }
0x325: {  	v61 =	vmin.f32 v42, v44;
	vm11 =	vlt.f32 v41, v1;
	v62, v63, _ =	vpop (xrf1);
	(xrf1) =	vsort.dscd.msk.f32 $0xffff, v59, v60;
	[tilespmem:s20+$0x2280] =	vst v56  }
0x326: {  	v10 =	vsel vm7, v27, v10;
	v22 =	vsel vm10, v52, v55;
	v3 =	vmin.f32 v47, v53;
	[tilespmem:s20+$0x4290] =	vst v62  }
0x327: {  	v21 =	vsel vm9, v35, v39;
	vm12 =	vlt.f32 v58, v61;
	v23, v24, _ =	vpop (xrf1);
	(xrf1) =	vsort.dscd.msk.f32 $0xffff, v3, v22;
	[tilespmem:s20+$0x2290] =	vst v63  }
0x328: {  	v26 =	vmax.f32 v58, v61;
	v28 =	vsel vm11, v7, v9;
	v27 =	vsel vm12, v21, v10;
	[tilespmem:s20+$0x42A0] =	vst v23  }
0x329: {  	vm13 =	vlt.f32 v4, v13;
	v31 =	vmax.f32 v4, v13;
	v29, v30, _ =	vpop (xrf1);
	(xrf1) =	vsort.dscd.msk.f32 $0xffff, v26, v27;
	[tilespmem:s20+$0x22A0] =	vst v24  }
0x32a: {  	v25 =	vmax.f32 v41, v1;
	v0 =	vmin.f32 v58, v61;
	v2 =	vsel vm12, v10, v21;
	[tilespmem:s20+$0x42B0] =	vst v29  }
0x32b: {  	v32 =	vsel vm13, v11, v8;
	vm14 =	vlt.f32 v25, v31;
	v33, v34, _ =	vpop (xrf1);
	(xrf1) =	vsort.dscd.msk.f32 $0xffff, v0, v2;
	[tilespmem:s20+$0x22B0] =	vst v30  }
0x32c: {  	v35 =	vmax.f32 v25, v31;
	v36 =	vsel vm14, v32, v28;
	[tilespmem:s20+$0x42C0] =	vst v33  }
0x32d: {  	v7 =	vsel vm11, v9, v7;
	v39 =	vmin.f32 v41, v1;
	v37, v38, _ =	vpop (xrf1);
	(xrf1) =	vsort.dscd.msk.f32 $0xffff, v35, v36;
	[tilespmem:s20+$0x22C0] =	vst v34  }
0x32e: {  	v40 =	vmin.f32 v4, v13;
	v41 =	vmin.f32 v25, v31;
	v6 =	vsel vm14, v28, v32;
	[tilespmem:s20+$0x42D0] =	vst v37  }
0x32f: {  	v42 =	vsel vm13, v8, v11;
	vm15 =	vlt.f32 v39, v40;
	v43, v44, _ =	vpop (xrf1);
	(xrf1) =	vsort.dscd.msk.f32 $0xffff, v41, v6;
	[tilespmem:s20+$0x22D0] =	vst v38  }
0x330: {  	v45 =	vmax.f32 v39, v40;
	v46 =	vsel vm15, v42, v7;
	[tilespmem:s20+$0x42E0] =	vst v43  }
0x331: {  	[tilespmem:s20+$0x22E0] =	vst v44;
	v48, v47, _ =	vpop (xrf1);
	(xrf1) =	vsort.dscd.msk.f32 $0xffff, v45, v46  }
0x332: {  	v49 =	vsel vm15, v7, v42;
	v0 =	vmin.f32 v39, v40;
	[tilespmem:s20+$0x42F0] =	vst v48  }
0x333: {  	v50, v51, _ =	vpop (xrf1);
	(xrf1) =	vsort.dscd.msk.f32 $0xffff, v0, v49;
	[tilespmem:s20+$0x22F0] =	vst v47  }
0x334: {  	[tilespmem:s20+$0x4680] =	vst v50  }
0x335: {  	v0, v1, _ =	vpop (xrf1);
	[tilespmem:s20+$0x2680] =	vst v51  }
0x336: {  	[tilespmem:s20+$0x4690] =	vst v0  }
0x337: {  	v53, v52, _ =	vpop (xrf1);
	[tilespmem:s20+$0x2690] =	vst v1  }
0x338: {  	[tilespmem:s20+$0x46A0] =	vst v53  }
0x339: {  	v55, v54, _ =	vpop (xrf1);
	[tilespmem:s20+$0x26A0] =	vst v52  }
0x33a: {  	[tilespmem:s20+$0x46B0] =	vst v55  }
0x33b: {  	v57, v56, _ =	vpop (xrf1);
	[tilespmem:s20+$0x26B0] =	vst v54  }
0x33c: {  	[tilespmem:s20+$0x46C0] =	vst v57  }
0x33d: {  	s17 =	sadd.s32 $0x4, s17;
	v59, v58, _ =	vpop (xrf1);
	[tilespmem:s20+$0x26C0] =	vst v56  }
0x33e: {  	p1 =	slt.u32 s17, $0xC;
	[tilespmem:s20+$0x46D0] =	vst v59  }
.Ltmp1:
0x33f: {  	[tilespmem:s20+$0x26D0] =	vst v58;
	v61, v60, _ =	vpop (xrf1);
	(pc) =	sbr.rel @p1 .LBB2_5-.Ltmp1, $4  }
0x340: {  	[tilespmem:s20+$0x46E0] =	vst v61  }
0x341: {  	v63, v62, _ =	vpop (xrf1);
	[tilespmem:s20+$0x26E0] =	vst v60  }
0x342: {  	[tilespmem:s20+$0x46F0] =	vst v63  }
0x343: {  	s18 =	sadd.s32 $0x200, s18;
	p0 =	por !p0, !p0;
	s19 =	sadd.s32 $0x400, s19;
	[tilespmem:s20+$0x26F0] =	vst v62  }
0x344: {  	s15 =	sshll.u32 s15, $0x9  }
0x345: {  	p0 =	sne.s32 s14, $0x20;
	s15 =	sadd.s32 s6, s15  }
.Ltmp2:
0x346: {  	s17 =	sadd.s32 $0x2100, s16;
	s18 =	sadd.s32 s2, s15;
	(pc) =	sbr.rel @p0 .LBB2_2-.Ltmp2, $4  }
0x347: {  	[hbm4b:s18+s5] =	stream.linear.scatter [tilespmem:s17], [sflag:$0x2], $0x1000, $0x38;
	[tilespmem:$0x6100] =	vst v63  }
0x348: {  	s31 =	sadd.s32 $0x4100, s16;
	s15 =	sadd.s32 s4, s15  }
0x349: {  	[hbm4b:s15+s5] =	stream.linear.scatter [tilespmem:s31], [sflag:$0x2], $0x1000, $0x38;
	[tilespmem:$0x6100] =	vst v63  }
0x34a: {  	s15 =	smov.u32 s14  }
0x34b: {  	_ =	swait.ge [sflag:s12], $0x1000  }
0x34c: {  	[sflag:s12] =	ssyncset.done $0x0  }
0x34d: {  	[sflag:s12] =	ssyncadd.s32 $0xFFFFF000  }
0x34e: {  	_ =	swait.ge [sflag:s12], $0x1000  }
0x34f: {  	[sflag:s12] =	ssyncset.done $0x0  }
0x350: {  	s13 =	sadd.s32 $0x1, s13;
	[sflag:s12] =	ssyncadd.s32 $0xFFFFF000  }
0x351: {  	p0 =	sne.s32 s13, s8;
	_ =	swait.ge [sflag:s12], $0x1000  }
.Ltmp3:
0x352: {  	[sflag:s12] =	ssyncset.done $0x0;
	(pc) =	sbr.rel @p0 .LBB2_1-.Ltmp3, $4  }
0x353: {  	[sflag:s12] =	ssyncadd.s32 $0xFFFFF000  }
0x354: {  	_ =	swait.ge [sflag:s12], $0x1000  }
0x355: {  	[sflag:s12] =	ssyncset.done $0x0  }
0x356: {  	[sflag:s12] =	ssyncadd.s32 $0xFFFFF000  }
0x357: {  	_ =	sfence.sel $0x180000  }
0x358: {  	[bflag:$0x0] =	sbarrier.arrive $0xFFFF  }
0x359: {  	p0 =	sne.s32 s3, $0x0;
	_ =	strace $0x90000047  }
0x35a: {  	s0 =	sadd.s32 @!p0 $0x100000, s0;
	[bflag:$0x2] =	sbarrier.arrive $0xFFFF  }
0x35b: {  	[sflag:s0] =	ssyncadd.tile.s32 @!p0 $0x1;
	_ =	shalt  }
.Lfunc_end2:
_tile_overlayer_lowered:
.L_overlay_start_2:
0x35c: {  	(tag) =	ssettag $0x2  }
0x35d: {  	s0 =	rddreg [dreg:$0x0];
	s2 =	stileid.u32  }
0x35e: {  	s1 =	rddreg [dreg:$0x1];
	p0 =	sne.s32 s2, $0x0  }
0x35f: {  	s3 =	rddreg [dreg:$0x2];
	[bflag:$0x3] =	sbarrier.arrive $0xFFFF;
	s2 =	simm.s32 @!p0 $0x1C03  }
0x360: {  	[timem:s3], [sflag:s2] =	dma.local @!p0 [hbm:s0], s1  }
0x361: {  	s0 =	simm.s32 @!p0 $0x3  }
0x362: {  	_ =	swait.ge @!p0 [sflag:s0], s1  }
0x363: {  	s1 =	ssub.s32 @!p0 $0x0, s1;
	[sflag:s0] =	ssyncset.done @!p0 $0x0  }
0x364: {  	[sflag:s0] =	ssyncadd.s32 @!p0 s1  }
0x365: {  	[bflag:$0x3] =	sbarrier.arrive $0xFFFF  }
0x366: {  	_ =	shalt  }

</sc_bundles>
